<compile_context>
chip_gen: v7x
topology: tpu7x:2x2x1
jax: 0.10.2.dev20260603
libtpu: 0.0.44.dev20260713+nightly
codegen_flags: <defaults>
</compile_context>

<pallas_src>
import functools

import jax
import jax.numpy as jnp
from jax import lax
from jax.experimental import pallas as pl
from jax.experimental.pallas import tpu as pltpu
from jax.experimental.pallas import tpu_sc as plsc

N = 10000
D = 128
H = 128
O = 40
NC = 2
NS = 16
NW = NC * NS
K = 96
KS = 16
NB = 12
ROWS_PER_TILE = 632
ACC_ROWS = NS * ROWS_PER_TILE
PAD_ROWS = ACC_ROWS - N
BB = 1000


def _sc_mesh():
    return plsc.VectorSubcoreMesh(core_axis_name="c", subcore_axis_name="s")


def _deg_body(nchunk, dst_hbm, out0, out1, dstb, onesb, acc, zbuf, dsem):
    cid = lax.axis_index("c")
    sid = lax.axis_index("s")
    wid = sid * NC + cid

    def fill_ones(j, _):
        onesb[j] = jnp.full((16,), 1.0, jnp.float32)
        return 0

    lax.fori_loop(0, K, fill_ones, 0)

    def fill_zeros(j, _):
        zbuf[j] = jnp.zeros((16,), jnp.float32)
        return 0

    lax.fori_loop(0, ROWS_PER_TILE, fill_zeros, 0)
    sl = pl.ds(sid * ROWS_PER_TILE, ROWS_PER_TILE)
    pltpu.sync_copy(zbuf, acc.at[sl])
    plsc.subcore_barrier()

    pltpu.sync_copy(dst_hbm.at[wid], dstb)

    def body(j, _):
        pltpu.async_copy(onesb, acc.at[dstb.at[j]], dsem, add=True)

        @pl.when(j > 0)
        def _():
            pltpu.make_async_copy(onesb, acc.at[dstb.at[0]], dsem).wait()

        return 0

    lax.fori_loop(0, nchunk, body, 0)
    pltpu.make_async_copy(onesb, acc.at[dstb.at[0]], dsem).wait()
    plsc.subcore_barrier()

    @pl.when(cid == 0)
    def _():
        pltpu.sync_copy(acc.at[sl], out0.at[sl])

    @pl.when(cid == 1)
    def _():
        pltpu.sync_copy(acc.at[sl], out1.at[sl])


def _make_deg_kernel(nchunk):
    return functools.partial(
        pl.kernel,
        out_type=(
            jax.ShapeDtypeStruct((ACC_ROWS, 16), jnp.float32),
            jax.ShapeDtypeStruct((ACC_ROWS, 16), jnp.float32),
        ),
        mesh=_sc_mesh(),
        scratch_types=[
            pltpu.VMEM((nchunk, K), jnp.int32),
            pltpu.VMEM((K, 16), jnp.float32),
            pltpu.VMEM_SHARED((ACC_ROWS, 16), jnp.float32),
            pltpu.VMEM((ROWS_PER_TILE, 16), jnp.float32),
            pltpu.SemaphoreType.DMA,
        ],
    )(functools.partial(_deg_body, nchunk))


def _mp_body(nm, hp_hbm, src_hbm, dst_hbm, out0, out1, *scr):
    srcb, dstb = scr[0], scr[1]
    rows = scr[2:2 + NB]
    acc = scr[2 + NB]
    gsem = scr[3 + NB:3 + 2 * NB]
    ssem = scr[3 + 2 * NB:3 + 3 * NB]
    cid = lax.axis_index("c")
    sid = lax.axis_index("s")
    wid = sid * NC + cid
    sl = pl.ds(sid * ROWS_PER_TILE, ROWS_PER_TILE)

    pltpu.sync_copy(hp_hbm.at[sl], acc.at[sl])
    plsc.subcore_barrier()

    pltpu.sync_copy(src_hbm.at[wid], srcb)
    pltpu.sync_copy(dst_hbm.at[wid], dstb)

    def gather(j, b):
        pltpu.async_copy(hp_hbm.at[srcb.at[pl.ds(j * KS, KS)]],
                         rows[b], gsem[b])

    def wait_gather(b):
        pltpu.make_async_copy(hp_hbm.at[srcb.at[pl.ds(0, KS)]],
                              rows[b], gsem[b]).wait()

    def scatter(j, b):
        pltpu.async_copy(rows[b], acc.at[dstb.at[pl.ds(j * KS, KS)]],
                         ssem[b], add=True)

    def wait_scatter(b):
        pltpu.make_async_copy(rows[b], acc.at[dstb.at[pl.ds(0, KS)]],
                              ssem[b]).wait()

    def step(j, b):
        wait_gather(b)
        scatter(j, b)
        bn = (b + NB - 1) % NB

        @pl.when(j + NB - 1 < nm)
        def _():
            @pl.when(j >= 1)
            def _():
                wait_scatter(bn)

            gather(j + NB - 1, bn)

    for c in range(NB - 1):
        gather(c, c)

    groups = nm // NB

    def group(t, _):
        j = NB * t
        for i in range(NB):
            step(j + i, i)
        return 0

    lax.fori_loop(0, groups, group, 0)
    for j in range(NB * groups, nm):
        step(j, j % NB)
    for b in range(NB):
        wait_scatter(b)
    plsc.subcore_barrier()

    @pl.when(cid == 0)
    def _():
        pltpu.sync_copy(acc.at[sl], out0.at[sl])

    @pl.when(cid == 1)
    def _():
        pltpu.sync_copy(acc.at[sl], out1.at[sl])


def _make_mp_kernel(nm):
    return functools.partial(
        pl.kernel,
        out_type=(
            jax.ShapeDtypeStruct((ACC_ROWS, D), jnp.float32),
            jax.ShapeDtypeStruct((ACC_ROWS, D), jnp.float32),
        ),
        mesh=_sc_mesh(),
        scratch_types=(
            [pltpu.VMEM((nm * KS,), jnp.int32),
             pltpu.VMEM((nm * KS,), jnp.int32)]
            + [pltpu.VMEM((KS, D), jnp.float32) for _ in range(NB)]
            + [pltpu.VMEM_SHARED((ACC_ROWS, D), jnp.float32)]
            + [pltpu.SemaphoreType.DMA for _ in range(2 * NB)]
        ),
    )(functools.partial(_mp_body, nm))


def _dense1_body(x_ref, c0_ref, c1_ref, w_ref, hp_ref, dinv_ref):
    cnt = c0_ref[:, 0:1] + c1_ref[:, 0:1]
    dinv = lax.rsqrt(cnt + 2.0)
    h = jnp.dot(x_ref[...], w_ref[...], preferred_element_type=jnp.float32)
    hp_ref[...] = dinv * h
    dinv_ref[...] = dinv


def _post1_body(s0_ref, s1_ref, dinv_ref, b_ref, g_ref, be_ref, w_ref,
                x1_ref, hp2_ref):
    dinv = dinv_ref[...]
    t = dinv * (s0_ref[...] + s1_ref[...]) + b_ref[...]
    mu = jnp.mean(t, axis=1, keepdims=True)
    var = jnp.mean((t - mu) ** 2, axis=1, keepdims=True)
    tn = (t - mu) * lax.rsqrt(var + 1e-5) * g_ref[...] + be_ref[...]
    x1 = jnp.maximum(tn, 0.0)
    x1_ref[...] = x1
    h2 = jnp.dot(x1, w_ref[...], preferred_element_type=jnp.float32)
    hp2_ref[...] = dinv * h2


def _post2_body(s0_ref, s1_ref, dinv_ref, b_ref, g_ref, be_ref, x1_ref,
                wc_ref, bc_ref, out_ref):
    t = dinv_ref[...] * (s0_ref[...] + s1_ref[...]) + b_ref[...]
    mu = jnp.mean(t, axis=1, keepdims=True)
    var = jnp.mean((t - mu) ** 2, axis=1, keepdims=True)
    tn = (t - mu) * lax.rsqrt(var + 1e-5) * g_ref[...] + be_ref[...]
    h = jnp.maximum(tn, 0.0) + 0.2 * x1_ref[...]
    logits = jnp.dot(h, wc_ref[...], preferred_element_type=jnp.float32)
    logits = logits + bc_ref[...]
    m = jnp.max(logits, axis=1, keepdims=True)
    lse = jnp.log(jnp.sum(jnp.exp(logits - m), axis=1, keepdims=True)) + m
    out_ref[...] = logits - lse


def _row_spec(bs):
    return pl.BlockSpec(bs, lambda i: (i, 0))


def _full_spec(bs):
    return pl.BlockSpec(bs, lambda i: (0, 0))


def kernel(x, edge_index, W1, b1, g1, be1, W2, b2, g2, be2, Wc, bc):
    E = edge_index.shape[1]
    epad = ((E + NW * K - 1) // (NW * K)) * (NW * K)
    pad_n = epad - E
    nchunk = epad // (NW * K)
    nm = epad // (NW * KS)

    ar = jnp.arange(pad_n, dtype=jnp.int32)
    src_pad = ar % jnp.int32(N)
    dst_pad = jnp.int32(N) + (ar % jnp.int32(PAD_ROWS))
    srcf = jnp.concatenate([edge_index[0], src_pad]).reshape(NW, nm * KS)
    dstf = jnp.concatenate([edge_index[1], dst_pad]).reshape(NW, nm * KS)
    dst3 = dstf.reshape(NW, nchunk, K)

    c0, c1 = _make_deg_kernel(nchunk)(dst3)

    grid = N // BB
    W1t = W1.T
    W2t = W2.T
    Wct = Wc.T
    b1r, g1r, be1r = b1.reshape(1, H), g1.reshape(1, H), be1.reshape(1, H)
    b2r, g2r, be2r = b2.reshape(1, H), g2.reshape(1, H), be2.reshape(1, H)
    bcr = bc.reshape(1, O)

    hp1, dinv = pl.pallas_call(
        _dense1_body,
        grid=(grid,),
        in_specs=[_row_spec((BB, D)), _row_spec((BB, 16)), _row_spec((BB, 16)),
                  _full_spec((D, H))],
        out_specs=[_row_spec((BB, H)), _row_spec((BB, 1))],
        out_shape=[jax.ShapeDtypeStruct((ACC_ROWS, H), jnp.float32),
                   jax.ShapeDtypeStruct((N, 1), jnp.float32)],
    )(x, c0, c1, W1t)

    s0, s1 = _make_mp_kernel(nm)(hp1, srcf, dstf)

    x1, hp2 = pl.pallas_call(
        _post1_body,
        grid=(grid,),
        in_specs=[_row_spec((BB, H)), _row_spec((BB, H)), _row_spec((BB, 1)),
                  _full_spec((1, H)), _full_spec((1, H)), _full_spec((1, H)),
                  _full_spec((H, H))],
        out_specs=[_row_spec((BB, H)), _row_spec((BB, H))],
        out_shape=[jax.ShapeDtypeStruct((N, H), jnp.float32),
                   jax.ShapeDtypeStruct((ACC_ROWS, H), jnp.float32)],
    )(s0, s1, dinv, b1r, g1r, be1r, W2t)

    t0, t1 = _make_mp_kernel(nm)(hp2, srcf, dstf)

    out = pl.pallas_call(
        _post2_body,
        grid=(grid,),
        in_specs=[_row_spec((BB, H)), _row_spec((BB, H)), _row_spec((BB, 1)),
                  _full_spec((1, H)), _full_spec((1, H)), _full_spec((1, H)),
                  _row_spec((BB, H)), _full_spec((H, O)), _full_spec((1, O))],
        out_specs=_row_spec((BB, O)),
        out_shape=jax.ShapeDtypeStruct((N, O), jnp.float32),
    )(t0, t1, dinv, b2r, g2r, be2r, x1, Wct, bcr)

    return out

# --- scband reference (transcript-rebuilt; emitter-appended) ---
"""Pipeline reference for scband-gcn-53412213293195 (READ-ONLY COPY).

The authoritative reference and input builder live on the scoring server;
editing this copy changes nothing except your own understanding.
"""

import jax, jax.numpy as jnp
import numpy as np

N = 10000
E = 320000
D = 128
H = 128
O = 40

def setup_inputs(seed: int = 0):
    key = jax.random.key(seed)
    ks = jax.random.split(key, 13)
    inp = {}
    inp["x"] = jax.random.normal(ks[0], (N, D), dtype=jnp.float32)
    inp["edge_index"] = jax.random.randint(ks[1], (2, E), 0, N, dtype=jnp.int32)
    inp["W1"] = jax.random.normal(ks[2], (H, D), dtype=jnp.float32) * 0.05
    inp["b1"] = jnp.zeros((H,), dtype=jnp.float32)
    inp["g1"] = jnp.ones((H,), dtype=jnp.float32)
    inp["be1"] = jnp.zeros((H,), dtype=jnp.float32)
    inp["W2"] = jax.random.normal(ks[3], (H, H), dtype=jnp.float32) * 0.05
    inp["b2"] = jnp.zeros((H,), dtype=jnp.float32)
    inp["g2"] = jnp.ones((H,), dtype=jnp.float32)
    inp["be2"] = jnp.zeros((H,), dtype=jnp.float32)
    inp["Wc"] = jax.random.normal(ks[4], (O, H), dtype=jnp.float32) * 0.05
    inp["bc"] = jnp.zeros((O,), dtype=jnp.float32)
    return inp

def _gcn_conv(x, src, dst, w_edge, W, b, num_nodes):
    # GCNConv with improved=True (self-loop weight 2.0 already folded into w_edge)
    deg = jnp.zeros((num_nodes,), dtype=x.dtype).at[dst].add(w_edge)
    dinv = jnp.where(deg > 0, jax.lax.rsqrt(jnp.where(deg > 0, deg, 1.0)), 0.0)
    norm = dinv[src] * w_edge * dinv[dst]
    h = x @ W.T
    out = jnp.zeros_like(h).at[dst].add(norm[:, None] * h[src])
    return out + b

def _layernorm(x, g, b, eps=1e-5):
    mu = jnp.mean(x, axis=-1, keepdims=True)
    var = jnp.mean((x - mu) ** 2, axis=-1, keepdims=True)
    return (x - mu) * jax.lax.rsqrt(var + eps) * g + b

def reference(x, edge_index, W1, b1, g1, be1, W2, b2, g2, be2, Wc, bc):
    # eval mode: dropout_edge and dropout are identity
    loop = jnp.arange(N, dtype=edge_index.dtype)
    src = jnp.concatenate([edge_index[0], loop])
    dst = jnp.concatenate([edge_index[1], loop])
    w_edge = jnp.concatenate([jnp.ones((E,), jnp.float32), jnp.full((N,), 2.0, jnp.float32)])
    h = _gcn_conv(x, src, dst, w_edge, W1, b1, N)
    h = jax.nn.relu(_layernorm(h, g1, be1))
    x1 = h
    h = _gcn_conv(x1, src, dst, w_edge, W2, b2, N)
    h = jax.nn.relu(_layernorm(h, g2, be2))
    h = h + 0.2 * x1
    logits = h @ Wc.T + bc
    return jax.nn.log_softmax(logits, axis=1)

if __name__ == "__main__":
    import jax
    _d = setup_inputs()
    print(jax.jit(kernel)(*tuple(_d.values())))

</pallas_src>

<mosaic_0001>
#map = affine_map<(d0, d1) -> (0, 0, 0)>
#map1 = affine_map<(d0, d1) -> (0, 0)>
module attributes {stable_mosaic.version = 14 : i64} {
  func.func @_deg_body(%arg0: i32, %arg1: i32, %arg2: memref<32x105x96xi32, #tpu.memory_space<hbm>>, %arg3: memref<10112x16xf32, #tpu.memory_space<hbm>>, %arg4: memref<10112x16xf32, #tpu.memory_space<hbm>>, %arg5: memref<105x96xi32, #tpu.memory_space<vmem>>, %arg6: memref<96x16xf32, #tpu.memory_space<vmem>>, %arg7: memref<10112x16xf32, #tpu.memory_space<vmem_shared>>, %arg8: memref<632x16xf32, #tpu.memory_space<vmem>>, %arg9: memref<!tpu.dma_semaphore, #tpu.memory_space<semaphore_mem>>) attributes {dimension_semantics = [#tpu.dimension_semantics<core_parallel>, #tpu.dimension_semantics<subcore_parallel>], iteration_bounds = array<i64: 2, 16>, scalar_prefetch = 0 : i64, scratch_operands = 5 : i64, tpu.core_type = #tpu.core_type<sc_vector_subcore>, window_params = [{transform_indices = #map}, {transform_indices = #map1}, {transform_indices = #map1}]} {
    %mul3A = arith.constant 2 : i32
    %mul3A_0 = arith.muli %arg1, %mul3A : i32
    %add3A = arith.addi %mul3A_0, %arg0 : i32
    %scan3A = arith.constant 0 : i32
    %scan3A_1 = arith.constant 0 : i32
    %scan3A_2 = arith.constant 96 : i32
    %scan3A_3 = arith.addi %scan3A_1, %scan3A_2 : i32
    %scan3A_4 = arith.constant 1 : i32
    %scan3A_5 = scf.for %scan3A_37 = %scan3A_1 to %scan3A_3 step %scan3A_4 iter_args(%scan3A_38 = %scan3A) -> (i32)  : i32 {
      %broadcast_in_dim3A = arith.constant 1.000000e+00 : f32
      %broadcast_in_dim3A_39 = vector.broadcast %broadcast_in_dim3A : f32 to vector<16xf32>
      %swap3A = arith.index_cast %scan3A_37 : i32 to index
      %swap3A_40 = arith.constant 0 : index
      %swap3A_41 = tpu.vector_load %arg6[%swap3A, %swap3A_40] {strides = array<i32>} : memref<96x16xf32, #tpu.memory_space<vmem>>, vector<1x16xf32>,
      %swap3A_42 = vector.shape_cast %swap3A_41 : vector<1x16xf32> to vector<16xf32>
      %swap3A_43 = vector.shape_cast %broadcast_in_dim3A_39 : vector<16xf32> to vector<1x16xf32>
      tpu.vector_store %arg6[%swap3A, %swap3A_40], %swap3A_43 {strides = array<i32>} : memref<96x16xf32, #tpu.memory_space<vmem>>, vector<1x16xf32>,
      %scan3A_44 = arith.constant 0 : i32
      scf.yield %scan3A_44 : i32
    }
    %scan3A_6 = arith.constant 96 : i32
    %scan3A_7 = arith.constant 0 : i32
    %scan3A_8 = arith.constant 0 : i32
    %scan3A_9 = arith.constant 632 : i32
    %scan3A_10 = arith.addi %scan3A_8, %scan3A_9 : i32
    %scan3A_11 = arith.constant 1 : i32
    %scan3A_12 = scf.for %scan3A_37 = %scan3A_8 to %scan3A_10 step %scan3A_11 iter_args(%scan3A_38 = %scan3A_7) -> (i32)  : i32 {
      %broadcast_in_dim3A = arith.constant 0.000000e+00 : f32
      %broadcast_in_dim3A_39 = vector.broadcast %broadcast_in_dim3A : f32 to vector<16xf32>
      %swap3A = arith.index_cast %scan3A_37 : i32 to index
      %swap3A_40 = arith.constant 0 : index
      %swap3A_41 = tpu.vector_load %arg8[%swap3A, %swap3A_40] {strides = array<i32>} : memref<632x16xf32, #tpu.memory_space<vmem>>, vector<1x16xf32>,
      %swap3A_42 = vector.shape_cast %swap3A_41 : vector<1x16xf32> to vector<16xf32>
      %swap3A_43 = vector.shape_cast %broadcast_in_dim3A_39 : vector<16xf32> to vector<1x16xf32>
      tpu.vector_store %arg8[%swap3A, %swap3A_40], %swap3A_43 {strides = array<i32>} : memref<632x16xf32, #tpu.memory_space<vmem>>, vector<1x16xf32>,
      %scan3A_44 = arith.constant 0 : i32
      scf.yield %scan3A_44 : i32
    }
    %scan3A_13 = arith.constant 632 : i32
    %mul3A_14 = arith.constant 632 : i32
    %mul3A_15 = arith.muli %arg1, %mul3A_14 : i32
    "tpu.region"() ({
      %run_scoped3A = tpu.sem_alloc : memref<!tpu.dma_semaphore, #tpu.memory_space<semaphore_mem>>
      %dma_start3A = arith.constant 0 : i32
      %dma_start3A_37 = tpu.memref_slice %arg7[%mul3A_15, %dma_start3A] : memref<10112x16xf32, #tpu.memory_space<vmem_shared>> -> memref<632x16xf32, #tpu.memory_space<vmem_shared>>
      %dma_start3A_38 = arith.constant 0 : i32
      %dma_start3A_39 = tpu.memref_slice %arg7[%mul3A_15, %dma_start3A_38] : memref<10112x16xf32, #tpu.memory_space<vmem_shared>> -> memref<632x16xf32, #tpu.memory_space<vmem_shared>>
      tpu.enqueue_dma source(%arg8 : memref<632x16xf32, #tpu.memory_space<vmem>>) target(%dma_start3A_39 : memref<632x16xf32, #tpu.memory_space<vmem_shared>>) target_semaphore(%run_scoped3A : memref<!tpu.dma_semaphore, #tpu.memory_space<semaphore_mem>>)
      %dma_wait3A_40 = arith.constant 0 : i32
      %dma_wait3A_41 = tpu.memref_slice %arg7[%mul3A_15, %dma_wait3A_40] : memref<10112x16xf32, #tpu.memory_space<vmem_shared>> -> memref<632x16xf32, #tpu.memory_space<vmem_shared>>
      %dma_wait3A_42 = arith.constant 0 : i32
      %dma_wait3A_43 = tpu.memref_slice %arg7[%mul3A_15, %dma_wait3A_42] : memref<10112x16xf32, #tpu.memory_space<vmem_shared>> -> memref<632x16xf32, #tpu.memory_space<vmem_shared>>
      tpu.wait_dma2 semaphore(%run_scoped3A : memref<!tpu.dma_semaphore, #tpu.memory_space<semaphore_mem>>) src(%arg8 : memref<632x16xf32, #tpu.memory_space<vmem>>) dst(%dma_wait3A_43 : memref<632x16xf32, #tpu.memory_space<vmem_shared>>)
      tpu.yield
    }) : () -> ()
    %barrier3A = arith.constant 0 : index
    tpu.barrier barrier_id(%barrier3A)
    "tpu.region"() ({
      %run_scoped3A = tpu.sem_alloc : memref<!tpu.dma_semaphore, #tpu.memory_space<semaphore_mem>>
      %dma_start3A = arith.constant 0 : i32
      %dma_start3A_37 = arith.constant 0 : i32
      %dma_start3A_38 = tpu.memref_slice %arg2[%add3A, %dma_start3A, %dma_start3A_37] : memref<32x105x96xi32, #tpu.memory_space<hbm>> -> memref<1x105x96xi32, #tpu.memory_space<hbm>>
      %dma_start3A_39 = tpu.memref_squeeze %dma_start3A_38 : memref<1x105x96xi32, #tpu.memory_space<hbm>> -> memref<105x96xi32, #tpu.memory_space<hbm>>
      %dma_start3A_40 = arith.constant 0 : i32
      %dma_start3A_41 = arith.constant 0 : i32
      %dma_start3A_42 = tpu.memref_slice %arg2[%add3A, %dma_start3A_40, %dma_start3A_41] : memref<32x105x96xi32, #tpu.memory_space<hbm>> -> memref<1x105x96xi32, #tpu.memory_space<hbm>>
      %dma_start3A_43 = tpu.memref_squeeze %dma_start3A_42 : memref<1x105x96xi32, #tpu.memory_space<hbm>> -> memref<105x96xi32, #tpu.memory_space<hbm>>
      tpu.enqueue_dma source(%dma_start3A_43 : memref<105x96xi32, #tpu.memory_space<hbm>>) target(%arg5 : memref<105x96xi32, #tpu.memory_space<vmem>>) target_semaphore(%run_scoped3A : memref<!tpu.dma_semaphore, #tpu.memory_space<semaphore_mem>>)
      %dma_wait3A_44 = arith.constant 0 : i32
      %dma_wait3A_45 = arith.constant 0 : i32
      %dma_wait3A_46 = tpu.memref_slice %arg2[%add3A, %dma_wait3A_44, %dma_wait3A_45] : memref<32x105x96xi32, #tpu.memory_space<hbm>> -> memref<1x105x96xi32, #tpu.memory_space<hbm>>
      %dma_wait3A_47 = tpu.memref_squeeze %dma_wait3A_46 : memref<1x105x96xi32, #tpu.memory_space<hbm>> -> memref<105x96xi32, #tpu.memory_space<hbm>>
      %dma_wait3A_48 = arith.constant 0 : i32
      %dma_wait3A_49 = arith.constant 0 : i32
      %dma_wait3A_50 = tpu.memref_slice %arg2[%add3A, %dma_wait3A_48, %dma_wait3A_49] : memref<32x105x96xi32, #tpu.memory_space<hbm>> -> memref<1x105x96xi32, #tpu.memory_space<hbm>>
      %dma_wait3A_51 = tpu.memref_squeeze %dma_wait3A_50 : memref<1x105x96xi32, #tpu.memory_space<hbm>> -> memref<105x96xi32, #tpu.memory_space<hbm>>
      tpu.wait_dma2 semaphore(%run_scoped3A : memref<!tpu.dma_semaphore, #tpu.memory_space<semaphore_mem>>) src(%dma_wait3A_51 : memref<105x96xi32, #tpu.memory_space<hbm>>) dst(%arg5 : memref<105x96xi32, #tpu.memory_space<vmem>>)
      tpu.yield
    }) : () -> ()
    %scan3A_16 = arith.constant 0 : i32
    %scan3A_17 = arith.constant 0 : i32
    %scan3A_18 = arith.constant 105 : i32
    %scan3A_19 = arith.addi %scan3A_17, %scan3A_18 : i32
    %scan3A_20 = arith.constant 1 : i32
    %scan3A_21 = scf.for %scan3A_37 = %scan3A_17 to %scan3A_19 step %scan3A_20 iter_args(%scan3A_38 = %scan3A_16) -> (i32)  : i32 {
      %dma_start3A = arith.constant 0 : i32
      %dma_start3A_39 = tpu.memref_slice %arg5[%scan3A_37, %dma_start3A] : memref<105x96xi32, #tpu.memory_space<vmem>> -> memref<1x96xi32, #tpu.memory_space<vmem>>
      %dma_start3A_40 = tpu.memref_squeeze %dma_start3A_39 : memref<1x96xi32, #tpu.memory_space<vmem>> -> memref<96xi32, #tpu.memory_space<vmem>>
      %dma_start3A_41 = arith.constant 0 : i32
      %dma_start3A_42 = arith.constant 0 : i32
      %dma_start3A_43 = tpu.memref_slice %arg7[%dma_start3A_41, %dma_start3A_42] : memref<10112x16xf32, #tpu.memory_space<vmem_shared>> -> memref<10112x16xf32, #tpu.memory_space<vmem_shared>>
      tpu.enqueue_indirect_dma source(%arg6 : memref<96x16xf32, #tpu.memory_space<vmem>>) target(%dma_start3A_43 : memref<10112x16xf32, #tpu.memory_space<vmem_shared>>) offsets(%dma_start3A_40 : memref<96xi32, #tpu.memory_space<vmem>>) semaphore(%arg9 : memref<!tpu.dma_semaphore, #tpu.memory_space<semaphore_mem>>) {add = true}
      %gt3A = arith.constant 0 : i32
      %gt3A_44 = arith.cmpi sgt, %scan3A_37, %gt3A : i32
      %convert_element_type3A_45 = arith.extui %gt3A_44 : i1 to i32
      %cond3A_46 = arith.constant 0 : i32
      %cond3A_47 = arith.cmpi ne, %convert_element_type3A_45, %cond3A_46 : i32
      scf.if %cond3A_47 {
        %dma_wait3A_49 = arith.constant 0 : i32
        %dma_wait3A_50 = arith.constant 0 : i32
        %dma_wait3A_51 = tpu.memref_slice %arg5[%dma_wait3A_49, %dma_wait3A_50] : memref<105x96xi32, #tpu.memory_space<vmem>> -> memref<1x96xi32, #tpu.memory_space<vmem>>
        %dma_wait3A_52 = tpu.memref_squeeze %dma_wait3A_51 : memref<1x96xi32, #tpu.memory_space<vmem>> -> memref<96xi32, #tpu.memory_space<vmem>>
        %dma_wait3A_53 = arith.constant 0 : i32
        %dma_wait3A_54 = arith.constant 0 : i32
        %dma_wait3A_55 = tpu.memref_slice %arg7[%dma_wait3A_53, %dma_wait3A_54] : memref<10112x16xf32, #tpu.memory_space<vmem_shared>> -> memref<10112x16xf32, #tpu.memory_space<vmem_shared>>
        tpu.wait_indirect_dma semaphore(%arg9 : memref<!tpu.dma_semaphore, #tpu.memory_space<semaphore_mem>>) src(%arg6 : memref<96x16xf32, #tpu.memory_space<vmem>>) dst(%dma_wait3A_55 : memref<10112x16xf32, #tpu.memory_space<vmem_shared>>)
      } else {
      }
      %scan3A_48 = arith.constant 0 : i32
      scf.yield %scan3A_48 : i32
    }
    %scan3A_22 = arith.constant 105 : i32
    %dma_wait3A = arith.constant 0 : i32
    %dma_wait3A_23 = arith.constant 0 : i32
    %dma_wait3A_24 = tpu.memref_slice %arg5[%dma_wait3A, %dma_wait3A_23] : memref<105x96xi32, #tpu.memory_space<vmem>> -> memref<1x96xi32, #tpu.memory_space<vmem>>
    %dma_wait3A_25 = tpu.memref_squeeze %dma_wait3A_24 : memref<1x96xi32, #tpu.memory_space<vmem>> -> memref<96xi32, #tpu.memory_space<vmem>>
    %dma_wait3A_26 = arith.constant 0 : i32
    %dma_wait3A_27 = arith.constant 0 : i32
    %dma_wait3A_28 = tpu.memref_slice %arg7[%dma_wait3A_26, %dma_wait3A_27] : memref<10112x16xf32, #tpu.memory_space<vmem_shared>> -> memref<10112x16xf32, #tpu.memory_space<vmem_shared>>
    tpu.wait_indirect_dma semaphore(%arg9 : memref<!tpu.dma_semaphore, #tpu.memory_space<semaphore_mem>>) src(%arg6 : memref<96x16xf32, #tpu.memory_space<vmem>>) dst(%dma_wait3A_28 : memref<10112x16xf32, #tpu.memory_space<vmem_shared>>)
    %barrier3A_29 = arith.constant 0 : index
    tpu.barrier barrier_id(%barrier3A_29)
    %eq3A = arith.constant 0 : i32
    %eq3A_30 = arith.cmpi eq, %arg0, %eq3A : i32
    %convert_element_type3A = arith.extui %eq3A_30 : i1 to i32
    %cond3A = arith.constant 0 : i32
    %cond3A_31 = arith.cmpi ne, %convert_element_type3A, %cond3A : i32
    scf.if %cond3A_31 {
      "tpu.region"() ({
        %run_scoped3A = tpu.sem_alloc : memref<!tpu.dma_semaphore, #tpu.memory_space<semaphore_mem>>
        %dma_start3A = arith.constant 0 : i32
        %dma_start3A_37 = tpu.memref_slice %arg3[%mul3A_15, %dma_start3A] : memref<10112x16xf32, #tpu.memory_space<hbm>> -> memref<632x16xf32, #tpu.memory_space<hbm>>
        %dma_start3A_38 = arith.constant 0 : i32
        %dma_start3A_39 = tpu.memref_slice %arg7[%mul3A_15, %dma_start3A_38] : memref<10112x16xf32, #tpu.memory_space<vmem_shared>> -> memref<632x16xf32, #tpu.memory_space<vmem_shared>>
        tpu.enqueue_dma source(%dma_start3A_39 : memref<632x16xf32, #tpu.memory_space<vmem_shared>>) target(%dma_start3A_37 : memref<632x16xf32, #tpu.memory_space<hbm>>) target_semaphore(%run_scoped3A : memref<!tpu.dma_semaphore, #tpu.memory_space<semaphore_mem>>)
        %dma_wait3A_40 = arith.constant 0 : i32
        %dma_wait3A_41 = tpu.memref_slice %arg3[%mul3A_15, %dma_wait3A_40] : memref<10112x16xf32, #tpu.memory_space<hbm>> -> memref<632x16xf32, #tpu.memory_space<hbm>>
        %dma_wait3A_42 = arith.constant 0 : i32
        %dma_wait3A_43 = tpu.memref_slice %arg7[%mul3A_15, %dma_wait3A_42] : memref<10112x16xf32, #tpu.memory_space<vmem_shared>> -> memref<632x16xf32, #tpu.memory_space<vmem_shared>>
        tpu.wait_dma2 semaphore(%run_scoped3A : memref<!tpu.dma_semaphore, #tpu.memory_space<semaphore_mem>>) src(%dma_wait3A_43 : memref<632x16xf32, #tpu.memory_space<vmem_shared>>) dst(%dma_wait3A_41 : memref<632x16xf32, #tpu.memory_space<hbm>>)
        tpu.yield
      }) : () -> ()
    } else {
    }
    %eq3A_32 = arith.constant 1 : i32
    %eq3A_33 = arith.cmpi eq, %arg0, %eq3A_32 : i32
    %convert_element_type3A_34 = arith.extui %eq3A_33 : i1 to i32
    %cond3A_35 = arith.constant 0 : i32
    %cond3A_36 = arith.cmpi ne, %convert_element_type3A_34, %cond3A_35 : i32
    scf.if %cond3A_36 {
      "tpu.region"() ({
        %run_scoped3A = tpu.sem_alloc : memref<!tpu.dma_semaphore, #tpu.memory_space<semaphore_mem>>
        %dma_start3A = arith.constant 0 : i32
        %dma_start3A_37 = tpu.memref_slice %arg4[%mul3A_15, %dma_start3A] : memref<10112x16xf32, #tpu.memory_space<hbm>> -> memref<632x16xf32, #tpu.memory_space<hbm>>
        %dma_start3A_38 = arith.constant 0 : i32
        %dma_start3A_39 = tpu.memref_slice %arg7[%mul3A_15, %dma_start3A_38] : memref<10112x16xf32, #tpu.memory_space<vmem_shared>> -> memref<632x16xf32, #tpu.memory_space<vmem_shared>>
        tpu.enqueue_dma source(%dma_start3A_39 : memref<632x16xf32, #tpu.memory_space<vmem_shared>>) target(%dma_start3A_37 : memref<632x16xf32, #tpu.memory_space<hbm>>) target_semaphore(%run_scoped3A : memref<!tpu.dma_semaphore, #tpu.memory_space<semaphore_mem>>)
        %dma_wait3A_40 = arith.constant 0 : i32
        %dma_wait3A_41 = tpu.memref_slice %arg4[%mul3A_15, %dma_wait3A_40] : memref<10112x16xf32, #tpu.memory_space<hbm>> -> memref<632x16xf32, #tpu.memory_space<hbm>>
        %dma_wait3A_42 = arith.constant 0 : i32
        %dma_wait3A_43 = tpu.memref_slice %arg7[%mul3A_15, %dma_wait3A_42] : memref<10112x16xf32, #tpu.memory_space<vmem_shared>> -> memref<632x16xf32, #tpu.memory_space<vmem_shared>>
        tpu.wait_dma2 semaphore(%run_scoped3A : memref<!tpu.dma_semaphore, #tpu.memory_space<semaphore_mem>>) src(%dma_wait3A_43 : memref<632x16xf32, #tpu.memory_space<vmem_shared>>) dst(%dma_wait3A_41 : memref<632x16xf32, #tpu.memory_space<hbm>>)
        tpu.yield
      }) : () -> ()
    } else {
    }
    return
  }
}

#map = affine_map<(d0, d1) -> (0, 0)>
module attributes {stable_mosaic.version = 14 : i64} {
  func.func @_mp_body(%arg0: i32, %arg1: i32, %arg2: memref<10112x128xf32, #tpu.memory_space<hbm>>, %arg3: memref<32x10080xi32, #tpu.memory_space<hbm>>, %arg4: memref<32x10080xi32, #tpu.memory_space<hbm>>, %arg5: memref<10112x128xf32, #tpu.memory_space<hbm>>, %arg6: memref<10112x128xf32, #tpu.memory_space<hbm>>, %arg7: memref<10080xi32, #tpu.memory_space<vmem>>, %arg8: memref<10080xi32, #tpu.memory_space<vmem>>, %arg9: memref<16x128xf32, #tpu.memory_space<vmem>>, %arg10: memref<16x128xf32, #tpu.memory_space<vmem>>, %arg11: memref<16x128xf32, #tpu.memory_space<vmem>>, %arg12: memref<16x128xf32, #tpu.memory_space<vmem>>, %arg13: memref<16x128xf32, #tpu.memory_space<vmem>>, %arg14: memref<16x128xf32, #tpu.memory_space<vmem>>, %arg15: memref<16x128xf32, #tpu.memory_space<vmem>>, %arg16: memref<16x128xf32, #tpu.memory_space<vmem>>, %arg17: memref<16x128xf32, #tpu.memory_space<vmem>>, %arg18: memref<16x128xf32, #tpu.memory_space<vmem>>, %arg19: memref<16x128xf32, #tpu.memory_space<vmem>>, %arg20: memref<16x128xf32, #tpu.memory_space<vmem>>, %arg21: memref<10112x128xf32, #tpu.memory_space<vmem_shared>>, %arg22: memref<!tpu.dma_semaphore, #tpu.memory_space<semaphore_mem>>, %arg23: memref<!tpu.dma_semaphore, #tpu.memory_space<semaphore_mem>>, %arg24: memref<!tpu.dma_semaphore, #tpu.memory_space<semaphore_mem>>, %arg25: memref<!tpu.dma_semaphore, #tpu.memory_space<semaphore_mem>>, %arg26: memref<!tpu.dma_semaphore, #tpu.memory_space<semaphore_mem>>, %arg27: memref<!tpu.dma_semaphore, #tpu.memory_space<semaphore_mem>>, %arg28: memref<!tpu.dma_semaphore, #tpu.memory_space<semaphore_mem>>, %arg29: memref<!tpu.dma_semaphore, #tpu.memory_space<semaphore_mem>>, %arg30: memref<!tpu.dma_semaphore, #tpu.memory_space<semaphore_mem>>, %arg31: memref<!tpu.dma_semaphore, #tpu.memory_space<semaphore_mem>>, %arg32: memref<!tpu.dma_semaphore, #tpu.memory_space<semaphore_mem>>, %arg33: memref<!tpu.dma_semaphore, #tpu.memory_space<semaphore_mem>>, %arg34: memref<!tpu.dma_semaphore, #tpu.memory_space<semaphore_mem>>, %arg35: memref<!tpu.dma_semaphore, #tpu.memory_space<semaphore_mem>>, %arg36: memref<!tpu.dma_semaphore, #tpu.memory_space<semaphore_mem>>, %arg37: memref<!tpu.dma_semaphore, #tpu.memory_space<semaphore_mem>>, %arg38: memref<!tpu.dma_semaphore, #tpu.memory_space<semaphore_mem>>, %arg39: memref<!tpu.dma_semaphore, #tpu.memory_space<semaphore_mem>>, %arg40: memref<!tpu.dma_semaphore, #tpu.memory_space<semaphore_mem>>, %arg41: memref<!tpu.dma_semaphore, #tpu.memory_space<semaphore_mem>>, %arg42: memref<!tpu.dma_semaphore, #tpu.memory_space<semaphore_mem>>, %arg43: memref<!tpu.dma_semaphore, #tpu.memory_space<semaphore_mem>>, %arg44: memref<!tpu.dma_semaphore, #tpu.memory_space<semaphore_mem>>, %arg45: memref<!tpu.dma_semaphore, #tpu.memory_space<semaphore_mem>>) attributes {dimension_semantics = [#tpu.dimension_semantics<core_parallel>, #tpu.dimension_semantics<subcore_parallel>], iteration_bounds = array<i64: 2, 16>, scalar_prefetch = 0 : i64, scratch_operands = 39 : i64, tpu.core_type = #tpu.core_type<sc_vector_subcore>, window_params = [{transform_indices = #map}, {transform_indices = #map}, {transform_indices = #map}, {transform_indices = #map}, {transform_indices = #map}]} {
    %mul3A = arith.constant 2 : i32
    %mul3A_0 = arith.muli %arg1, %mul3A : i32
    %add3A = arith.addi %mul3A_0, %arg0 : i32
    %mul3A_1 = arith.constant 632 : i32
    %mul3A_2 = arith.muli %arg1, %mul3A_1 : i32
    "tpu.region"() ({
      %run_scoped3A = tpu.sem_alloc : memref<!tpu.dma_semaphore, #tpu.memory_space<semaphore_mem>>
      %dma_start3A_190 = arith.constant 0 : i32
      %dma_start3A_191 = tpu.memref_slice %arg21[%mul3A_2, %dma_start3A_190] : memref<10112x128xf32, #tpu.memory_space<vmem_shared>> -> memref<632x128xf32, #tpu.memory_space<vmem_shared>>
      %dma_start3A_192 = arith.constant 0 : i32
      %dma_start3A_193 = tpu.memref_slice %arg2[%mul3A_2, %dma_start3A_192] : memref<10112x128xf32, #tpu.memory_space<hbm>> -> memref<632x128xf32, #tpu.memory_space<hbm>>
      tpu.enqueue_dma source(%dma_start3A_193 : memref<632x128xf32, #tpu.memory_space<hbm>>) target(%dma_start3A_191 : memref<632x128xf32, #tpu.memory_space<vmem_shared>>) target_semaphore(%run_scoped3A : memref<!tpu.dma_semaphore, #tpu.memory_space<semaphore_mem>>)
      %dma_wait3A_194 = arith.constant 0 : i32
      %dma_wait3A_195 = tpu.memref_slice %arg21[%mul3A_2, %dma_wait3A_194] : memref<10112x128xf32, #tpu.memory_space<vmem_shared>> -> memref<632x128xf32, #tpu.memory_space<vmem_shared>>
      %dma_wait3A_196 = arith.constant 0 : i32
      %dma_wait3A_197 = tpu.memref_slice %arg2[%mul3A_2, %dma_wait3A_196] : memref<10112x128xf32, #tpu.memory_space<hbm>> -> memref<632x128xf32, #tpu.memory_space<hbm>>
      tpu.wait_dma2 semaphore(%run_scoped3A : memref<!tpu.dma_semaphore, #tpu.memory_space<semaphore_mem>>) src(%dma_wait3A_197 : memref<632x128xf32, #tpu.memory_space<hbm>>) dst(%dma_wait3A_195 : memref<632x128xf32, #tpu.memory_space<vmem_shared>>)
      tpu.yield
    }) : () -> ()
    %barrier3A = arith.constant 0 : index
    tpu.barrier barrier_id(%barrier3A)
    "tpu.region"() ({
      %run_scoped3A = tpu.sem_alloc : memref<!tpu.dma_semaphore, #tpu.memory_space<semaphore_mem>>
      %dma_start3A_190 = arith.constant 0 : i32
      %dma_start3A_191 = tpu.memref_slice %arg3[%add3A, %dma_start3A_190] : memref<32x10080xi32, #tpu.memory_space<hbm>> -> memref<1x10080xi32, #tpu.memory_space<hbm>>
      %dma_start3A_192 = tpu.memref_squeeze %dma_start3A_191 : memref<1x10080xi32, #tpu.memory_space<hbm>> -> memref<10080xi32, #tpu.memory_space<hbm>>
      %dma_start3A_193 = arith.constant 0 : i32
      %dma_start3A_194 = tpu.memref_slice %arg3[%add3A, %dma_start3A_193] : memref<32x10080xi32, #tpu.memory_space<hbm>> -> memref<1x10080xi32, #tpu.memory_space<hbm>>
      %dma_start3A_195 = tpu.memref_squeeze %dma_start3A_194 : memref<1x10080xi32, #tpu.memory_space<hbm>> -> memref<10080xi32, #tpu.memory_space<hbm>>
      tpu.enqueue_dma source(%dma_start3A_195 : memref<10080xi32, #tpu.memory_space<hbm>>) target(%arg7 : memref<10080xi32, #tpu.memory_space<vmem>>) target_semaphore(%run_scoped3A : memref<!tpu.dma_semaphore, #tpu.memory_space<semaphore_mem>>)
      %dma_wait3A_196 = arith.constant 0 : i32
      %dma_wait3A_197 = tpu.memref_slice %arg3[%add3A, %dma_wait3A_196] : memref<32x10080xi32, #tpu.memory_space<hbm>> -> memref<1x10080xi32, #tpu.memory_space<hbm>>
      %dma_wait3A_198 = tpu.memref_squeeze %dma_wait3A_197 : memref<1x10080xi32, #tpu.memory_space<hbm>> -> memref<10080xi32, #tpu.memory_space<hbm>>
      %dma_wait3A_199 = arith.constant 0 : i32
      %dma_wait3A_200 = tpu.memref_slice %arg3[%add3A, %dma_wait3A_199] : memref<32x10080xi32, #tpu.memory_space<hbm>> -> memref<1x10080xi32, #tpu.memory_space<hbm>>
      %dma_wait3A_201 = tpu.memref_squeeze %dma_wait3A_200 : memref<1x10080xi32, #tpu.memory_space<hbm>> -> memref<10080xi32, #tpu.memory_space<hbm>>
      tpu.wait_dma2 semaphore(%run_scoped3A : memref<!tpu.dma_semaphore, #tpu.memory_space<semaphore_mem>>) src(%dma_wait3A_201 : memref<10080xi32, #tpu.memory_space<hbm>>) dst(%arg7 : memref<10080xi32, #tpu.memory_space<vmem>>)
      tpu.yield
    }) : () -> ()
    "tpu.region"() ({
      %run_scoped3A = tpu.sem_alloc : memref<!tpu.dma_semaphore, #tpu.memory_space<semaphore_mem>>
      %dma_start3A_190 = arith.constant 0 : i32
      %dma_start3A_191 = tpu.memref_slice %arg4[%add3A, %dma_start3A_190] : memref<32x10080xi32, #tpu.memory_space<hbm>> -> memref<1x10080xi32, #tpu.memory_space<hbm>>
      %dma_start3A_192 = tpu.memref_squeeze %dma_start3A_191 : memref<1x10080xi32, #tpu.memory_space<hbm>> -> memref<10080xi32, #tpu.memory_space<hbm>>
      %dma_start3A_193 = arith.constant 0 : i32
      %dma_start3A_194 = tpu.memref_slice %arg4[%add3A, %dma_start3A_193] : memref<32x10080xi32, #tpu.memory_space<hbm>> -> memref<1x10080xi32, #tpu.memory_space<hbm>>
      %dma_start3A_195 = tpu.memref_squeeze %dma_start3A_194 : memref<1x10080xi32, #tpu.memory_space<hbm>> -> memref<10080xi32, #tpu.memory_space<hbm>>
      tpu.enqueue_dma source(%dma_start3A_195 : memref<10080xi32, #tpu.memory_space<hbm>>) target(%arg8 : memref<10080xi32, #tpu.memory_space<vmem>>) target_semaphore(%run_scoped3A : memref<!tpu.dma_semaphore, #tpu.memory_space<semaphore_mem>>)
      %dma_wait3A_196 = arith.constant 0 : i32
      %dma_wait3A_197 = tpu.memref_slice %arg4[%add3A, %dma_wait3A_196] : memref<32x10080xi32, #tpu.memory_space<hbm>> -> memref<1x10080xi32, #tpu.memory_space<hbm>>
      %dma_wait3A_198 = tpu.memref_squeeze %dma_wait3A_197 : memref<1x10080xi32, #tpu.memory_space<hbm>> -> memref<10080xi32, #tpu.memory_space<hbm>>
      %dma_wait3A_199 = arith.constant 0 : i32
      %dma_wait3A_200 = tpu.memref_slice %arg4[%add3A, %dma_wait3A_199] : memref<32x10080xi32, #tpu.memory_space<hbm>> -> memref<1x10080xi32, #tpu.memory_space<hbm>>
      %dma_wait3A_201 = tpu.memref_squeeze %dma_wait3A_200 : memref<1x10080xi32, #tpu.memory_space<hbm>> -> memref<10080xi32, #tpu.memory_space<hbm>>
      tpu.wait_dma2 semaphore(%run_scoped3A : memref<!tpu.dma_semaphore, #tpu.memory_space<semaphore_mem>>) src(%dma_wait3A_201 : memref<10080xi32, #tpu.memory_space<hbm>>) dst(%arg8 : memref<10080xi32, #tpu.memory_space<vmem>>)
      tpu.yield
    }) : () -> ()
    %dma_start3A = arith.constant 0 : i32
    %dma_start3A_3 = tpu.memref_slice %arg7[%dma_start3A] : memref<10080xi32, #tpu.memory_space<vmem>> -> memref<16xi32, #tpu.memory_space<vmem>>
    %dma_start3A_4 = arith.constant 0 : i32
    %dma_start3A_5 = arith.constant 0 : i32
    %dma_start3A_6 = tpu.memref_slice %arg2[%dma_start3A_4, %dma_start3A_5] : memref<10112x128xf32, #tpu.memory_space<hbm>> -> memref<10112x128xf32, #tpu.memory_space<hbm>>
    tpu.enqueue_indirect_dma source(%dma_start3A_6 : memref<10112x128xf32, #tpu.memory_space<hbm>>) target(%arg9 : memref<16x128xf32, #tpu.memory_space<vmem>>) offsets(%dma_start3A_3 : memref<16xi32, #tpu.memory_space<vmem>>) semaphore(%arg22 : memref<!tpu.dma_semaphore, #tpu.memory_space<semaphore_mem>>)
    %dma_start3A_7 = arith.constant 16 : i32
    %dma_start3A_8 = tpu.memref_slice %arg7[%dma_start3A_7] : memref<10080xi32, #tpu.memory_space<vmem>> -> memref<16xi32, #tpu.memory_space<vmem>>
    %dma_start3A_9 = arith.constant 0 : i32
    %dma_start3A_10 = arith.constant 0 : i32
    %dma_start3A_11 = tpu.memref_slice %arg2[%dma_start3A_9, %dma_start3A_10] : memref<10112x128xf32, #tpu.memory_space<hbm>> -> memref<10112x128xf32, #tpu.memory_space<hbm>>
    tpu.enqueue_indirect_dma source(%dma_start3A_11 : memref<10112x128xf32, #tpu.memory_space<hbm>>) target(%arg10 : memref<16x128xf32, #tpu.memory_space<vmem>>) offsets(%dma_start3A_8 : memref<16xi32, #tpu.memory_space<vmem>>) semaphore(%arg23 : memref<!tpu.dma_semaphore, #tpu.memory_space<semaphore_mem>>)
    %dma_start3A_12 = arith.constant 32 : i32
    %dma_start3A_13 = tpu.memref_slice %arg7[%dma_start3A_12] : memref<10080xi32, #tpu.memory_space<vmem>> -> memref<16xi32, #tpu.memory_space<vmem>>
    %dma_start3A_14 = arith.constant 0 : i32
    %dma_start3A_15 = arith.constant 0 : i32
    %dma_start3A_16 = tpu.memref_slice %arg2[%dma_start3A_14, %dma_start3A_15] : memref<10112x128xf32, #tpu.memory_space<hbm>> -> memref<10112x128xf32, #tpu.memory_space<hbm>>
    tpu.enqueue_indirect_dma source(%dma_start3A_16 : memref<10112x128xf32, #tpu.memory_space<hbm>>) target(%arg11 : memref<16x128xf32, #tpu.memory_space<vmem>>) offsets(%dma_start3A_13 : memref<16xi32, #tpu.memory_space<vmem>>) semaphore(%arg24 : memref<!tpu.dma_semaphore, #tpu.memory_space<semaphore_mem>>)
    %dma_start3A_17 = arith.constant 48 : i32
    %dma_start3A_18 = tpu.memref_slice %arg7[%dma_start3A_17] : memref<10080xi32, #tpu.memory_space<vmem>> -> memref<16xi32, #tpu.memory_space<vmem>>
    %dma_start3A_19 = arith.constant 0 : i32
    %dma_start3A_20 = arith.constant 0 : i32
    %dma_start3A_21 = tpu.memref_slice %arg2[%dma_start3A_19, %dma_start3A_20] : memref<10112x128xf32, #tpu.memory_space<hbm>> -> memref<10112x128xf32, #tpu.memory_space<hbm>>
    tpu.enqueue_indirect_dma source(%dma_start3A_21 : memref<10112x128xf32, #tpu.memory_space<hbm>>) target(%arg12 : memref<16x128xf32, #tpu.memory_space<vmem>>) offsets(%dma_start3A_18 : memref<16xi32, #tpu.memory_space<vmem>>) semaphore(%arg25 : memref<!tpu.dma_semaphore, #tpu.memory_space<semaphore_mem>>)
    %dma_start3A_22 = arith.constant 64 : i32
    %dma_start3A_23 = tpu.memref_slice %arg7[%dma_start3A_22] : memref<10080xi32, #tpu.memory_space<vmem>> -> memref<16xi32, #tpu.memory_space<vmem>>
    %dma_start3A_24 = arith.constant 0 : i32
    %dma_start3A_25 = arith.constant 0 : i32
    %dma_start3A_26 = tpu.memref_slice %arg2[%dma_start3A_24, %dma_start3A_25] : memref<10112x128xf32, #tpu.memory_space<hbm>> -> memref<10112x128xf32, #tpu.memory_space<hbm>>
    tpu.enqueue_indirect_dma source(%dma_start3A_26 : memref<10112x128xf32, #tpu.memory_space<hbm>>) target(%arg13 : memref<16x128xf32, #tpu.memory_space<vmem>>) offsets(%dma_start3A_23 : memref<16xi32, #tpu.memory_space<vmem>>) semaphore(%arg26 : memref<!tpu.dma_semaphore, #tpu.memory_space<semaphore_mem>>)
    %dma_start3A_27 = arith.constant 80 : i32
    %dma_start3A_28 = tpu.memref_slice %arg7[%dma_start3A_27] : memref<10080xi32, #tpu.memory_space<vmem>> -> memref<16xi32, #tpu.memory_space<vmem>>
    %dma_start3A_29 = arith.constant 0 : i32
    %dma_start3A_30 = arith.constant 0 : i32
    %dma_start3A_31 = tpu.memref_slice %arg2[%dma_start3A_29, %dma_start3A_30] : memref<10112x128xf32, #tpu.memory_space<hbm>> -> memref<10112x128xf32, #tpu.memory_space<hbm>>
    tpu.enqueue_indirect_dma source(%dma_start3A_31 : memref<10112x128xf32, #tpu.memory_space<hbm>>) target(%arg14 : memref<16x128xf32, #tpu.memory_space<vmem>>) offsets(%dma_start3A_28 : memref<16xi32, #tpu.memory_space<vmem>>) semaphore(%arg27 : memref<!tpu.dma_semaphore, #tpu.memory_space<semaphore_mem>>)
    %dma_start3A_32 = arith.constant 96 : i32
    %dma_start3A_33 = tpu.memref_slice %arg7[%dma_start3A_32] : memref<10080xi32, #tpu.memory_space<vmem>> -> memref<16xi32, #tpu.memory_space<vmem>>
    %dma_start3A_34 = arith.constant 0 : i32
    %dma_start3A_35 = arith.constant 0 : i32
    %dma_start3A_36 = tpu.memref_slice %arg2[%dma_start3A_34, %dma_start3A_35] : memref<10112x128xf32, #tpu.memory_space<hbm>> -> memref<10112x128xf32, #tpu.memory_space<hbm>>
    tpu.enqueue_indirect_dma source(%dma_start3A_36 : memref<10112x128xf32, #tpu.memory_space<hbm>>) target(%arg15 : memref<16x128xf32, #tpu.memory_space<vmem>>) offsets(%dma_start3A_33 : memref<16xi32, #tpu.memory_space<vmem>>) semaphore(%arg28 : memref<!tpu.dma_semaphore, #tpu.memory_space<semaphore_mem>>)
    %dma_start3A_37 = arith.constant 112 : i32
    %dma_start3A_38 = tpu.memref_slice %arg7[%dma_start3A_37] : memref<10080xi32, #tpu.memory_space<vmem>> -> memref<16xi32, #tpu.memory_space<vmem>>
    %dma_start3A_39 = arith.constant 0 : i32
    %dma_start3A_40 = arith.constant 0 : i32
    %dma_start3A_41 = tpu.memref_slice %arg2[%dma_start3A_39, %dma_start3A_40] : memref<10112x128xf32, #tpu.memory_space<hbm>> -> memref<10112x128xf32, #tpu.memory_space<hbm>>
    tpu.enqueue_indirect_dma source(%dma_start3A_41 : memref<10112x128xf32, #tpu.memory_space<hbm>>) target(%arg16 : memref<16x128xf32, #tpu.memory_space<vmem>>) offsets(%dma_start3A_38 : memref<16xi32, #tpu.memory_space<vmem>>) semaphore(%arg29 : memref<!tpu.dma_semaphore, #tpu.memory_space<semaphore_mem>>)
    %dma_start3A_42 = arith.constant 128 : i32
    %dma_start3A_43 = tpu.memref_slice %arg7[%dma_start3A_42] : memref<10080xi32, #tpu.memory_space<vmem>> -> memref<16xi32, #tpu.memory_space<vmem>>
    %dma_start3A_44 = arith.constant 0 : i32
    %dma_start3A_45 = arith.constant 0 : i32
    %dma_start3A_46 = tpu.memref_slice %arg2[%dma_start3A_44, %dma_start3A_45] : memref<10112x128xf32, #tpu.memory_space<hbm>> -> memref<10112x128xf32, #tpu.memory_space<hbm>>
    tpu.enqueue_indirect_dma source(%dma_start3A_46 : memref<10112x128xf32, #tpu.memory_space<hbm>>) target(%arg17 : memref<16x128xf32, #tpu.memory_space<vmem>>) offsets(%dma_start3A_43 : memref<16xi32, #tpu.memory_space<vmem>>) semaphore(%arg30 : memref<!tpu.dma_semaphore, #tpu.memory_space<semaphore_mem>>)
    %dma_start3A_47 = arith.constant 144 : i32
    %dma_start3A_48 = tpu.memref_slice %arg7[%dma_start3A_47] : memref<10080xi32, #tpu.memory_space<vmem>> -> memref<16xi32, #tpu.memory_space<vmem>>
    %dma_start3A_49 = arith.constant 0 : i32
    %dma_start3A_50 = arith.constant 0 : i32
    %dma_start3A_51 = tpu.memref_slice %arg2[%dma_start3A_49, %dma_start3A_50] : memref<10112x128xf32, #tpu.memory_space<hbm>> -> memref<10112x128xf32, #tpu.memory_space<hbm>>
    tpu.enqueue_indirect_dma source(%dma_start3A_51 : memref<10112x128xf32, #tpu.memory_space<hbm>>) target(%arg18 : memref<16x128xf32, #tpu.memory_space<vmem>>) offsets(%dma_start3A_48 : memref<16xi32, #tpu.memory_space<vmem>>) semaphore(%arg31 : memref<!tpu.dma_semaphore, #tpu.memory_space<semaphore_mem>>)
    %dma_start3A_52 = arith.constant 160 : i32
    %dma_start3A_53 = tpu.memref_slice %arg7[%dma_start3A_52] : memref<10080xi32, #tpu.memory_space<vmem>> -> memref<16xi32, #tpu.memory_space<vmem>>
    %dma_start3A_54 = arith.constant 0 : i32
    %dma_start3A_55 = arith.constant 0 : i32
    %dma_start3A_56 = tpu.memref_slice %arg2[%dma_start3A_54, %dma_start3A_55] : memref<10112x128xf32, #tpu.memory_space<hbm>> -> memref<10112x128xf32, #tpu.memory_space<hbm>>
    tpu.enqueue_indirect_dma source(%dma_start3A_56 : memref<10112x128xf32, #tpu.memory_space<hbm>>) target(%arg19 : memref<16x128xf32, #tpu.memory_space<vmem>>) offsets(%dma_start3A_53 : memref<16xi32, #tpu.memory_space<vmem>>) semaphore(%arg32 : memref<!tpu.dma_semaphore, #tpu.memory_space<semaphore_mem>>)
    %scan3A = arith.constant 0 : i32
    %scan3A_57 = arith.constant 0 : i32
    %scan3A_58 = arith.constant 52 : i32
    %scan3A_59 = arith.addi %scan3A_57, %scan3A_58 : i32
    %scan3A_60 = arith.constant 1 : i32
    %scan3A_61 = scf.for %scan3A_190 = %scan3A_57 to %scan3A_59 step %scan3A_60 iter_args(%scan3A_191 = %scan3A) -> (i32)  : i32 {
      %mul3A_192 = arith.constant 12 : i32
      %mul3A_193 = arith.muli %mul3A_192, %scan3A_190 : i32
      %add3A_194 = arith.constant 0 : i32
      %add3A_195 = arith.addi %mul3A_193, %add3A_194 : i32
      %dma_wait3A_196 = arith.constant 0 : i32
      %dma_wait3A_197 = tpu.memref_slice %arg7[%dma_wait3A_196] : memref<10080xi32, #tpu.memory_space<vmem>> -> memref<16xi32, #tpu.memory_space<vmem>>
      %dma_wait3A_198 = arith.constant 0 : i32
      %dma_wait3A_199 = arith.constant 0 : i32
      %dma_wait3A_200 = tpu.memref_slice %arg2[%dma_wait3A_198, %dma_wait3A_199] : memref<10112x128xf32, #tpu.memory_space<hbm>> -> memref<10112x128xf32, #tpu.memory_space<hbm>>
      tpu.wait_indirect_dma semaphore(%arg22 : memref<!tpu.dma_semaphore, #tpu.memory_space<semaphore_mem>>) src(%dma_wait3A_200 : memref<10112x128xf32, #tpu.memory_space<hbm>>) dst(%arg9 : memref<16x128xf32, #tpu.memory_space<vmem>>)
      %mul3A_201 = arith.constant 16 : i32
      %mul3A_202 = arith.muli %add3A_195, %mul3A_201 : i32
      %dma_start3A_203 = tpu.memref_slice %arg8[%mul3A_202] : memref<10080xi32, #tpu.memory_space<vmem>> -> memref<16xi32, #tpu.memory_space<vmem>>
      %dma_start3A_204 = arith.constant 0 : i32
      %dma_start3A_205 = arith.constant 0 : i32
      %dma_start3A_206 = tpu.memref_slice %arg21[%dma_start3A_204, %dma_start3A_205] : memref<10112x128xf32, #tpu.memory_space<vmem_shared>> -> memref<10112x128xf32, #tpu.memory_space<vmem_shared>>
      tpu.enqueue_indirect_dma source(%arg9 : memref<16x128xf32, #tpu.memory_space<vmem>>) target(%dma_start3A_206 : memref<10112x128xf32, #tpu.memory_space<vmem_shared>>) offsets(%dma_start3A_203 : memref<16xi32, #tpu.memory_space<vmem>>) semaphore(%arg34 : memref<!tpu.dma_semaphore, #tpu.memory_space<semaphore_mem>>) {add = true}
      %add3A_207 = arith.constant 12 : i32
      %add3A_208 = arith.addi %add3A_195, %add3A_207 : i32
      %sub3A = arith.constant 1 : i32
      %sub3A_209 = arith.subi %add3A_208, %sub3A : i32
      %lt3A = arith.constant 630 : i32
      %lt3A_210 = arith.cmpi slt, %sub3A_209, %lt3A : i32
      %convert_element_type3A_211 = arith.extui %lt3A_210 : i1 to i32
      %cond3A_212 = arith.constant 0 : i32
      %cond3A_213 = arith.cmpi ne, %convert_element_type3A_211, %cond3A_212 : i32
      scf.if %cond3A_213 {
        %ge3A = arith.constant 1 : i32
        %ge3A_457 = arith.cmpi sge, %add3A_195, %ge3A : i32
        %convert_element_type3A_458 = arith.extui %ge3A_457 : i1 to i32
        %cond3A_459 = arith.constant 0 : i32
        %cond3A_460 = arith.cmpi ne, %convert_element_type3A_458, %cond3A_459 : i32
        scf.if %cond3A_460 {
          %dma_wait3A_471 = arith.constant 0 : i32
          %dma_wait3A_472 = tpu.memref_slice %arg8[%dma_wait3A_471] : memref<10080xi32, #tpu.memory_space<vmem>> -> memref<16xi32, #tpu.memory_space<vmem>>
          %dma_wait3A_473 = arith.constant 0 : i32
          %dma_wait3A_474 = arith.constant 0 : i32
          %dma_wait3A_475 = tpu.memref_slice %arg21[%dma_wait3A_473, %dma_wait3A_474] : memref<10112x128xf32, #tpu.memory_space<vmem_shared>> -> memref<10112x128xf32, #tpu.memory_space<vmem_shared>>
          tpu.wait_indirect_dma semaphore(%arg45 : memref<!tpu.dma_semaphore, #tpu.memory_space<semaphore_mem>>) src(%arg20 : memref<16x128xf32, #tpu.memory_space<vmem>>) dst(%dma_wait3A_475 : memref<10112x128xf32, #tpu.memory_space<vmem_shared>>)
        } else {
        }
        %add3A_461 = arith.constant 12 : i32
        %add3A_462 = arith.addi %add3A_195, %add3A_461 : i32
        %sub3A_463 = arith.constant 1 : i32
        %sub3A_464 = arith.subi %add3A_462, %sub3A_463 : i32
        %mul3A_465 = arith.constant 16 : i32
        %mul3A_466 = arith.muli %sub3A_464, %mul3A_465 : i32
        %dma_start3A_467 = tpu.memref_slice %arg7[%mul3A_466] : memref<10080xi32, #tpu.memory_space<vmem>> -> memref<16xi32, #tpu.memory_space<vmem>>
        %dma_start3A_468 = arith.constant 0 : i32
        %dma_start3A_469 = arith.constant 0 : i32
        %dma_start3A_470 = tpu.memref_slice %arg2[%dma_start3A_468, %dma_start3A_469] : memref<10112x128xf32, #tpu.memory_space<hbm>> -> memref<10112x128xf32, #tpu.memory_space<hbm>>
        tpu.enqueue_indirect_dma source(%dma_start3A_470 : memref<10112x128xf32, #tpu.memory_space<hbm>>) target(%arg20 : memref<16x128xf32, #tpu.memory_space<vmem>>) offsets(%dma_start3A_467 : memref<16xi32, #tpu.memory_space<vmem>>) semaphore(%arg33 : memref<!tpu.dma_semaphore, #tpu.memory_space<semaphore_mem>>)
      } else {
      }
      %add3A_214 = arith.constant 1 : i32
      %add3A_215 = arith.addi %mul3A_193, %add3A_214 : i32
      %dma_wait3A_216 = arith.constant 0 : i32
      %dma_wait3A_217 = tpu.memref_slice %arg7[%dma_wait3A_216] : memref<10080xi32, #tpu.memory_space<vmem>> -> memref<16xi32, #tpu.memory_space<vmem>>
      %dma_wait3A_218 = arith.constant 0 : i32
      %dma_wait3A_219 = arith.constant 0 : i32
      %dma_wait3A_220 = tpu.memref_slice %arg2[%dma_wait3A_218, %dma_wait3A_219] : memref<10112x128xf32, #tpu.memory_space<hbm>> -> memref<10112x128xf32, #tpu.memory_space<hbm>>
      tpu.wait_indirect_dma semaphore(%arg23 : memref<!tpu.dma_semaphore, #tpu.memory_space<semaphore_mem>>) src(%dma_wait3A_220 : memref<10112x128xf32, #tpu.memory_space<hbm>>) dst(%arg10 : memref<16x128xf32, #tpu.memory_space<vmem>>)
      %mul3A_221 = arith.constant 16 : i32
      %mul3A_222 = arith.muli %add3A_215, %mul3A_221 : i32
      %dma_start3A_223 = tpu.memref_slice %arg8[%mul3A_222] : memref<10080xi32, #tpu.memory_space<vmem>> -> memref<16xi32, #tpu.memory_space<vmem>>
      %dma_start3A_224 = arith.constant 0 : i32
      %dma_start3A_225 = arith.constant 0 : i32
      %dma_start3A_226 = tpu.memref_slice %arg21[%dma_start3A_224, %dma_start3A_225] : memref<10112x128xf32, #tpu.memory_space<vmem_shared>> -> memref<10112x128xf32, #tpu.memory_space<vmem_shared>>
      tpu.enqueue_indirect_dma source(%arg10 : memref<16x128xf32, #tpu.memory_space<vmem>>) target(%dma_start3A_226 : memref<10112x128xf32, #tpu.memory_space<vmem_shared>>) offsets(%dma_start3A_223 : memref<16xi32, #tpu.memory_space<vmem>>) semaphore(%arg35 : memref<!tpu.dma_semaphore, #tpu.memory_space<semaphore_mem>>) {add = true}
      %add3A_227 = arith.constant 12 : i32
      %add3A_228 = arith.addi %add3A_215, %add3A_227 : i32
      %sub3A_229 = arith.constant 1 : i32
      %sub3A_230 = arith.subi %add3A_228, %sub3A_229 : i32
      %lt3A_231 = arith.constant 630 : i32
      %lt3A_232 = arith.cmpi slt, %sub3A_230, %lt3A_231 : i32
      %convert_element_type3A_233 = arith.extui %lt3A_232 : i1 to i32
      %cond3A_234 = arith.constant 0 : i32
      %cond3A_235 = arith.cmpi ne, %convert_element_type3A_233, %cond3A_234 : i32
      scf.if %cond3A_235 {
        %ge3A = arith.constant 1 : i32
        %ge3A_457 = arith.cmpi sge, %add3A_215, %ge3A : i32
        %convert_element_type3A_458 = arith.extui %ge3A_457 : i1 to i32
        %cond3A_459 = arith.constant 0 : i32
        %cond3A_460 = arith.cmpi ne, %convert_element_type3A_458, %cond3A_459 : i32
        scf.if %cond3A_460 {
          %dma_wait3A_471 = arith.constant 0 : i32
          %dma_wait3A_472 = tpu.memref_slice %arg8[%dma_wait3A_471] : memref<10080xi32, #tpu.memory_space<vmem>> -> memref<16xi32, #tpu.memory_space<vmem>>
          %dma_wait3A_473 = arith.constant 0 : i32
          %dma_wait3A_474 = arith.constant 0 : i32
          %dma_wait3A_475 = tpu.memref_slice %arg21[%dma_wait3A_473, %dma_wait3A_474] : memref<10112x128xf32, #tpu.memory_space<vmem_shared>> -> memref<10112x128xf32, #tpu.memory_space<vmem_shared>>
          tpu.wait_indirect_dma semaphore(%arg34 : memref<!tpu.dma_semaphore, #tpu.memory_space<semaphore_mem>>) src(%arg9 : memref<16x128xf32, #tpu.memory_space<vmem>>) dst(%dma_wait3A_475 : memref<10112x128xf32, #tpu.memory_space<vmem_shared>>)
        } else {
        }
        %add3A_461 = arith.constant 12 : i32
        %add3A_462 = arith.addi %add3A_215, %add3A_461 : i32
        %sub3A_463 = arith.constant 1 : i32
        %sub3A_464 = arith.subi %add3A_462, %sub3A_463 : i32
        %mul3A_465 = arith.constant 16 : i32
        %mul3A_466 = arith.muli %sub3A_464, %mul3A_465 : i32
        %dma_start3A_467 = tpu.memref_slice %arg7[%mul3A_466] : memref<10080xi32, #tpu.memory_space<vmem>> -> memref<16xi32, #tpu.memory_space<vmem>>
        %dma_start3A_468 = arith.constant 0 : i32
        %dma_start3A_469 = arith.constant 0 : i32
        %dma_start3A_470 = tpu.memref_slice %arg2[%dma_start3A_468, %dma_start3A_469] : memref<10112x128xf32, #tpu.memory_space<hbm>> -> memref<10112x128xf32, #tpu.memory_space<hbm>>
        tpu.enqueue_indirect_dma source(%dma_start3A_470 : memref<10112x128xf32, #tpu.memory_space<hbm>>) target(%arg9 : memref<16x128xf32, #tpu.memory_space<vmem>>) offsets(%dma_start3A_467 : memref<16xi32, #tpu.memory_space<vmem>>) semaphore(%arg22 : memref<!tpu.dma_semaphore, #tpu.memory_space<semaphore_mem>>)
      } else {
      }
      %add3A_236 = arith.constant 2 : i32
      %add3A_237 = arith.addi %mul3A_193, %add3A_236 : i32
      %dma_wait3A_238 = arith.constant 0 : i32
      %dma_wait3A_239 = tpu.memref_slice %arg7[%dma_wait3A_238] : memref<10080xi32, #tpu.memory_space<vmem>> -> memref<16xi32, #tpu.memory_space<vmem>>
      %dma_wait3A_240 = arith.constant 0 : i32
      %dma_wait3A_241 = arith.constant 0 : i32
      %dma_wait3A_242 = tpu.memref_slice %arg2[%dma_wait3A_240, %dma_wait3A_241] : memref<10112x128xf32, #tpu.memory_space<hbm>> -> memref<10112x128xf32, #tpu.memory_space<hbm>>
      tpu.wait_indirect_dma semaphore(%arg24 : memref<!tpu.dma_semaphore, #tpu.memory_space<semaphore_mem>>) src(%dma_wait3A_242 : memref<10112x128xf32, #tpu.memory_space<hbm>>) dst(%arg11 : memref<16x128xf32, #tpu.memory_space<vmem>>)
      %mul3A_243 = arith.constant 16 : i32
      %mul3A_244 = arith.muli %add3A_237, %mul3A_243 : i32
      %dma_start3A_245 = tpu.memref_slice %arg8[%mul3A_244] : memref<10080xi32, #tpu.memory_space<vmem>> -> memref<16xi32, #tpu.memory_space<vmem>>
      %dma_start3A_246 = arith.constant 0 : i32
      %dma_start3A_247 = arith.constant 0 : i32
      %dma_start3A_248 = tpu.memref_slice %arg21[%dma_start3A_246, %dma_start3A_247] : memref<10112x128xf32, #tpu.memory_space<vmem_shared>> -> memref<10112x128xf32, #tpu.memory_space<vmem_shared>>
      tpu.enqueue_indirect_dma source(%arg11 : memref<16x128xf32, #tpu.memory_space<vmem>>) target(%dma_start3A_248 : memref<10112x128xf32, #tpu.memory_space<vmem_shared>>) offsets(%dma_start3A_245 : memref<16xi32, #tpu.memory_space<vmem>>) semaphore(%arg36 : memref<!tpu.dma_semaphore, #tpu.memory_space<semaphore_mem>>) {add = true}
      %add3A_249 = arith.constant 12 : i32
      %add3A_250 = arith.addi %add3A_237, %add3A_249 : i32
      %sub3A_251 = arith.constant 1 : i32
      %sub3A_252 = arith.subi %add3A_250, %sub3A_251 : i32
      %lt3A_253 = arith.constant 630 : i32
      %lt3A_254 = arith.cmpi slt, %sub3A_252, %lt3A_253 : i32
      %convert_element_type3A_255 = arith.extui %lt3A_254 : i1 to i32
      %cond3A_256 = arith.constant 0 : i32
      %cond3A_257 = arith.cmpi ne, %convert_element_type3A_255, %cond3A_256 : i32
      scf.if %cond3A_257 {
        %ge3A = arith.constant 1 : i32
        %ge3A_457 = arith.cmpi sge, %add3A_237, %ge3A : i32
        %convert_element_type3A_458 = arith.extui %ge3A_457 : i1 to i32
        %cond3A_459 = arith.constant 0 : i32
        %cond3A_460 = arith.cmpi ne, %convert_element_type3A_458, %cond3A_459 : i32
        scf.if %cond3A_460 {
          %dma_wait3A_471 = arith.constant 0 : i32
          %dma_wait3A_472 = tpu.memref_slice %arg8[%dma_wait3A_471] : memref<10080xi32, #tpu.memory_space<vmem>> -> memref<16xi32, #tpu.memory_space<vmem>>
          %dma_wait3A_473 = arith.constant 0 : i32
          %dma_wait3A_474 = arith.constant 0 : i32
          %dma_wait3A_475 = tpu.memref_slice %arg21[%dma_wait3A_473, %dma_wait3A_474] : memref<10112x128xf32, #tpu.memory_space<vmem_shared>> -> memref<10112x128xf32, #tpu.memory_space<vmem_shared>>
          tpu.wait_indirect_dma semaphore(%arg35 : memref<!tpu.dma_semaphore, #tpu.memory_space<semaphore_mem>>) src(%arg10 : memref<16x128xf32, #tpu.memory_space<vmem>>) dst(%dma_wait3A_475 : memref<10112x128xf32, #tpu.memory_space<vmem_shared>>)
        } else {
        }
        %add3A_461 = arith.constant 12 : i32
        %add3A_462 = arith.addi %add3A_237, %add3A_461 : i32
        %sub3A_463 = arith.constant 1 : i32
        %sub3A_464 = arith.subi %add3A_462, %sub3A_463 : i32
        %mul3A_465 = arith.constant 16 : i32
        %mul3A_466 = arith.muli %sub3A_464, %mul3A_465 : i32
        %dma_start3A_467 = tpu.memref_slice %arg7[%mul3A_466] : memref<10080xi32, #tpu.memory_space<vmem>> -> memref<16xi32, #tpu.memory_space<vmem>>
        %dma_start3A_468 = arith.constant 0 : i32
        %dma_start3A_469 = arith.constant 0 : i32
        %dma_start3A_470 = tpu.memref_slice %arg2[%dma_start3A_468, %dma_start3A_469] : memref<10112x128xf32, #tpu.memory_space<hbm>> -> memref<10112x128xf32, #tpu.memory_space<hbm>>
        tpu.enqueue_indirect_dma source(%dma_start3A_470 : memref<10112x128xf32, #tpu.memory_space<hbm>>) target(%arg10 : memref<16x128xf32, #tpu.memory_space<vmem>>) offsets(%dma_start3A_467 : memref<16xi32, #tpu.memory_space<vmem>>) semaphore(%arg23 : memref<!tpu.dma_semaphore, #tpu.memory_space<semaphore_mem>>)
      } else {
      }
      %add3A_258 = arith.constant 3 : i32
      %add3A_259 = arith.addi %mul3A_193, %add3A_258 : i32
      %dma_wait3A_260 = arith.constant 0 : i32
      %dma_wait3A_261 = tpu.memref_slice %arg7[%dma_wait3A_260] : memref<10080xi32, #tpu.memory_space<vmem>> -> memref<16xi32, #tpu.memory_space<vmem>>
      %dma_wait3A_262 = arith.constant 0 : i32
      %dma_wait3A_263 = arith.constant 0 : i32
      %dma_wait3A_264 = tpu.memref_slice %arg2[%dma_wait3A_262, %dma_wait3A_263] : memref<10112x128xf32, #tpu.memory_space<hbm>> -> memref<10112x128xf32, #tpu.memory_space<hbm>>
      tpu.wait_indirect_dma semaphore(%arg25 : memref<!tpu.dma_semaphore, #tpu.memory_space<semaphore_mem>>) src(%dma_wait3A_264 : memref<10112x128xf32, #tpu.memory_space<hbm>>) dst(%arg12 : memref<16x128xf32, #tpu.memory_space<vmem>>)
      %mul3A_265 = arith.constant 16 : i32
      %mul3A_266 = arith.muli %add3A_259, %mul3A_265 : i32
      %dma_start3A_267 = tpu.memref_slice %arg8[%mul3A_266] : memref<10080xi32, #tpu.memory_space<vmem>> -> memref<16xi32, #tpu.memory_space<vmem>>
      %dma_start3A_268 = arith.constant 0 : i32
      %dma_start3A_269 = arith.constant 0 : i32
      %dma_start3A_270 = tpu.memref_slice %arg21[%dma_start3A_268, %dma_start3A_269] : memref<10112x128xf32, #tpu.memory_space<vmem_shared>> -> memref<10112x128xf32, #tpu.memory_space<vmem_shared>>
      tpu.enqueue_indirect_dma source(%arg12 : memref<16x128xf32, #tpu.memory_space<vmem>>) target(%dma_start3A_270 : memref<10112x128xf32, #tpu.memory_space<vmem_shared>>) offsets(%dma_start3A_267 : memref<16xi32, #tpu.memory_space<vmem>>) semaphore(%arg37 : memref<!tpu.dma_semaphore, #tpu.memory_space<semaphore_mem>>) {add = true}
      %add3A_271 = arith.constant 12 : i32
      %add3A_272 = arith.addi %add3A_259, %add3A_271 : i32
      %sub3A_273 = arith.constant 1 : i32
      %sub3A_274 = arith.subi %add3A_272, %sub3A_273 : i32
      %lt3A_275 = arith.constant 630 : i32
      %lt3A_276 = arith.cmpi slt, %sub3A_274, %lt3A_275 : i32
      %convert_element_type3A_277 = arith.extui %lt3A_276 : i1 to i32
      %cond3A_278 = arith.constant 0 : i32
      %cond3A_279 = arith.cmpi ne, %convert_element_type3A_277, %cond3A_278 : i32
      scf.if %cond3A_279 {
        %ge3A = arith.constant 1 : i32
        %ge3A_457 = arith.cmpi sge, %add3A_259, %ge3A : i32
        %convert_element_type3A_458 = arith.extui %ge3A_457 : i1 to i32
        %cond3A_459 = arith.constant 0 : i32
        %cond3A_460 = arith.cmpi ne, %convert_element_type3A_458, %cond3A_459 : i32
        scf.if %cond3A_460 {
          %dma_wait3A_471 = arith.constant 0 : i32
          %dma_wait3A_472 = tpu.memref_slice %arg8[%dma_wait3A_471] : memref<10080xi32, #tpu.memory_space<vmem>> -> memref<16xi32, #tpu.memory_space<vmem>>
          %dma_wait3A_473 = arith.constant 0 : i32
          %dma_wait3A_474 = arith.constant 0 : i32
          %dma_wait3A_475 = tpu.memref_slice %arg21[%dma_wait3A_473, %dma_wait3A_474] : memref<10112x128xf32, #tpu.memory_space<vmem_shared>> -> memref<10112x128xf32, #tpu.memory_space<vmem_shared>>
          tpu.wait_indirect_dma semaphore(%arg36 : memref<!tpu.dma_semaphore, #tpu.memory_space<semaphore_mem>>) src(%arg11 : memref<16x128xf32, #tpu.memory_space<vmem>>) dst(%dma_wait3A_475 : memref<10112x128xf32, #tpu.memory_space<vmem_shared>>)
        } else {
        }
        %add3A_461 = arith.constant 12 : i32
        %add3A_462 = arith.addi %add3A_259, %add3A_461 : i32
        %sub3A_463 = arith.constant 1 : i32
        %sub3A_464 = arith.subi %add3A_462, %sub3A_463 : i32
        %mul3A_465 = arith.constant 16 : i32
        %mul3A_466 = arith.muli %sub3A_464, %mul3A_465 : i32
        %dma_start3A_467 = tpu.memref_slice %arg7[%mul3A_466] : memref<10080xi32, #tpu.memory_space<vmem>> -> memref<16xi32, #tpu.memory_space<vmem>>
        %dma_start3A_468 = arith.constant 0 : i32
        %dma_start3A_469 = arith.constant 0 : i32
        %dma_start3A_470 = tpu.memref_slice %arg2[%dma_start3A_468, %dma_start3A_469] : memref<10112x128xf32, #tpu.memory_space<hbm>> -> memref<10112x128xf32, #tpu.memory_space<hbm>>
        tpu.enqueue_indirect_dma source(%dma_start3A_470 : memref<10112x128xf32, #tpu.memory_space<hbm>>) target(%arg11 : memref<16x128xf32, #tpu.memory_space<vmem>>) offsets(%dma_start3A_467 : memref<16xi32, #tpu.memory_space<vmem>>) semaphore(%arg24 : memref<!tpu.dma_semaphore, #tpu.memory_space<semaphore_mem>>)
      } else {
      }
      %add3A_280 = arith.constant 4 : i32
      %add3A_281 = arith.addi %mul3A_193, %add3A_280 : i32
      %dma_wait3A_282 = arith.constant 0 : i32
      %dma_wait3A_283 = tpu.memref_slice %arg7[%dma_wait3A_282] : memref<10080xi32, #tpu.memory_space<vmem>> -> memref<16xi32, #tpu.memory_space<vmem>>
      %dma_wait3A_284 = arith.constant 0 : i32
      %dma_wait3A_285 = arith.constant 0 : i32
      %dma_wait3A_286 = tpu.memref_slice %arg2[%dma_wait3A_284, %dma_wait3A_285] : memref<10112x128xf32, #tpu.memory_space<hbm>> -> memref<10112x128xf32, #tpu.memory_space<hbm>>
      tpu.wait_indirect_dma semaphore(%arg26 : memref<!tpu.dma_semaphore, #tpu.memory_space<semaphore_mem>>) src(%dma_wait3A_286 : memref<10112x128xf32, #tpu.memory_space<hbm>>) dst(%arg13 : memref<16x128xf32, #tpu.memory_space<vmem>>)
      %mul3A_287 = arith.constant 16 : i32
      %mul3A_288 = arith.muli %add3A_281, %mul3A_287 : i32
      %dma_start3A_289 = tpu.memref_slice %arg8[%mul3A_288] : memref<10080xi32, #tpu.memory_space<vmem>> -> memref<16xi32, #tpu.memory_space<vmem>>
      %dma_start3A_290 = arith.constant 0 : i32
      %dma_start3A_291 = arith.constant 0 : i32
      %dma_start3A_292 = tpu.memref_slice %arg21[%dma_start3A_290, %dma_start3A_291] : memref<10112x128xf32, #tpu.memory_space<vmem_shared>> -> memref<10112x128xf32, #tpu.memory_space<vmem_shared>>
      tpu.enqueue_indirect_dma source(%arg13 : memref<16x128xf32, #tpu.memory_space<vmem>>) target(%dma_start3A_292 : memref<10112x128xf32, #tpu.memory_space<vmem_shared>>) offsets(%dma_start3A_289 : memref<16xi32, #tpu.memory_space<vmem>>) semaphore(%arg38 : memref<!tpu.dma_semaphore, #tpu.memory_space<semaphore_mem>>) {add = true}
      %add3A_293 = arith.constant 12 : i32
      %add3A_294 = arith.addi %add3A_281, %add3A_293 : i32
      %sub3A_295 = arith.constant 1 : i32
      %sub3A_296 = arith.subi %add3A_294, %sub3A_295 : i32
      %lt3A_297 = arith.constant 630 : i32
      %lt3A_298 = arith.cmpi slt, %sub3A_296, %lt3A_297 : i32
      %convert_element_type3A_299 = arith.extui %lt3A_298 : i1 to i32
      %cond3A_300 = arith.constant 0 : i32
      %cond3A_301 = arith.cmpi ne, %convert_element_type3A_299, %cond3A_300 : i32
      scf.if %cond3A_301 {
        %ge3A = arith.constant 1 : i32
        %ge3A_457 = arith.cmpi sge, %add3A_281, %ge3A : i32
        %convert_element_type3A_458 = arith.extui %ge3A_457 : i1 to i32
        %cond3A_459 = arith.constant 0 : i32
        %cond3A_460 = arith.cmpi ne, %convert_element_type3A_458, %cond3A_459 : i32
        scf.if %cond3A_460 {
          %dma_wait3A_471 = arith.constant 0 : i32
          %dma_wait3A_472 = tpu.memref_slice %arg8[%dma_wait3A_471] : memref<10080xi32, #tpu.memory_space<vmem>> -> memref<16xi32, #tpu.memory_space<vmem>>
          %dma_wait3A_473 = arith.constant 0 : i32
          %dma_wait3A_474 = arith.constant 0 : i32
          %dma_wait3A_475 = tpu.memref_slice %arg21[%dma_wait3A_473, %dma_wait3A_474] : memref<10112x128xf32, #tpu.memory_space<vmem_shared>> -> memref<10112x128xf32, #tpu.memory_space<vmem_shared>>
          tpu.wait_indirect_dma semaphore(%arg37 : memref<!tpu.dma_semaphore, #tpu.memory_space<semaphore_mem>>) src(%arg12 : memref<16x128xf32, #tpu.memory_space<vmem>>) dst(%dma_wait3A_475 : memref<10112x128xf32, #tpu.memory_space<vmem_shared>>)
        } else {
        }
        %add3A_461 = arith.constant 12 : i32
        %add3A_462 = arith.addi %add3A_281, %add3A_461 : i32
        %sub3A_463 = arith.constant 1 : i32
        %sub3A_464 = arith.subi %add3A_462, %sub3A_463 : i32
        %mul3A_465 = arith.constant 16 : i32
        %mul3A_466 = arith.muli %sub3A_464, %mul3A_465 : i32
        %dma_start3A_467 = tpu.memref_slice %arg7[%mul3A_466] : memref<10080xi32, #tpu.memory_space<vmem>> -> memref<16xi32, #tpu.memory_space<vmem>>
        %dma_start3A_468 = arith.constant 0 : i32
        %dma_start3A_469 = arith.constant 0 : i32
        %dma_start3A_470 = tpu.memref_slice %arg2[%dma_start3A_468, %dma_start3A_469] : memref<10112x128xf32, #tpu.memory_space<hbm>> -> memref<10112x128xf32, #tpu.memory_space<hbm>>
        tpu.enqueue_indirect_dma source(%dma_start3A_470 : memref<10112x128xf32, #tpu.memory_space<hbm>>) target(%arg12 : memref<16x128xf32, #tpu.memory_space<vmem>>) offsets(%dma_start3A_467 : memref<16xi32, #tpu.memory_space<vmem>>) semaphore(%arg25 : memref<!tpu.dma_semaphore, #tpu.memory_space<semaphore_mem>>)
      } else {
      }
      %add3A_302 = arith.constant 5 : i32
      %add3A_303 = arith.addi %mul3A_193, %add3A_302 : i32
      %dma_wait3A_304 = arith.constant 0 : i32
      %dma_wait3A_305 = tpu.memref_slice %arg7[%dma_wait3A_304] : memref<10080xi32, #tpu.memory_space<vmem>> -> memref<16xi32, #tpu.memory_space<vmem>>
      %dma_wait3A_306 = arith.constant 0 : i32
      %dma_wait3A_307 = arith.constant 0 : i32
      %dma_wait3A_308 = tpu.memref_slice %arg2[%dma_wait3A_306, %dma_wait3A_307] : memref<10112x128xf32, #tpu.memory_space<hbm>> -> memref<10112x128xf32, #tpu.memory_space<hbm>>
      tpu.wait_indirect_dma semaphore(%arg27 : memref<!tpu.dma_semaphore, #tpu.memory_space<semaphore_mem>>) src(%dma_wait3A_308 : memref<10112x128xf32, #tpu.memory_space<hbm>>) dst(%arg14 : memref<16x128xf32, #tpu.memory_space<vmem>>)
      %mul3A_309 = arith.constant 16 : i32
      %mul3A_310 = arith.muli %add3A_303, %mul3A_309 : i32
      %dma_start3A_311 = tpu.memref_slice %arg8[%mul3A_310] : memref<10080xi32, #tpu.memory_space<vmem>> -> memref<16xi32, #tpu.memory_space<vmem>>
      %dma_start3A_312 = arith.constant 0 : i32
      %dma_start3A_313 = arith.constant 0 : i32
      %dma_start3A_314 = tpu.memref_slice %arg21[%dma_start3A_312, %dma_start3A_313] : memref<10112x128xf32, #tpu.memory_space<vmem_shared>> -> memref<10112x128xf32, #tpu.memory_space<vmem_shared>>
      tpu.enqueue_indirect_dma source(%arg14 : memref<16x128xf32, #tpu.memory_space<vmem>>) target(%dma_start3A_314 : memref<10112x128xf32, #tpu.memory_space<vmem_shared>>) offsets(%dma_start3A_311 : memref<16xi32, #tpu.memory_space<vmem>>) semaphore(%arg39 : memref<!tpu.dma_semaphore, #tpu.memory_space<semaphore_mem>>) {add = true}
      %add3A_315 = arith.constant 12 : i32
      %add3A_316 = arith.addi %add3A_303, %add3A_315 : i32
      %sub3A_317 = arith.constant 1 : i32
      %sub3A_318 = arith.subi %add3A_316, %sub3A_317 : i32
      %lt3A_319 = arith.constant 630 : i32
      %lt3A_320 = arith.cmpi slt, %sub3A_318, %lt3A_319 : i32
      %convert_element_type3A_321 = arith.extui %lt3A_320 : i1 to i32
      %cond3A_322 = arith.constant 0 : i32
      %cond3A_323 = arith.cmpi ne, %convert_element_type3A_321, %cond3A_322 : i32
      scf.if %cond3A_323 {
        %ge3A = arith.constant 1 : i32
        %ge3A_457 = arith.cmpi sge, %add3A_303, %ge3A : i32
        %convert_element_type3A_458 = arith.extui %ge3A_457 : i1 to i32
        %cond3A_459 = arith.constant 0 : i32
        %cond3A_460 = arith.cmpi ne, %convert_element_type3A_458, %cond3A_459 : i32
        scf.if %cond3A_460 {
          %dma_wait3A_471 = arith.constant 0 : i32
          %dma_wait3A_472 = tpu.memref_slice %arg8[%dma_wait3A_471] : memref<10080xi32, #tpu.memory_space<vmem>> -> memref<16xi32, #tpu.memory_space<vmem>>
          %dma_wait3A_473 = arith.constant 0 : i32
          %dma_wait3A_474 = arith.constant 0 : i32
          %dma_wait3A_475 = tpu.memref_slice %arg21[%dma_wait3A_473, %dma_wait3A_474] : memref<10112x128xf32, #tpu.memory_space<vmem_shared>> -> memref<10112x128xf32, #tpu.memory_space<vmem_shared>>
          tpu.wait_indirect_dma semaphore(%arg38 : memref<!tpu.dma_semaphore, #tpu.memory_space<semaphore_mem>>) src(%arg13 : memref<16x128xf32, #tpu.memory_space<vmem>>) dst(%dma_wait3A_475 : memref<10112x128xf32, #tpu.memory_space<vmem_shared>>)
        } else {
        }
        %add3A_461 = arith.constant 12 : i32
        %add3A_462 = arith.addi %add3A_303, %add3A_461 : i32
        %sub3A_463 = arith.constant 1 : i32
        %sub3A_464 = arith.subi %add3A_462, %sub3A_463 : i32
        %mul3A_465 = arith.constant 16 : i32
        %mul3A_466 = arith.muli %sub3A_464, %mul3A_465 : i32
        %dma_start3A_467 = tpu.memref_slice %arg7[%mul3A_466] : memref<10080xi32, #tpu.memory_space<vmem>> -> memref<16xi32, #tpu.memory_space<vmem>>
        %dma_start3A_468 = arith.constant 0 : i32
        %dma_start3A_469 = arith.constant 0 : i32
        %dma_start3A_470 = tpu.memref_slice %arg2[%dma_start3A_468, %dma_start3A_469] : memref<10112x128xf32, #tpu.memory_space<hbm>> -> memref<10112x128xf32, #tpu.memory_space<hbm>>
        tpu.enqueue_indirect_dma source(%dma_start3A_470 : memref<10112x128xf32, #tpu.memory_space<hbm>>) target(%arg13 : memref<16x128xf32, #tpu.memory_space<vmem>>) offsets(%dma_start3A_467 : memref<16xi32, #tpu.memory_space<vmem>>) semaphore(%arg26 : memref<!tpu.dma_semaphore, #tpu.memory_space<semaphore_mem>>)
      } else {
      }
      %add3A_324 = arith.constant 6 : i32
      %add3A_325 = arith.addi %mul3A_193, %add3A_324 : i32
      %dma_wait3A_326 = arith.constant 0 : i32
      %dma_wait3A_327 = tpu.memref_slice %arg7[%dma_wait3A_326] : memref<10080xi32, #tpu.memory_space<vmem>> -> memref<16xi32, #tpu.memory_space<vmem>>
      %dma_wait3A_328 = arith.constant 0 : i32
      %dma_wait3A_329 = arith.constant 0 : i32
      %dma_wait3A_330 = tpu.memref_slice %arg2[%dma_wait3A_328, %dma_wait3A_329] : memref<10112x128xf32, #tpu.memory_space<hbm>> -> memref<10112x128xf32, #tpu.memory_space<hbm>>
      tpu.wait_indirect_dma semaphore(%arg28 : memref<!tpu.dma_semaphore, #tpu.memory_space<semaphore_mem>>) src(%dma_wait3A_330 : memref<10112x128xf32, #tpu.memory_space<hbm>>) dst(%arg15 : memref<16x128xf32, #tpu.memory_space<vmem>>)
      %mul3A_331 = arith.constant 16 : i32
      %mul3A_332 = arith.muli %add3A_325, %mul3A_331 : i32
      %dma_start3A_333 = tpu.memref_slice %arg8[%mul3A_332] : memref<10080xi32, #tpu.memory_space<vmem>> -> memref<16xi32, #tpu.memory_space<vmem>>
      %dma_start3A_334 = arith.constant 0 : i32
      %dma_start3A_335 = arith.constant 0 : i32
      %dma_start3A_336 = tpu.memref_slice %arg21[%dma_start3A_334, %dma_start3A_335] : memref<10112x128xf32, #tpu.memory_space<vmem_shared>> -> memref<10112x128xf32, #tpu.memory_space<vmem_shared>>
      tpu.enqueue_indirect_dma source(%arg15 : memref<16x128xf32, #tpu.memory_space<vmem>>) target(%dma_start3A_336 : memref<10112x128xf32, #tpu.memory_space<vmem_shared>>) offsets(%dma_start3A_333 : memref<16xi32, #tpu.memory_space<vmem>>) semaphore(%arg40 : memref<!tpu.dma_semaphore, #tpu.memory_space<semaphore_mem>>) {add = true}
      %add3A_337 = arith.constant 12 : i32
      %add3A_338 = arith.addi %add3A_325, %add3A_337 : i32
      %sub3A_339 = arith.constant 1 : i32
      %sub3A_340 = arith.subi %add3A_338, %sub3A_339 : i32
      %lt3A_341 = arith.constant 630 : i32
      %lt3A_342 = arith.cmpi slt, %sub3A_340, %lt3A_341 : i32
      %convert_element_type3A_343 = arith.extui %lt3A_342 : i1 to i32
      %cond3A_344 = arith.constant 0 : i32
      %cond3A_345 = arith.cmpi ne, %convert_element_type3A_343, %cond3A_344 : i32
      scf.if %cond3A_345 {
        %ge3A = arith.constant 1 : i32
        %ge3A_457 = arith.cmpi sge, %add3A_325, %ge3A : i32
        %convert_element_type3A_458 = arith.extui %ge3A_457 : i1 to i32
        %cond3A_459 = arith.constant 0 : i32
        %cond3A_460 = arith.cmpi ne, %convert_element_type3A_458, %cond3A_459 : i32
        scf.if %cond3A_460 {
          %dma_wait3A_471 = arith.constant 0 : i32
          %dma_wait3A_472 = tpu.memref_slice %arg8[%dma_wait3A_471] : memref<10080xi32, #tpu.memory_space<vmem>> -> memref<16xi32, #tpu.memory_space<vmem>>
          %dma_wait3A_473 = arith.constant 0 : i32
          %dma_wait3A_474 = arith.constant 0 : i32
          %dma_wait3A_475 = tpu.memref_slice %arg21[%dma_wait3A_473, %dma_wait3A_474] : memref<10112x128xf32, #tpu.memory_space<vmem_shared>> -> memref<10112x128xf32, #tpu.memory_space<vmem_shared>>
          tpu.wait_indirect_dma semaphore(%arg39 : memref<!tpu.dma_semaphore, #tpu.memory_space<semaphore_mem>>) src(%arg14 : memref<16x128xf32, #tpu.memory_space<vmem>>) dst(%dma_wait3A_475 : memref<10112x128xf32, #tpu.memory_space<vmem_shared>>)
        } else {
        }
        %add3A_461 = arith.constant 12 : i32
        %add3A_462 = arith.addi %add3A_325, %add3A_461 : i32
        %sub3A_463 = arith.constant 1 : i32
        %sub3A_464 = arith.subi %add3A_462, %sub3A_463 : i32
        %mul3A_465 = arith.constant 16 : i32
        %mul3A_466 = arith.muli %sub3A_464, %mul3A_465 : i32
        %dma_start3A_467 = tpu.memref_slice %arg7[%mul3A_466] : memref<10080xi32, #tpu.memory_space<vmem>> -> memref<16xi32, #tpu.memory_space<vmem>>
        %dma_start3A_468 = arith.constant 0 : i32
        %dma_start3A_469 = arith.constant 0 : i32
        %dma_start3A_470 = tpu.memref_slice %arg2[%dma_start3A_468, %dma_start3A_469] : memref<10112x128xf32, #tpu.memory_space<hbm>> -> memref<10112x128xf32, #tpu.memory_space<hbm>>
        tpu.enqueue_indirect_dma source(%dma_start3A_470 : memref<10112x128xf32, #tpu.memory_space<hbm>>) target(%arg14 : memref<16x128xf32, #tpu.memory_space<vmem>>) offsets(%dma_start3A_467 : memref<16xi32, #tpu.memory_space<vmem>>) semaphore(%arg27 : memref<!tpu.dma_semaphore, #tpu.memory_space<semaphore_mem>>)
      } else {
      }
      %add3A_346 = arith.constant 7 : i32
      %add3A_347 = arith.addi %mul3A_193, %add3A_346 : i32
      %dma_wait3A_348 = arith.constant 0 : i32
      %dma_wait3A_349 = tpu.memref_slice %arg7[%dma_wait3A_348] : memref<10080xi32, #tpu.memory_space<vmem>> -> memref<16xi32, #tpu.memory_space<vmem>>
      %dma_wait3A_350 = arith.constant 0 : i32
      %dma_wait3A_351 = arith.constant 0 : i32
      %dma_wait3A_352 = tpu.memref_slice %arg2[%dma_wait3A_350, %dma_wait3A_351] : memref<10112x128xf32, #tpu.memory_space<hbm>> -> memref<10112x128xf32, #tpu.memory_space<hbm>>
      tpu.wait_indirect_dma semaphore(%arg29 : memref<!tpu.dma_semaphore, #tpu.memory_space<semaphore_mem>>) src(%dma_wait3A_352 : memref<10112x128xf32, #tpu.memory_space<hbm>>) dst(%arg16 : memref<16x128xf32, #tpu.memory_space<vmem>>)
      %mul3A_353 = arith.constant 16 : i32
      %mul3A_354 = arith.muli %add3A_347, %mul3A_353 : i32
      %dma_start3A_355 = tpu.memref_slice %arg8[%mul3A_354] : memref<10080xi32, #tpu.memory_space<vmem>> -> memref<16xi32, #tpu.memory_space<vmem>>
      %dma_start3A_356 = arith.constant 0 : i32
      %dma_start3A_357 = arith.constant 0 : i32
      %dma_start3A_358 = tpu.memref_slice %arg21[%dma_start3A_356, %dma_start3A_357] : memref<10112x128xf32, #tpu.memory_space<vmem_shared>> -> memref<10112x128xf32, #tpu.memory_space<vmem_shared>>
      tpu.enqueue_indirect_dma source(%arg16 : memref<16x128xf32, #tpu.memory_space<vmem>>) target(%dma_start3A_358 : memref<10112x128xf32, #tpu.memory_space<vmem_shared>>) offsets(%dma_start3A_355 : memref<16xi32, #tpu.memory_space<vmem>>) semaphore(%arg41 : memref<!tpu.dma_semaphore, #tpu.memory_space<semaphore_mem>>) {add = true}
      %add3A_359 = arith.constant 12 : i32
      %add3A_360 = arith.addi %add3A_347, %add3A_359 : i32
      %sub3A_361 = arith.constant 1 : i32
      %sub3A_362 = arith.subi %add3A_360, %sub3A_361 : i32
      %lt3A_363 = arith.constant 630 : i32
      %lt3A_364 = arith.cmpi slt, %sub3A_362, %lt3A_363 : i32
      %convert_element_type3A_365 = arith.extui %lt3A_364 : i1 to i32
      %cond3A_366 = arith.constant 0 : i32
      %cond3A_367 = arith.cmpi ne, %convert_element_type3A_365, %cond3A_366 : i32
      scf.if %cond3A_367 {
        %ge3A = arith.constant 1 : i32
        %ge3A_457 = arith.cmpi sge, %add3A_347, %ge3A : i32
        %convert_element_type3A_458 = arith.extui %ge3A_457 : i1 to i32
        %cond3A_459 = arith.constant 0 : i32
        %cond3A_460 = arith.cmpi ne, %convert_element_type3A_458, %cond3A_459 : i32
        scf.if %cond3A_460 {
          %dma_wait3A_471 = arith.constant 0 : i32
          %dma_wait3A_472 = tpu.memref_slice %arg8[%dma_wait3A_471] : memref<10080xi32, #tpu.memory_space<vmem>> -> memref<16xi32, #tpu.memory_space<vmem>>
          %dma_wait3A_473 = arith.constant 0 : i32
          %dma_wait3A_474 = arith.constant 0 : i32
          %dma_wait3A_475 = tpu.memref_slice %arg21[%dma_wait3A_473, %dma_wait3A_474] : memref<10112x128xf32, #tpu.memory_space<vmem_shared>> -> memref<10112x128xf32, #tpu.memory_space<vmem_shared>>
          tpu.wait_indirect_dma semaphore(%arg40 : memref<!tpu.dma_semaphore, #tpu.memory_space<semaphore_mem>>) src(%arg15 : memref<16x128xf32, #tpu.memory_space<vmem>>) dst(%dma_wait3A_475 : memref<10112x128xf32, #tpu.memory_space<vmem_shared>>)
        } else {
        }
        %add3A_461 = arith.constant 12 : i32
        %add3A_462 = arith.addi %add3A_347, %add3A_461 : i32
        %sub3A_463 = arith.constant 1 : i32
        %sub3A_464 = arith.subi %add3A_462, %sub3A_463 : i32
        %mul3A_465 = arith.constant 16 : i32
        %mul3A_466 = arith.muli %sub3A_464, %mul3A_465 : i32
        %dma_start3A_467 = tpu.memref_slice %arg7[%mul3A_466] : memref<10080xi32, #tpu.memory_space<vmem>> -> memref<16xi32, #tpu.memory_space<vmem>>
        %dma_start3A_468 = arith.constant 0 : i32
        %dma_start3A_469 = arith.constant 0 : i32
        %dma_start3A_470 = tpu.memref_slice %arg2[%dma_start3A_468, %dma_start3A_469] : memref<10112x128xf32, #tpu.memory_space<hbm>> -> memref<10112x128xf32, #tpu.memory_space<hbm>>
        tpu.enqueue_indirect_dma source(%dma_start3A_470 : memref<10112x128xf32, #tpu.memory_space<hbm>>) target(%arg15 : memref<16x128xf32, #tpu.memory_space<vmem>>) offsets(%dma_start3A_467 : memref<16xi32, #tpu.memory_space<vmem>>) semaphore(%arg28 : memref<!tpu.dma_semaphore, #tpu.memory_space<semaphore_mem>>)
      } else {
      }
      %add3A_368 = arith.constant 8 : i32
      %add3A_369 = arith.addi %mul3A_193, %add3A_368 : i32
      %dma_wait3A_370 = arith.constant 0 : i32
      %dma_wait3A_371 = tpu.memref_slice %arg7[%dma_wait3A_370] : memref<10080xi32, #tpu.memory_space<vmem>> -> memref<16xi32, #tpu.memory_space<vmem>>
      %dma_wait3A_372 = arith.constant 0 : i32
      %dma_wait3A_373 = arith.constant 0 : i32
      %dma_wait3A_374 = tpu.memref_slice %arg2[%dma_wait3A_372, %dma_wait3A_373] : memref<10112x128xf32, #tpu.memory_space<hbm>> -> memref<10112x128xf32, #tpu.memory_space<hbm>>
      tpu.wait_indirect_dma semaphore(%arg30 : memref<!tpu.dma_semaphore, #tpu.memory_space<semaphore_mem>>) src(%dma_wait3A_374 : memref<10112x128xf32, #tpu.memory_space<hbm>>) dst(%arg17 : memref<16x128xf32, #tpu.memory_space<vmem>>)
      %mul3A_375 = arith.constant 16 : i32
      %mul3A_376 = arith.muli %add3A_369, %mul3A_375 : i32
      %dma_start3A_377 = tpu.memref_slice %arg8[%mul3A_376] : memref<10080xi32, #tpu.memory_space<vmem>> -> memref<16xi32, #tpu.memory_space<vmem>>
      %dma_start3A_378 = arith.constant 0 : i32
      %dma_start3A_379 = arith.constant 0 : i32
      %dma_start3A_380 = tpu.memref_slice %arg21[%dma_start3A_378, %dma_start3A_379] : memref<10112x128xf32, #tpu.memory_space<vmem_shared>> -> memref<10112x128xf32, #tpu.memory_space<vmem_shared>>
      tpu.enqueue_indirect_dma source(%arg17 : memref<16x128xf32, #tpu.memory_space<vmem>>) target(%dma_start3A_380 : memref<10112x128xf32, #tpu.memory_space<vmem_shared>>) offsets(%dma_start3A_377 : memref<16xi32, #tpu.memory_space<vmem>>) semaphore(%arg42 : memref<!tpu.dma_semaphore, #tpu.memory_space<semaphore_mem>>) {add = true}
      %add3A_381 = arith.constant 12 : i32
      %add3A_382 = arith.addi %add3A_369, %add3A_381 : i32
      %sub3A_383 = arith.constant 1 : i32
      %sub3A_384 = arith.subi %add3A_382, %sub3A_383 : i32
      %lt3A_385 = arith.constant 630 : i32
      %lt3A_386 = arith.cmpi slt, %sub3A_384, %lt3A_385 : i32
      %convert_element_type3A_387 = arith.extui %lt3A_386 : i1 to i32
      %cond3A_388 = arith.constant 0 : i32
      %cond3A_389 = arith.cmpi ne, %convert_element_type3A_387, %cond3A_388 : i32
      scf.if %cond3A_389 {
        %ge3A = arith.constant 1 : i32
        %ge3A_457 = arith.cmpi sge, %add3A_369, %ge3A : i32
        %convert_element_type3A_458 = arith.extui %ge3A_457 : i1 to i32
        %cond3A_459 = arith.constant 0 : i32
        %cond3A_460 = arith.cmpi ne, %convert_element_type3A_458, %cond3A_459 : i32
        scf.if %cond3A_460 {
          %dma_wait3A_471 = arith.constant 0 : i32
          %dma_wait3A_472 = tpu.memref_slice %arg8[%dma_wait3A_471] : memref<10080xi32, #tpu.memory_space<vmem>> -> memref<16xi32, #tpu.memory_space<vmem>>
          %dma_wait3A_473 = arith.constant 0 : i32
          %dma_wait3A_474 = arith.constant 0 : i32
          %dma_wait3A_475 = tpu.memref_slice %arg21[%dma_wait3A_473, %dma_wait3A_474] : memref<10112x128xf32, #tpu.memory_space<vmem_shared>> -> memref<10112x128xf32, #tpu.memory_space<vmem_shared>>
          tpu.wait_indirect_dma semaphore(%arg41 : memref<!tpu.dma_semaphore, #tpu.memory_space<semaphore_mem>>) src(%arg16 : memref<16x128xf32, #tpu.memory_space<vmem>>) dst(%dma_wait3A_475 : memref<10112x128xf32, #tpu.memory_space<vmem_shared>>)
        } else {
        }
        %add3A_461 = arith.constant 12 : i32
        %add3A_462 = arith.addi %add3A_369, %add3A_461 : i32
        %sub3A_463 = arith.constant 1 : i32
        %sub3A_464 = arith.subi %add3A_462, %sub3A_463 : i32
        %mul3A_465 = arith.constant 16 : i32
        %mul3A_466 = arith.muli %sub3A_464, %mul3A_465 : i32
        %dma_start3A_467 = tpu.memref_slice %arg7[%mul3A_466] : memref<10080xi32, #tpu.memory_space<vmem>> -> memref<16xi32, #tpu.memory_space<vmem>>
        %dma_start3A_468 = arith.constant 0 : i32
        %dma_start3A_469 = arith.constant 0 : i32
        %dma_start3A_470 = tpu.memref_slice %arg2[%dma_start3A_468, %dma_start3A_469] : memref<10112x128xf32, #tpu.memory_space<hbm>> -> memref<10112x128xf32, #tpu.memory_space<hbm>>
        tpu.enqueue_indirect_dma source(%dma_start3A_470 : memref<10112x128xf32, #tpu.memory_space<hbm>>) target(%arg16 : memref<16x128xf32, #tpu.memory_space<vmem>>) offsets(%dma_start3A_467 : memref<16xi32, #tpu.memory_space<vmem>>) semaphore(%arg29 : memref<!tpu.dma_semaphore, #tpu.memory_space<semaphore_mem>>)
      } else {
      }
      %add3A_390 = arith.constant 9 : i32
      %add3A_391 = arith.addi %mul3A_193, %add3A_390 : i32
      %dma_wait3A_392 = arith.constant 0 : i32
      %dma_wait3A_393 = tpu.memref_slice %arg7[%dma_wait3A_392] : memref<10080xi32, #tpu.memory_space<vmem>> -> memref<16xi32, #tpu.memory_space<vmem>>
      %dma_wait3A_394 = arith.constant 0 : i32
      %dma_wait3A_395 = arith.constant 0 : i32
      %dma_wait3A_396 = tpu.memref_slice %arg2[%dma_wait3A_394, %dma_wait3A_395] : memref<10112x128xf32, #tpu.memory_space<hbm>> -> memref<10112x128xf32, #tpu.memory_space<hbm>>
      tpu.wait_indirect_dma semaphore(%arg31 : memref<!tpu.dma_semaphore, #tpu.memory_space<semaphore_mem>>) src(%dma_wait3A_396 : memref<10112x128xf32, #tpu.memory_space<hbm>>) dst(%arg18 : memref<16x128xf32, #tpu.memory_space<vmem>>)
      %mul3A_397 = arith.constant 16 : i32
      %mul3A_398 = arith.muli %add3A_391, %mul3A_397 : i32
      %dma_start3A_399 = tpu.memref_slice %arg8[%mul3A_398] : memref<10080xi32, #tpu.memory_space<vmem>> -> memref<16xi32, #tpu.memory_space<vmem>>
      %dma_start3A_400 = arith.constant 0 : i32
      %dma_start3A_401 = arith.constant 0 : i32
      %dma_start3A_402 = tpu.memref_slice %arg21[%dma_start3A_400, %dma_start3A_401] : memref<10112x128xf32, #tpu.memory_space<vmem_shared>> -> memref<10112x128xf32, #tpu.memory_space<vmem_shared>>
      tpu.enqueue_indirect_dma source(%arg18 : memref<16x128xf32, #tpu.memory_space<vmem>>) target(%dma_start3A_402 : memref<10112x128xf32, #tpu.memory_space<vmem_shared>>) offsets(%dma_start3A_399 : memref<16xi32, #tpu.memory_space<vmem>>) semaphore(%arg43 : memref<!tpu.dma_semaphore, #tpu.memory_space<semaphore_mem>>) {add = true}
      %add3A_403 = arith.constant 12 : i32
      %add3A_404 = arith.addi %add3A_391, %add3A_403 : i32
      %sub3A_405 = arith.constant 1 : i32
      %sub3A_406 = arith.subi %add3A_404, %sub3A_405 : i32
      %lt3A_407 = arith.constant 630 : i32
      %lt3A_408 = arith.cmpi slt, %sub3A_406, %lt3A_407 : i32
      %convert_element_type3A_409 = arith.extui %lt3A_408 : i1 to i32
      %cond3A_410 = arith.constant 0 : i32
      %cond3A_411 = arith.cmpi ne, %convert_element_type3A_409, %cond3A_410 : i32
      scf.if %cond3A_411 {
        %ge3A = arith.constant 1 : i32
        %ge3A_457 = arith.cmpi sge, %add3A_391, %ge3A : i32
        %convert_element_type3A_458 = arith.extui %ge3A_457 : i1 to i32
        %cond3A_459 = arith.constant 0 : i32
        %cond3A_460 = arith.cmpi ne, %convert_element_type3A_458, %cond3A_459 : i32
        scf.if %cond3A_460 {
          %dma_wait3A_471 = arith.constant 0 : i32
          %dma_wait3A_472 = tpu.memref_slice %arg8[%dma_wait3A_471] : memref<10080xi32, #tpu.memory_space<vmem>> -> memref<16xi32, #tpu.memory_space<vmem>>
          %dma_wait3A_473 = arith.constant 0 : i32
          %dma_wait3A_474 = arith.constant 0 : i32
          %dma_wait3A_475 = tpu.memref_slice %arg21[%dma_wait3A_473, %dma_wait3A_474] : memref<10112x128xf32, #tpu.memory_space<vmem_shared>> -> memref<10112x128xf32, #tpu.memory_space<vmem_shared>>
          tpu.wait_indirect_dma semaphore(%arg42 : memref<!tpu.dma_semaphore, #tpu.memory_space<semaphore_mem>>) src(%arg17 : memref<16x128xf32, #tpu.memory_space<vmem>>) dst(%dma_wait3A_475 : memref<10112x128xf32, #tpu.memory_space<vmem_shared>>)
        } else {
        }
        %add3A_461 = arith.constant 12 : i32
        %add3A_462 = arith.addi %add3A_391, %add3A_461 : i32
        %sub3A_463 = arith.constant 1 : i32
        %sub3A_464 = arith.subi %add3A_462, %sub3A_463 : i32
        %mul3A_465 = arith.constant 16 : i32
        %mul3A_466 = arith.muli %sub3A_464, %mul3A_465 : i32
        %dma_start3A_467 = tpu.memref_slice %arg7[%mul3A_466] : memref<10080xi32, #tpu.memory_space<vmem>> -> memref<16xi32, #tpu.memory_space<vmem>>
        %dma_start3A_468 = arith.constant 0 : i32
        %dma_start3A_469 = arith.constant 0 : i32
        %dma_start3A_470 = tpu.memref_slice %arg2[%dma_start3A_468, %dma_start3A_469] : memref<10112x128xf32, #tpu.memory_space<hbm>> -> memref<10112x128xf32, #tpu.memory_space<hbm>>
        tpu.enqueue_indirect_dma source(%dma_start3A_470 : memref<10112x128xf32, #tpu.memory_space<hbm>>) target(%arg17 : memref<16x128xf32, #tpu.memory_space<vmem>>) offsets(%dma_start3A_467 : memref<16xi32, #tpu.memory_space<vmem>>) semaphore(%arg30 : memref<!tpu.dma_semaphore, #tpu.memory_space<semaphore_mem>>)
      } else {
      }
      %add3A_412 = arith.constant 10 : i32
      %add3A_413 = arith.addi %mul3A_193, %add3A_412 : i32
      %dma_wait3A_414 = arith.constant 0 : i32
      %dma_wait3A_415 = tpu.memref_slice %arg7[%dma_wait3A_414] : memref<10080xi32, #tpu.memory_space<vmem>> -> memref<16xi32, #tpu.memory_space<vmem>>
      %dma_wait3A_416 = arith.constant 0 : i32
      %dma_wait3A_417 = arith.constant 0 : i32
      %dma_wait3A_418 = tpu.memref_slice %arg2[%dma_wait3A_416, %dma_wait3A_417] : memref<10112x128xf32, #tpu.memory_space<hbm>> -> memref<10112x128xf32, #tpu.memory_space<hbm>>
      tpu.wait_indirect_dma semaphore(%arg32 : memref<!tpu.dma_semaphore, #tpu.memory_space<semaphore_mem>>) src(%dma_wait3A_418 : memref<10112x128xf32, #tpu.memory_space<hbm>>) dst(%arg19 : memref<16x128xf32, #tpu.memory_space<vmem>>)
      %mul3A_419 = arith.constant 16 : i32
      %mul3A_420 = arith.muli %add3A_413, %mul3A_419 : i32
      %dma_start3A_421 = tpu.memref_slice %arg8[%mul3A_420] : memref<10080xi32, #tpu.memory_space<vmem>> -> memref<16xi32, #tpu.memory_space<vmem>>
      %dma_start3A_422 = arith.constant 0 : i32
      %dma_start3A_423 = arith.constant 0 : i32
      %dma_start3A_424 = tpu.memref_slice %arg21[%dma_start3A_422, %dma_start3A_423] : memref<10112x128xf32, #tpu.memory_space<vmem_shared>> -> memref<10112x128xf32, #tpu.memory_space<vmem_shared>>
      tpu.enqueue_indirect_dma source(%arg19 : memref<16x128xf32, #tpu.memory_space<vmem>>) target(%dma_start3A_424 : memref<10112x128xf32, #tpu.memory_space<vmem_shared>>) offsets(%dma_start3A_421 : memref<16xi32, #tpu.memory_space<vmem>>) semaphore(%arg44 : memref<!tpu.dma_semaphore, #tpu.memory_space<semaphore_mem>>) {add = true}
      %add3A_425 = arith.constant 12 : i32
      %add3A_426 = arith.addi %add3A_413, %add3A_425 : i32
      %sub3A_427 = arith.constant 1 : i32
      %sub3A_428 = arith.subi %add3A_426, %sub3A_427 : i32
      %lt3A_429 = arith.constant 630 : i32
      %lt3A_430 = arith.cmpi slt, %sub3A_428, %lt3A_429 : i32
      %convert_element_type3A_431 = arith.extui %lt3A_430 : i1 to i32
      %cond3A_432 = arith.constant 0 : i32
      %cond3A_433 = arith.cmpi ne, %convert_element_type3A_431, %cond3A_432 : i32
      scf.if %cond3A_433 {
        %ge3A = arith.constant 1 : i32
        %ge3A_457 = arith.cmpi sge, %add3A_413, %ge3A : i32
        %convert_element_type3A_458 = arith.extui %ge3A_457 : i1 to i32
        %cond3A_459 = arith.constant 0 : i32
        %cond3A_460 = arith.cmpi ne, %convert_element_type3A_458, %cond3A_459 : i32
        scf.if %cond3A_460 {
          %dma_wait3A_471 = arith.constant 0 : i32
          %dma_wait3A_472 = tpu.memref_slice %arg8[%dma_wait3A_471] : memref<10080xi32, #tpu.memory_space<vmem>> -> memref<16xi32, #tpu.memory_space<vmem>>
          %dma_wait3A_473 = arith.constant 0 : i32
          %dma_wait3A_474 = arith.constant 0 : i32
          %dma_wait3A_475 = tpu.memref_slice %arg21[%dma_wait3A_473, %dma_wait3A_474] : memref<10112x128xf32, #tpu.memory_space<vmem_shared>> -> memref<10112x128xf32, #tpu.memory_space<vmem_shared>>
          tpu.wait_indirect_dma semaphore(%arg43 : memref<!tpu.dma_semaphore, #tpu.memory_space<semaphore_mem>>) src(%arg18 : memref<16x128xf32, #tpu.memory_space<vmem>>) dst(%dma_wait3A_475 : memref<10112x128xf32, #tpu.memory_space<vmem_shared>>)
        } else {
        }
        %add3A_461 = arith.constant 12 : i32
        %add3A_462 = arith.addi %add3A_413, %add3A_461 : i32
        %sub3A_463 = arith.constant 1 : i32
        %sub3A_464 = arith.subi %add3A_462, %sub3A_463 : i32
        %mul3A_465 = arith.constant 16 : i32
        %mul3A_466 = arith.muli %sub3A_464, %mul3A_465 : i32
        %dma_start3A_467 = tpu.memref_slice %arg7[%mul3A_466] : memref<10080xi32, #tpu.memory_space<vmem>> -> memref<16xi32, #tpu.memory_space<vmem>>
        %dma_start3A_468 = arith.constant 0 : i32
        %dma_start3A_469 = arith.constant 0 : i32
        %dma_start3A_470 = tpu.memref_slice %arg2[%dma_start3A_468, %dma_start3A_469] : memref<10112x128xf32, #tpu.memory_space<hbm>> -> memref<10112x128xf32, #tpu.memory_space<hbm>>
        tpu.enqueue_indirect_dma source(%dma_start3A_470 : memref<10112x128xf32, #tpu.memory_space<hbm>>) target(%arg18 : memref<16x128xf32, #tpu.memory_space<vmem>>) offsets(%dma_start3A_467 : memref<16xi32, #tpu.memory_space<vmem>>) semaphore(%arg31 : memref<!tpu.dma_semaphore, #tpu.memory_space<semaphore_mem>>)
      } else {
      }
      %add3A_434 = arith.constant 11 : i32
      %add3A_435 = arith.addi %mul3A_193, %add3A_434 : i32
      %dma_wait3A_436 = arith.constant 0 : i32
      %dma_wait3A_437 = tpu.memref_slice %arg7[%dma_wait3A_436] : memref<10080xi32, #tpu.memory_space<vmem>> -> memref<16xi32, #tpu.memory_space<vmem>>
      %dma_wait3A_438 = arith.constant 0 : i32
      %dma_wait3A_439 = arith.constant 0 : i32
      %dma_wait3A_440 = tpu.memref_slice %arg2[%dma_wait3A_438, %dma_wait3A_439] : memref<10112x128xf32, #tpu.memory_space<hbm>> -> memref<10112x128xf32, #tpu.memory_space<hbm>>
      tpu.wait_indirect_dma semaphore(%arg33 : memref<!tpu.dma_semaphore, #tpu.memory_space<semaphore_mem>>) src(%dma_wait3A_440 : memref<10112x128xf32, #tpu.memory_space<hbm>>) dst(%arg20 : memref<16x128xf32, #tpu.memory_space<vmem>>)
      %mul3A_441 = arith.constant 16 : i32
      %mul3A_442 = arith.muli %add3A_435, %mul3A_441 : i32
      %dma_start3A_443 = tpu.memref_slice %arg8[%mul3A_442] : memref<10080xi32, #tpu.memory_space<vmem>> -> memref<16xi32, #tpu.memory_space<vmem>>
      %dma_start3A_444 = arith.constant 0 : i32
      %dma_start3A_445 = arith.constant 0 : i32
      %dma_start3A_446 = tpu.memref_slice %arg21[%dma_start3A_444, %dma_start3A_445] : memref<10112x128xf32, #tpu.memory_space<vmem_shared>> -> memref<10112x128xf32, #tpu.memory_space<vmem_shared>>
      tpu.enqueue_indirect_dma source(%arg20 : memref<16x128xf32, #tpu.memory_space<vmem>>) target(%dma_start3A_446 : memref<10112x128xf32, #tpu.memory_space<vmem_shared>>) offsets(%dma_start3A_443 : memref<16xi32, #tpu.memory_space<vmem>>) semaphore(%arg45 : memref<!tpu.dma_semaphore, #tpu.memory_space<semaphore_mem>>) {add = true}
      %add3A_447 = arith.constant 12 : i32
      %add3A_448 = arith.addi %add3A_435, %add3A_447 : i32
      %sub3A_449 = arith.constant 1 : i32
      %sub3A_450 = arith.subi %add3A_448, %sub3A_449 : i32
      %lt3A_451 = arith.constant 630 : i32
      %lt3A_452 = arith.cmpi slt, %sub3A_450, %lt3A_451 : i32
      %convert_element_type3A_453 = arith.extui %lt3A_452 : i1 to i32
      %cond3A_454 = arith.constant 0 : i32
      %cond3A_455 = arith.cmpi ne, %convert_element_type3A_453, %cond3A_454 : i32
      scf.if %cond3A_455 {
        %ge3A = arith.constant 1 : i32
        %ge3A_457 = arith.cmpi sge, %add3A_435, %ge3A : i32
        %convert_element_type3A_458 = arith.extui %ge3A_457 : i1 to i32
        %cond3A_459 = arith.constant 0 : i32
        %cond3A_460 = arith.cmpi ne, %convert_element_type3A_458, %cond3A_459 : i32
        scf.if %cond3A_460 {
          %dma_wait3A_471 = arith.constant 0 : i32
          %dma_wait3A_472 = tpu.memref_slice %arg8[%dma_wait3A_471] : memref<10080xi32, #tpu.memory_space<vmem>> -> memref<16xi32, #tpu.memory_space<vmem>>
          %dma_wait3A_473 = arith.constant 0 : i32
          %dma_wait3A_474 = arith.constant 0 : i32
          %dma_wait3A_475 = tpu.memref_slice %arg21[%dma_wait3A_473, %dma_wait3A_474] : memref<10112x128xf32, #tpu.memory_space<vmem_shared>> -> memref<10112x128xf32, #tpu.memory_space<vmem_shared>>
          tpu.wait_indirect_dma semaphore(%arg44 : memref<!tpu.dma_semaphore, #tpu.memory_space<semaphore_mem>>) src(%arg19 : memref<16x128xf32, #tpu.memory_space<vmem>>) dst(%dma_wait3A_475 : memref<10112x128xf32, #tpu.memory_space<vmem_shared>>)
        } else {
        }
        %add3A_461 = arith.constant 12 : i32
        %add3A_462 = arith.addi %add3A_435, %add3A_461 : i32
        %sub3A_463 = arith.constant 1 : i32
        %sub3A_464 = arith.subi %add3A_462, %sub3A_463 : i32
        %mul3A_465 = arith.constant 16 : i32
        %mul3A_466 = arith.muli %sub3A_464, %mul3A_465 : i32
        %dma_start3A_467 = tpu.memref_slice %arg7[%mul3A_466] : memref<10080xi32, #tpu.memory_space<vmem>> -> memref<16xi32, #tpu.memory_space<vmem>>
        %dma_start3A_468 = arith.constant 0 : i32
        %dma_start3A_469 = arith.constant 0 : i32
        %dma_start3A_470 = tpu.memref_slice %arg2[%dma_start3A_468, %dma_start3A_469] : memref<10112x128xf32, #tpu.memory_space<hbm>> -> memref<10112x128xf32, #tpu.memory_space<hbm>>
        tpu.enqueue_indirect_dma source(%dma_start3A_470 : memref<10112x128xf32, #tpu.memory_space<hbm>>) target(%arg19 : memref<16x128xf32, #tpu.memory_space<vmem>>) offsets(%dma_start3A_467 : memref<16xi32, #tpu.memory_space<vmem>>) semaphore(%arg32 : memref<!tpu.dma_semaphore, #tpu.memory_space<semaphore_mem>>)
      } else {
      }
      %scan3A_456 = arith.constant 0 : i32
      scf.yield %scan3A_456 : i32
    }
    %scan3A_62 = arith.constant 52 : i32
    %dma_wait3A = arith.constant 0 : i32
    %dma_wait3A_63 = tpu.memref_slice %arg7[%dma_wait3A] : memref<10080xi32, #tpu.memory_space<vmem>> -> memref<16xi32, #tpu.memory_space<vmem>>
    %dma_wait3A_64 = arith.constant 0 : i32
    %dma_wait3A_65 = arith.constant 0 : i32
    %dma_wait3A_66 = tpu.memref_slice %arg2[%dma_wait3A_64, %dma_wait3A_65] : memref<10112x128xf32, #tpu.memory_space<hbm>> -> memref<10112x128xf32, #tpu.memory_space<hbm>>
    tpu.wait_indirect_dma semaphore(%arg22 : memref<!tpu.dma_semaphore, #tpu.memory_space<semaphore_mem>>) src(%dma_wait3A_66 : memref<10112x128xf32, #tpu.memory_space<hbm>>) dst(%arg9 : memref<16x128xf32, #tpu.memory_space<vmem>>)
    %dma_start3A_67 = arith.constant 9984 : i32
    %dma_start3A_68 = tpu.memref_slice %arg8[%dma_start3A_67] : memref<10080xi32, #tpu.memory_space<vmem>> -> memref<16xi32, #tpu.memory_space<vmem>>
    %dma_start3A_69 = arith.constant 0 : i32
    %dma_start3A_70 = arith.constant 0 : i32
    %dma_start3A_71 = tpu.memref_slice %arg21[%dma_start3A_69, %dma_start3A_70] : memref<10112x128xf32, #tpu.memory_space<vmem_shared>> -> memref<10112x128xf32, #tpu.memory_space<vmem_shared>>
    tpu.enqueue_indirect_dma source(%arg9 : memref<16x128xf32, #tpu.memory_space<vmem>>) target(%dma_start3A_71 : memref<10112x128xf32, #tpu.memory_space<vmem_shared>>) offsets(%dma_start3A_68 : memref<16xi32, #tpu.memory_space<vmem>>) semaphore(%arg34 : memref<!tpu.dma_semaphore, #tpu.memory_space<semaphore_mem>>) {add = true}
    %dma_wait3A_72 = arith.constant 0 : i32
    %dma_wait3A_73 = tpu.memref_slice %arg7[%dma_wait3A_72] : memref<10080xi32, #tpu.memory_space<vmem>> -> memref<16xi32, #tpu.memory_space<vmem>>
    %dma_wait3A_74 = arith.constant 0 : i32
    %dma_wait3A_75 = arith.constant 0 : i32
    %dma_wait3A_76 = tpu.memref_slice %arg2[%dma_wait3A_74, %dma_wait3A_75] : memref<10112x128xf32, #tpu.memory_space<hbm>> -> memref<10112x128xf32, #tpu.memory_space<hbm>>
    tpu.wait_indirect_dma semaphore(%arg23 : memref<!tpu.dma_semaphore, #tpu.memory_space<semaphore_mem>>) src(%dma_wait3A_76 : memref<10112x128xf32, #tpu.memory_space<hbm>>) dst(%arg10 : memref<16x128xf32, #tpu.memory_space<vmem>>)
    %dma_start3A_77 = arith.constant 10000 : i32
    %dma_start3A_78 = tpu.memref_slice %arg8[%dma_start3A_77] : memref<10080xi32, #tpu.memory_space<vmem>> -> memref<16xi32, #tpu.memory_space<vmem>>
    %dma_start3A_79 = arith.constant 0 : i32
    %dma_start3A_80 = arith.constant 0 : i32
    %dma_start3A_81 = tpu.memref_slice %arg21[%dma_start3A_79, %dma_start3A_80] : memref<10112x128xf32, #tpu.memory_space<vmem_shared>> -> memref<10112x128xf32, #tpu.memory_space<vmem_shared>>
    tpu.enqueue_indirect_dma source(%arg10 : memref<16x128xf32, #tpu.memory_space<vmem>>) target(%dma_start3A_81 : memref<10112x128xf32, #tpu.memory_space<vmem_shared>>) offsets(%dma_start3A_78 : memref<16xi32, #tpu.memory_space<vmem>>) semaphore(%arg35 : memref<!tpu.dma_semaphore, #tpu.memory_space<semaphore_mem>>) {add = true}
    %dma_wait3A_82 = arith.constant 0 : i32
    %dma_wait3A_83 = tpu.memref_slice %arg7[%dma_wait3A_82] : memref<10080xi32, #tpu.memory_space<vmem>> -> memref<16xi32, #tpu.memory_space<vmem>>
    %dma_wait3A_84 = arith.constant 0 : i32
    %dma_wait3A_85 = arith.constant 0 : i32
    %dma_wait3A_86 = tpu.memref_slice %arg2[%dma_wait3A_84, %dma_wait3A_85] : memref<10112x128xf32, #tpu.memory_space<hbm>> -> memref<10112x128xf32, #tpu.memory_space<hbm>>
    tpu.wait_indirect_dma semaphore(%arg24 : memref<!tpu.dma_semaphore, #tpu.memory_space<semaphore_mem>>) src(%dma_wait3A_86 : memref<10112x128xf32, #tpu.memory_space<hbm>>) dst(%arg11 : memref<16x128xf32, #tpu.memory_space<vmem>>)
    %dma_start3A_87 = arith.constant 10016 : i32
    %dma_start3A_88 = tpu.memref_slice %arg8[%dma_start3A_87] : memref<10080xi32, #tpu.memory_space<vmem>> -> memref<16xi32, #tpu.memory_space<vmem>>
    %dma_start3A_89 = arith.constant 0 : i32
    %dma_start3A_90 = arith.constant 0 : i32
    %dma_start3A_91 = tpu.memref_slice %arg21[%dma_start3A_89, %dma_start3A_90] : memref<10112x128xf32, #tpu.memory_space<vmem_shared>> -> memref<10112x128xf32, #tpu.memory_space<vmem_shared>>
    tpu.enqueue_indirect_dma source(%arg11 : memref<16x128xf32, #tpu.memory_space<vmem>>) target(%dma_start3A_91 : memref<10112x128xf32, #tpu.memory_space<vmem_shared>>) offsets(%dma_start3A_88 : memref<16xi32, #tpu.memory_space<vmem>>) semaphore(%arg36 : memref<!tpu.dma_semaphore, #tpu.memory_space<semaphore_mem>>) {add = true}
    %dma_wait3A_92 = arith.constant 0 : i32
    %dma_wait3A_93 = tpu.memref_slice %arg7[%dma_wait3A_92] : memref<10080xi32, #tpu.memory_space<vmem>> -> memref<16xi32, #tpu.memory_space<vmem>>
    %dma_wait3A_94 = arith.constant 0 : i32
    %dma_wait3A_95 = arith.constant 0 : i32
    %dma_wait3A_96 = tpu.memref_slice %arg2[%dma_wait3A_94, %dma_wait3A_95] : memref<10112x128xf32, #tpu.memory_space<hbm>> -> memref<10112x128xf32, #tpu.memory_space<hbm>>
    tpu.wait_indirect_dma semaphore(%arg25 : memref<!tpu.dma_semaphore, #tpu.memory_space<semaphore_mem>>) src(%dma_wait3A_96 : memref<10112x128xf32, #tpu.memory_space<hbm>>) dst(%arg12 : memref<16x128xf32, #tpu.memory_space<vmem>>)
    %dma_start3A_97 = arith.constant 10032 : i32
    %dma_start3A_98 = tpu.memref_slice %arg8[%dma_start3A_97] : memref<10080xi32, #tpu.memory_space<vmem>> -> memref<16xi32, #tpu.memory_space<vmem>>
    %dma_start3A_99 = arith.constant 0 : i32
    %dma_start3A_100 = arith.constant 0 : i32
    %dma_start3A_101 = tpu.memref_slice %arg21[%dma_start3A_99, %dma_start3A_100] : memref<10112x128xf32, #tpu.memory_space<vmem_shared>> -> memref<10112x128xf32, #tpu.memory_space<vmem_shared>>
    tpu.enqueue_indirect_dma source(%arg12 : memref<16x128xf32, #tpu.memory_space<vmem>>) target(%dma_start3A_101 : memref<10112x128xf32, #tpu.memory_space<vmem_shared>>) offsets(%dma_start3A_98 : memref<16xi32, #tpu.memory_space<vmem>>) semaphore(%arg37 : memref<!tpu.dma_semaphore, #tpu.memory_space<semaphore_mem>>) {add = true}
    %dma_wait3A_102 = arith.constant 0 : i32
    %dma_wait3A_103 = tpu.memref_slice %arg7[%dma_wait3A_102] : memref<10080xi32, #tpu.memory_space<vmem>> -> memref<16xi32, #tpu.memory_space<vmem>>
    %dma_wait3A_104 = arith.constant 0 : i32
    %dma_wait3A_105 = arith.constant 0 : i32
    %dma_wait3A_106 = tpu.memref_slice %arg2[%dma_wait3A_104, %dma_wait3A_105] : memref<10112x128xf32, #tpu.memory_space<hbm>> -> memref<10112x128xf32, #tpu.memory_space<hbm>>
    tpu.wait_indirect_dma semaphore(%arg26 : memref<!tpu.dma_semaphore, #tpu.memory_space<semaphore_mem>>) src(%dma_wait3A_106 : memref<10112x128xf32, #tpu.memory_space<hbm>>) dst(%arg13 : memref<16x128xf32, #tpu.memory_space<vmem>>)
    %dma_start3A_107 = arith.constant 10048 : i32
    %dma_start3A_108 = tpu.memref_slice %arg8[%dma_start3A_107] : memref<10080xi32, #tpu.memory_space<vmem>> -> memref<16xi32, #tpu.memory_space<vmem>>
    %dma_start3A_109 = arith.constant 0 : i32
    %dma_start3A_110 = arith.constant 0 : i32
    %dma_start3A_111 = tpu.memref_slice %arg21[%dma_start3A_109, %dma_start3A_110] : memref<10112x128xf32, #tpu.memory_space<vmem_shared>> -> memref<10112x128xf32, #tpu.memory_space<vmem_shared>>
    tpu.enqueue_indirect_dma source(%arg13 : memref<16x128xf32, #tpu.memory_space<vmem>>) target(%dma_start3A_111 : memref<10112x128xf32, #tpu.memory_space<vmem_shared>>) offsets(%dma_start3A_108 : memref<16xi32, #tpu.memory_space<vmem>>) semaphore(%arg38 : memref<!tpu.dma_semaphore, #tpu.memory_space<semaphore_mem>>) {add = true}
    %dma_wait3A_112 = arith.constant 0 : i32
    %dma_wait3A_113 = tpu.memref_slice %arg7[%dma_wait3A_112] : memref<10080xi32, #tpu.memory_space<vmem>> -> memref<16xi32, #tpu.memory_space<vmem>>
    %dma_wait3A_114 = arith.constant 0 : i32
    %dma_wait3A_115 = arith.constant 0 : i32
    %dma_wait3A_116 = tpu.memref_slice %arg2[%dma_wait3A_114, %dma_wait3A_115] : memref<10112x128xf32, #tpu.memory_space<hbm>> -> memref<10112x128xf32, #tpu.memory_space<hbm>>
    tpu.wait_indirect_dma semaphore(%arg27 : memref<!tpu.dma_semaphore, #tpu.memory_space<semaphore_mem>>) src(%dma_wait3A_116 : memref<10112x128xf32, #tpu.memory_space<hbm>>) dst(%arg14 : memref<16x128xf32, #tpu.memory_space<vmem>>)
    %dma_start3A_117 = arith.constant 10064 : i32
    %dma_start3A_118 = tpu.memref_slice %arg8[%dma_start3A_117] : memref<10080xi32, #tpu.memory_space<vmem>> -> memref<16xi32, #tpu.memory_space<vmem>>
    %dma_start3A_119 = arith.constant 0 : i32
    %dma_start3A_120 = arith.constant 0 : i32
    %dma_start3A_121 = tpu.memref_slice %arg21[%dma_start3A_119, %dma_start3A_120] : memref<10112x128xf32, #tpu.memory_space<vmem_shared>> -> memref<10112x128xf32, #tpu.memory_space<vmem_shared>>
    tpu.enqueue_indirect_dma source(%arg14 : memref<16x128xf32, #tpu.memory_space<vmem>>) target(%dma_start3A_121 : memref<10112x128xf32, #tpu.memory_space<vmem_shared>>) offsets(%dma_start3A_118 : memref<16xi32, #tpu.memory_space<vmem>>) semaphore(%arg39 : memref<!tpu.dma_semaphore, #tpu.memory_space<semaphore_mem>>) {add = true}
    %dma_wait3A_122 = arith.constant 0 : i32
    %dma_wait3A_123 = tpu.memref_slice %arg8[%dma_wait3A_122] : memref<10080xi32, #tpu.memory_space<vmem>> -> memref<16xi32, #tpu.memory_space<vmem>>
    %dma_wait3A_124 = arith.constant 0 : i32
    %dma_wait3A_125 = arith.constant 0 : i32
    %dma_wait3A_126 = tpu.memref_slice %arg21[%dma_wait3A_124, %dma_wait3A_125] : memref<10112x128xf32, #tpu.memory_space<vmem_shared>> -> memref<10112x128xf32, #tpu.memory_space<vmem_shared>>
    tpu.wait_indirect_dma semaphore(%arg34 : memref<!tpu.dma_semaphore, #tpu.memory_space<semaphore_mem>>) src(%arg9 : memref<16x128xf32, #tpu.memory_space<vmem>>) dst(%dma_wait3A_126 : memref<10112x128xf32, #tpu.memory_space<vmem_shared>>)
    %dma_wait3A_127 = arith.constant 0 : i32
    %dma_wait3A_128 = tpu.memref_slice %arg8[%dma_wait3A_127] : memref<10080xi32, #tpu.memory_space<vmem>> -> memref<16xi32, #tpu.memory_space<vmem>>
    %dma_wait3A_129 = arith.constant 0 : i32
    %dma_wait3A_130 = arith.constant 0 : i32
    %dma_wait3A_131 = tpu.memref_slice %arg21[%dma_wait3A_129, %dma_wait3A_130] : memref<10112x128xf32, #tpu.memory_space<vmem_shared>> -> memref<10112x128xf32, #tpu.memory_space<vmem_shared>>
    tpu.wait_indirect_dma semaphore(%arg35 : memref<!tpu.dma_semaphore, #tpu.memory_space<semaphore_mem>>) src(%arg10 : memref<16x128xf32, #tpu.memory_space<vmem>>) dst(%dma_wait3A_131 : memref<10112x128xf32, #tpu.memory_space<vmem_shared>>)
    %dma_wait3A_132 = arith.constant 0 : i32
    %dma_wait3A_133 = tpu.memref_slice %arg8[%dma_wait3A_132] : memref<10080xi32, #tpu.memory_space<vmem>> -> memref<16xi32, #tpu.memory_space<vmem>>
    %dma_wait3A_134 = arith.constant 0 : i32
    %dma_wait3A_135 = arith.constant 0 : i32
    %dma_wait3A_136 = tpu.memref_slice %arg21[%dma_wait3A_134, %dma_wait3A_135] : memref<10112x128xf32, #tpu.memory_space<vmem_shared>> -> memref<10112x128xf32, #tpu.memory_space<vmem_shared>>
    tpu.wait_indirect_dma semaphore(%arg36 : memref<!tpu.dma_semaphore, #tpu.memory_space<semaphore_mem>>) src(%arg11 : memref<16x128xf32, #tpu.memory_space<vmem>>) dst(%dma_wait3A_136 : memref<10112x128xf32, #tpu.memory_space<vmem_shared>>)
    %dma_wait3A_137 = arith.constant 0 : i32
    %dma_wait3A_138 = tpu.memref_slice %arg8[%dma_wait3A_137] : memref<10080xi32, #tpu.memory_space<vmem>> -> memref<16xi32, #tpu.memory_space<vmem>>
    %dma_wait3A_139 = arith.constant 0 : i32
    %dma_wait3A_140 = arith.constant 0 : i32
    %dma_wait3A_141 = tpu.memref_slice %arg21[%dma_wait3A_139, %dma_wait3A_140] : memref<10112x128xf32, #tpu.memory_space<vmem_shared>> -> memref<10112x128xf32, #tpu.memory_space<vmem_shared>>
    tpu.wait_indirect_dma semaphore(%arg37 : memref<!tpu.dma_semaphore, #tpu.memory_space<semaphore_mem>>) src(%arg12 : memref<16x128xf32, #tpu.memory_space<vmem>>) dst(%dma_wait3A_141 : memref<10112x128xf32, #tpu.memory_space<vmem_shared>>)
    %dma_wait3A_142 = arith.constant 0 : i32
    %dma_wait3A_143 = tpu.memref_slice %arg8[%dma_wait3A_142] : memref<10080xi32, #tpu.memory_space<vmem>> -> memref<16xi32, #tpu.memory_space<vmem>>
    %dma_wait3A_144 = arith.constant 0 : i32
    %dma_wait3A_145 = arith.constant 0 : i32
    %dma_wait3A_146 = tpu.memref_slice %arg21[%dma_wait3A_144, %dma_wait3A_145] : memref<10112x128xf32, #tpu.memory_space<vmem_shared>> -> memref<10112x128xf32, #tpu.memory_space<vmem_shared>>
    tpu.wait_indirect_dma semaphore(%arg38 : memref<!tpu.dma_semaphore, #tpu.memory_space<semaphore_mem>>) src(%arg13 : memref<16x128xf32, #tpu.memory_space<vmem>>) dst(%dma_wait3A_146 : memref<10112x128xf32, #tpu.memory_space<vmem_shared>>)
    %dma_wait3A_147 = arith.constant 0 : i32
    %dma_wait3A_148 = tpu.memref_slice %arg8[%dma_wait3A_147] : memref<10080xi32, #tpu.memory_space<vmem>> -> memref<16xi32, #tpu.memory_space<vmem>>
    %dma_wait3A_149 = arith.constant 0 : i32
    %dma_wait3A_150 = arith.constant 0 : i32
    %dma_wait3A_151 = tpu.memref_slice %arg21[%dma_wait3A_149, %dma_wait3A_150] : memref<10112x128xf32, #tpu.memory_space<vmem_shared>> -> memref<10112x128xf32, #tpu.memory_space<vmem_shared>>
    tpu.wait_indirect_dma semaphore(%arg39 : memref<!tpu.dma_semaphore, #tpu.memory_space<semaphore_mem>>) src(%arg14 : memref<16x128xf32, #tpu.memory_space<vmem>>) dst(%dma_wait3A_151 : memref<10112x128xf32, #tpu.memory_space<vmem_shared>>)
    %dma_wait3A_152 = arith.constant 0 : i32
    %dma_wait3A_153 = tpu.memref_slice %arg8[%dma_wait3A_152] : memref<10080xi32, #tpu.memory_space<vmem>> -> memref<16xi32, #tpu.memory_space<vmem>>
    %dma_wait3A_154 = arith.constant 0 : i32
    %dma_wait3A_155 = arith.constant 0 : i32
    %dma_wait3A_156 = tpu.memref_slice %arg21[%dma_wait3A_154, %dma_wait3A_155] : memref<10112x128xf32, #tpu.memory_space<vmem_shared>> -> memref<10112x128xf32, #tpu.memory_space<vmem_shared>>
    tpu.wait_indirect_dma semaphore(%arg40 : memref<!tpu.dma_semaphore, #tpu.memory_space<semaphore_mem>>) src(%arg15 : memref<16x128xf32, #tpu.memory_space<vmem>>) dst(%dma_wait3A_156 : memref<10112x128xf32, #tpu.memory_space<vmem_shared>>)
    %dma_wait3A_157 = arith.constant 0 : i32
    %dma_wait3A_158 = tpu.memref_slice %arg8[%dma_wait3A_157] : memref<10080xi32, #tpu.memory_space<vmem>> -> memref<16xi32, #tpu.memory_space<vmem>>
    %dma_wait3A_159 = arith.constant 0 : i32
    %dma_wait3A_160 = arith.constant 0 : i32
    %dma_wait3A_161 = tpu.memref_slice %arg21[%dma_wait3A_159, %dma_wait3A_160] : memref<10112x128xf32, #tpu.memory_space<vmem_shared>> -> memref<10112x128xf32, #tpu.memory_space<vmem_shared>>
    tpu.wait_indirect_dma semaphore(%arg41 : memref<!tpu.dma_semaphore, #tpu.memory_space<semaphore_mem>>) src(%arg16 : memref<16x128xf32, #tpu.memory_space<vmem>>) dst(%dma_wait3A_161 : memref<10112x128xf32, #tpu.memory_space<vmem_shared>>)
    %dma_wait3A_162 = arith.constant 0 : i32
    %dma_wait3A_163 = tpu.memref_slice %arg8[%dma_wait3A_162] : memref<10080xi32, #tpu.memory_space<vmem>> -> memref<16xi32, #tpu.memory_space<vmem>>
    %dma_wait3A_164 = arith.constant 0 : i32
    %dma_wait3A_165 = arith.constant 0 : i32
    %dma_wait3A_166 = tpu.memref_slice %arg21[%dma_wait3A_164, %dma_wait3A_165] : memref<10112x128xf32, #tpu.memory_space<vmem_shared>> -> memref<10112x128xf32, #tpu.memory_space<vmem_shared>>
    tpu.wait_indirect_dma semaphore(%arg42 : memref<!tpu.dma_semaphore, #tpu.memory_space<semaphore_mem>>) src(%arg17 : memref<16x128xf32, #tpu.memory_space<vmem>>) dst(%dma_wait3A_166 : memref<10112x128xf32, #tpu.memory_space<vmem_shared>>)
    %dma_wait3A_167 = arith.constant 0 : i32
    %dma_wait3A_168 = tpu.memref_slice %arg8[%dma_wait3A_167] : memref<10080xi32, #tpu.memory_space<vmem>> -> memref<16xi32, #tpu.memory_space<vmem>>
    %dma_wait3A_169 = arith.constant 0 : i32
    %dma_wait3A_170 = arith.constant 0 : i32
    %dma_wait3A_171 = tpu.memref_slice %arg21[%dma_wait3A_169, %dma_wait3A_170] : memref<10112x128xf32, #tpu.memory_space<vmem_shared>> -> memref<10112x128xf32, #tpu.memory_space<vmem_shared>>
    tpu.wait_indirect_dma semaphore(%arg43 : memref<!tpu.dma_semaphore, #tpu.memory_space<semaphore_mem>>) src(%arg18 : memref<16x128xf32, #tpu.memory_space<vmem>>) dst(%dma_wait3A_171 : memref<10112x128xf32, #tpu.memory_space<vmem_shared>>)
    %dma_wait3A_172 = arith.constant 0 : i32
    %dma_wait3A_173 = tpu.memref_slice %arg8[%dma_wait3A_172] : memref<10080xi32, #tpu.memory_space<vmem>> -> memref<16xi32, #tpu.memory_space<vmem>>
    %dma_wait3A_174 = arith.constant 0 : i32
    %dma_wait3A_175 = arith.constant 0 : i32
    %dma_wait3A_176 = tpu.memref_slice %arg21[%dma_wait3A_174, %dma_wait3A_175] : memref<10112x128xf32, #tpu.memory_space<vmem_shared>> -> memref<10112x128xf32, #tpu.memory_space<vmem_shared>>
    tpu.wait_indirect_dma semaphore(%arg44 : memref<!tpu.dma_semaphore, #tpu.memory_space<semaphore_mem>>) src(%arg19 : memref<16x128xf32, #tpu.memory_space<vmem>>) dst(%dma_wait3A_176 : memref<10112x128xf32, #tpu.memory_space<vmem_shared>>)
    %dma_wait3A_177 = arith.constant 0 : i32
    %dma_wait3A_178 = tpu.memref_slice %arg8[%dma_wait3A_177] : memref<10080xi32, #tpu.memory_space<vmem>> -> memref<16xi32, #tpu.memory_space<vmem>>
    %dma_wait3A_179 = arith.constant 0 : i32
    %dma_wait3A_180 = arith.constant 0 : i32
    %dma_wait3A_181 = tpu.memref_slice %arg21[%dma_wait3A_179, %dma_wait3A_180] : memref<10112x128xf32, #tpu.memory_space<vmem_shared>> -> memref<10112x128xf32, #tpu.memory_space<vmem_shared>>
    tpu.wait_indirect_dma semaphore(%arg45 : memref<!tpu.dma_semaphore, #tpu.memory_space<semaphore_mem>>) src(%arg20 : memref<16x128xf32, #tpu.memory_space<vmem>>) dst(%dma_wait3A_181 : memref<10112x128xf32, #tpu.memory_space<vmem_shared>>)
    %barrier3A_182 = arith.constant 0 : index
    tpu.barrier barrier_id(%barrier3A_182)
    %eq3A = arith.constant 0 : i32
    %eq3A_183 = arith.cmpi eq, %arg0, %eq3A : i32
    %convert_element_type3A = arith.extui %eq3A_183 : i1 to i32
    %cond3A = arith.constant 0 : i32
    %cond3A_184 = arith.cmpi ne, %convert_element_type3A, %cond3A : i32
    scf.if %cond3A_184 {
      "tpu.region"() ({
        %run_scoped3A = tpu.sem_alloc : memref<!tpu.dma_semaphore, #tpu.memory_space<semaphore_mem>>
        %dma_start3A_190 = arith.constant 0 : i32
        %dma_start3A_191 = tpu.memref_slice %arg5[%mul3A_2, %dma_start3A_190] : memref<10112x128xf32, #tpu.memory_space<hbm>> -> memref<632x128xf32, #tpu.memory_space<hbm>>
        %dma_start3A_192 = arith.constant 0 : i32
        %dma_start3A_193 = tpu.memref_slice %arg21[%mul3A_2, %dma_start3A_192] : memref<10112x128xf32, #tpu.memory_space<vmem_shared>> -> memref<632x128xf32, #tpu.memory_space<vmem_shared>>
        tpu.enqueue_dma source(%dma_start3A_193 : memref<632x128xf32, #tpu.memory_space<vmem_shared>>) target(%dma_start3A_191 : memref<632x128xf32, #tpu.memory_space<hbm>>) target_semaphore(%run_scoped3A : memref<!tpu.dma_semaphore, #tpu.memory_space<semaphore_mem>>)
        %dma_wait3A_194 = arith.constant 0 : i32
        %dma_wait3A_195 = tpu.memref_slice %arg5[%mul3A_2, %dma_wait3A_194] : memref<10112x128xf32, #tpu.memory_space<hbm>> -> memref<632x128xf32, #tpu.memory_space<hbm>>
        %dma_wait3A_196 = arith.constant 0 : i32
        %dma_wait3A_197 = tpu.memref_slice %arg21[%mul3A_2, %dma_wait3A_196] : memref<10112x128xf32, #tpu.memory_space<vmem_shared>> -> memref<632x128xf32, #tpu.memory_space<vmem_shared>>
        tpu.wait_dma2 semaphore(%run_scoped3A : memref<!tpu.dma_semaphore, #tpu.memory_space<semaphore_mem>>) src(%dma_wait3A_197 : memref<632x128xf32, #tpu.memory_space<vmem_shared>>) dst(%dma_wait3A_195 : memref<632x128xf32, #tpu.memory_space<hbm>>)
        tpu.yield
      }) : () -> ()
    } else {
    }
    %eq3A_185 = arith.constant 1 : i32
    %eq3A_186 = arith.cmpi eq, %arg0, %eq3A_185 : i32
    %convert_element_type3A_187 = arith.extui %eq3A_186 : i1 to i32
    %cond3A_188 = arith.constant 0 : i32
    %cond3A_189 = arith.cmpi ne, %convert_element_type3A_187, %cond3A_188 : i32
    scf.if %cond3A_189 {
      "tpu.region"() ({
        %run_scoped3A = tpu.sem_alloc : memref<!tpu.dma_semaphore, #tpu.memory_space<semaphore_mem>>
        %dma_start3A_190 = arith.constant 0 : i32
        %dma_start3A_191 = tpu.memref_slice %arg6[%mul3A_2, %dma_start3A_190] : memref<10112x128xf32, #tpu.memory_space<hbm>> -> memref<632x128xf32, #tpu.memory_space<hbm>>
        %dma_start3A_192 = arith.constant 0 : i32
        %dma_start3A_193 = tpu.memref_slice %arg21[%mul3A_2, %dma_start3A_192] : memref<10112x128xf32, #tpu.memory_space<vmem_shared>> -> memref<632x128xf32, #tpu.memory_space<vmem_shared>>
        tpu.enqueue_dma source(%dma_start3A_193 : memref<632x128xf32, #tpu.memory_space<vmem_shared>>) target(%dma_start3A_191 : memref<632x128xf32, #tpu.memory_space<hbm>>) target_semaphore(%run_scoped3A : memref<!tpu.dma_semaphore, #tpu.memory_space<semaphore_mem>>)
        %dma_wait3A_194 = arith.constant 0 : i32
        %dma_wait3A_195 = tpu.memref_slice %arg6[%mul3A_2, %dma_wait3A_194] : memref<10112x128xf32, #tpu.memory_space<hbm>> -> memref<632x128xf32, #tpu.memory_space<hbm>>
        %dma_wait3A_196 = arith.constant 0 : i32
        %dma_wait3A_197 = tpu.memref_slice %arg21[%mul3A_2, %dma_wait3A_196] : memref<10112x128xf32, #tpu.memory_space<vmem_shared>> -> memref<632x128xf32, #tpu.memory_space<vmem_shared>>
        tpu.wait_dma2 semaphore(%run_scoped3A : memref<!tpu.dma_semaphore, #tpu.memory_space<semaphore_mem>>) src(%dma_wait3A_197 : memref<632x128xf32, #tpu.memory_space<vmem_shared>>) dst(%dma_wait3A_195 : memref<632x128xf32, #tpu.memory_space<hbm>>)
        tpu.yield
      }) : () -> ()
    } else {
    }
    return
  }
}

#map = affine_map<(d0, d1) -> (0, 0)>
module attributes {stable_mosaic.version = 14 : i64} {
  func.func @_mp_body(%arg0: i32, %arg1: i32, %arg2: memref<10112x128xf32, #tpu.memory_space<hbm>>, %arg3: memref<32x10080xi32, #tpu.memory_space<hbm>>, %arg4: memref<32x10080xi32, #tpu.memory_space<hbm>>, %arg5: memref<10112x128xf32, #tpu.memory_space<hbm>>, %arg6: memref<10112x128xf32, #tpu.memory_space<hbm>>, %arg7: memref<10080xi32, #tpu.memory_space<vmem>>, %arg8: memref<10080xi32, #tpu.memory_space<vmem>>, %arg9: memref<16x128xf32, #tpu.memory_space<vmem>>, %arg10: memref<16x128xf32, #tpu.memory_space<vmem>>, %arg11: memref<16x128xf32, #tpu.memory_space<vmem>>, %arg12: memref<16x128xf32, #tpu.memory_space<vmem>>, %arg13: memref<16x128xf32, #tpu.memory_space<vmem>>, %arg14: memref<16x128xf32, #tpu.memory_space<vmem>>, %arg15: memref<16x128xf32, #tpu.memory_space<vmem>>, %arg16: memref<16x128xf32, #tpu.memory_space<vmem>>, %arg17: memref<16x128xf32, #tpu.memory_space<vmem>>, %arg18: memref<16x128xf32, #tpu.memory_space<vmem>>, %arg19: memref<16x128xf32, #tpu.memory_space<vmem>>, %arg20: memref<16x128xf32, #tpu.memory_space<vmem>>, %arg21: memref<10112x128xf32, #tpu.memory_space<vmem_shared>>, %arg22: memref<!tpu.dma_semaphore, #tpu.memory_space<semaphore_mem>>, %arg23: memref<!tpu.dma_semaphore, #tpu.memory_space<semaphore_mem>>, %arg24: memref<!tpu.dma_semaphore, #tpu.memory_space<semaphore_mem>>, %arg25: memref<!tpu.dma_semaphore, #tpu.memory_space<semaphore_mem>>, %arg26: memref<!tpu.dma_semaphore, #tpu.memory_space<semaphore_mem>>, %arg27: memref<!tpu.dma_semaphore, #tpu.memory_space<semaphore_mem>>, %arg28: memref<!tpu.dma_semaphore, #tpu.memory_space<semaphore_mem>>, %arg29: memref<!tpu.dma_semaphore, #tpu.memory_space<semaphore_mem>>, %arg30: memref<!tpu.dma_semaphore, #tpu.memory_space<semaphore_mem>>, %arg31: memref<!tpu.dma_semaphore, #tpu.memory_space<semaphore_mem>>, %arg32: memref<!tpu.dma_semaphore, #tpu.memory_space<semaphore_mem>>, %arg33: memref<!tpu.dma_semaphore, #tpu.memory_space<semaphore_mem>>, %arg34: memref<!tpu.dma_semaphore, #tpu.memory_space<semaphore_mem>>, %arg35: memref<!tpu.dma_semaphore, #tpu.memory_space<semaphore_mem>>, %arg36: memref<!tpu.dma_semaphore, #tpu.memory_space<semaphore_mem>>, %arg37: memref<!tpu.dma_semaphore, #tpu.memory_space<semaphore_mem>>, %arg38: memref<!tpu.dma_semaphore, #tpu.memory_space<semaphore_mem>>, %arg39: memref<!tpu.dma_semaphore, #tpu.memory_space<semaphore_mem>>, %arg40: memref<!tpu.dma_semaphore, #tpu.memory_space<semaphore_mem>>, %arg41: memref<!tpu.dma_semaphore, #tpu.memory_space<semaphore_mem>>, %arg42: memref<!tpu.dma_semaphore, #tpu.memory_space<semaphore_mem>>, %arg43: memref<!tpu.dma_semaphore, #tpu.memory_space<semaphore_mem>>, %arg44: memref<!tpu.dma_semaphore, #tpu.memory_space<semaphore_mem>>, %arg45: memref<!tpu.dma_semaphore, #tpu.memory_space<semaphore_mem>>) attributes {dimension_semantics = [#tpu.dimension_semantics<core_parallel>, #tpu.dimension_semantics<subcore_parallel>], iteration_bounds = array<i64: 2, 16>, scalar_prefetch = 0 : i64, scratch_operands = 39 : i64, tpu.core_type = #tpu.core_type<sc_vector_subcore>, window_params = [{transform_indices = #map}, {transform_indices = #map}, {transform_indices = #map}, {transform_indices = #map}, {transform_indices = #map}]} {
    %mul3A = arith.constant 2 : i32
    %mul3A_0 = arith.muli %arg1, %mul3A : i32
    %add3A = arith.addi %mul3A_0, %arg0 : i32
    %mul3A_1 = arith.constant 632 : i32
    %mul3A_2 = arith.muli %arg1, %mul3A_1 : i32
    "tpu.region"() ({
      %run_scoped3A = tpu.sem_alloc : memref<!tpu.dma_semaphore, #tpu.memory_space<semaphore_mem>>
      %dma_start3A_190 = arith.constant 0 : i32
      %dma_start3A_191 = tpu.memref_slice %arg21[%mul3A_2, %dma_start3A_190] : memref<10112x128xf32, #tpu.memory_space<vmem_shared>> -> memref<632x128xf32, #tpu.memory_space<vmem_shared>>
      %dma_start3A_192 = arith.constant 0 : i32
      %dma_start3A_193 = tpu.memref_slice %arg2[%mul3A_2, %dma_start3A_192] : memref<10112x128xf32, #tpu.memory_space<hbm>> -> memref<632x128xf32, #tpu.memory_space<hbm>>
      tpu.enqueue_dma source(%dma_start3A_193 : memref<632x128xf32, #tpu.memory_space<hbm>>) target(%dma_start3A_191 : memref<632x128xf32, #tpu.memory_space<vmem_shared>>) target_semaphore(%run_scoped3A : memref<!tpu.dma_semaphore, #tpu.memory_space<semaphore_mem>>)
      %dma_wait3A_194 = arith.constant 0 : i32
      %dma_wait3A_195 = tpu.memref_slice %arg21[%mul3A_2, %dma_wait3A_194] : memref<10112x128xf32, #tpu.memory_space<vmem_shared>> -> memref<632x128xf32, #tpu.memory_space<vmem_shared>>
      %dma_wait3A_196 = arith.constant 0 : i32
      %dma_wait3A_197 = tpu.memref_slice %arg2[%mul3A_2, %dma_wait3A_196] : memref<10112x128xf32, #tpu.memory_space<hbm>> -> memref<632x128xf32, #tpu.memory_space<hbm>>
      tpu.wait_dma2 semaphore(%run_scoped3A : memref<!tpu.dma_semaphore, #tpu.memory_space<semaphore_mem>>) src(%dma_wait3A_197 : memref<632x128xf32, #tpu.memory_space<hbm>>) dst(%dma_wait3A_195 : memref<632x128xf32, #tpu.memory_space<vmem_shared>>)
      tpu.yield
    }) : () -> ()
    %barrier3A = arith.constant 0 : index
    tpu.barrier barrier_id(%barrier3A)
    "tpu.region"() ({
      %run_scoped3A = tpu.sem_alloc : memref<!tpu.dma_semaphore, #tpu.memory_space<semaphore_mem>>
      %dma_start3A_190 = arith.constant 0 : i32
      %dma_start3A_191 = tpu.memref_slice %arg3[%add3A, %dma_start3A_190] : memref<32x10080xi32, #tpu.memory_space<hbm>> -> memref<1x10080xi32, #tpu.memory_space<hbm>>
      %dma_start3A_192 = tpu.memref_squeeze %dma_start3A_191 : memref<1x10080xi32, #tpu.memory_space<hbm>> -> memref<10080xi32, #tpu.memory_space<hbm>>
      %dma_start3A_193 = arith.constant 0 : i32
      %dma_start3A_194 = tpu.memref_slice %arg3[%add3A, %dma_start3A_193] : memref<32x10080xi32, #tpu.memory_space<hbm>> -> memref<1x10080xi32, #tpu.memory_space<hbm>>
      %dma_start3A_195 = tpu.memref_squeeze %dma_start3A_194 : memref<1x10080xi32, #tpu.memory_space<hbm>> -> memref<10080xi32, #tpu.memory_space<hbm>>
      tpu.enqueue_dma source(%dma_start3A_195 : memref<10080xi32, #tpu.memory_space<hbm>>) target(%arg7 : memref<10080xi32, #tpu.memory_space<vmem>>) target_semaphore(%run_scoped3A : memref<!tpu.dma_semaphore, #tpu.memory_space<semaphore_mem>>)
      %dma_wait3A_196 = arith.constant 0 : i32
      %dma_wait3A_197 = tpu.memref_slice %arg3[%add3A, %dma_wait3A_196] : memref<32x10080xi32, #tpu.memory_space<hbm>> -> memref<1x10080xi32, #tpu.memory_space<hbm>>
      %dma_wait3A_198 = tpu.memref_squeeze %dma_wait3A_197 : memref<1x10080xi32, #tpu.memory_space<hbm>> -> memref<10080xi32, #tpu.memory_space<hbm>>
      %dma_wait3A_199 = arith.constant 0 : i32
      %dma_wait3A_200 = tpu.memref_slice %arg3[%add3A, %dma_wait3A_199] : memref<32x10080xi32, #tpu.memory_space<hbm>> -> memref<1x10080xi32, #tpu.memory_space<hbm>>
      %dma_wait3A_201 = tpu.memref_squeeze %dma_wait3A_200 : memref<1x10080xi32, #tpu.memory_space<hbm>> -> memref<10080xi32, #tpu.memory_space<hbm>>
      tpu.wait_dma2 semaphore(%run_scoped3A : memref<!tpu.dma_semaphore, #tpu.memory_space<semaphore_mem>>) src(%dma_wait3A_201 : memref<10080xi32, #tpu.memory_space<hbm>>) dst(%arg7 : memref<10080xi32, #tpu.memory_space<vmem>>)
      tpu.yield
    }) : () -> ()
    "tpu.region"() ({
      %run_scoped3A = tpu.sem_alloc : memref<!tpu.dma_semaphore, #tpu.memory_space<semaphore_mem>>
      %dma_start3A_190 = arith.constant 0 : i32
      %dma_start3A_191 = tpu.memref_slice %arg4[%add3A, %dma_start3A_190] : memref<32x10080xi32, #tpu.memory_space<hbm>> -> memref<1x10080xi32, #tpu.memory_space<hbm>>
      %dma_start3A_192 = tpu.memref_squeeze %dma_start3A_191 : memref<1x10080xi32, #tpu.memory_space<hbm>> -> memref<10080xi32, #tpu.memory_space<hbm>>
      %dma_start3A_193 = arith.constant 0 : i32
      %dma_start3A_194 = tpu.memref_slice %arg4[%add3A, %dma_start3A_193] : memref<32x10080xi32, #tpu.memory_space<hbm>> -> memref<1x10080xi32, #tpu.memory_space<hbm>>
      %dma_start3A_195 = tpu.memref_squeeze %dma_start3A_194 : memref<1x10080xi32, #tpu.memory_space<hbm>> -> memref<10080xi32, #tpu.memory_space<hbm>>
      tpu.enqueue_dma source(%dma_start3A_195 : memref<10080xi32, #tpu.memory_space<hbm>>) target(%arg8 : memref<10080xi32, #tpu.memory_space<vmem>>) target_semaphore(%run_scoped3A : memref<!tpu.dma_semaphore, #tpu.memory_space<semaphore_mem>>)
      %dma_wait3A_196 = arith.constant 0 : i32
      %dma_wait3A_197 = tpu.memref_slice %arg4[%add3A, %dma_wait3A_196] : memref<32x10080xi32, #tpu.memory_space<hbm>> -> memref<1x10080xi32, #tpu.memory_space<hbm>>
      %dma_wait3A_198 = tpu.memref_squeeze %dma_wait3A_197 : memref<1x10080xi32, #tpu.memory_space<hbm>> -> memref<10080xi32, #tpu.memory_space<hbm>>
      %dma_wait3A_199 = arith.constant 0 : i32
      %dma_wait3A_200 = tpu.memref_slice %arg4[%add3A, %dma_wait3A_199] : memref<32x10080xi32, #tpu.memory_space<hbm>> -> memref<1x10080xi32, #tpu.memory_space<hbm>>
      %dma_wait3A_201 = tpu.memref_squeeze %dma_wait3A_200 : memref<1x10080xi32, #tpu.memory_space<hbm>> -> memref<10080xi32, #tpu.memory_space<hbm>>
      tpu.wait_dma2 semaphore(%run_scoped3A : memref<!tpu.dma_semaphore, #tpu.memory_space<semaphore_mem>>) src(%dma_wait3A_201 : memref<10080xi32, #tpu.memory_space<hbm>>) dst(%arg8 : memref<10080xi32, #tpu.memory_space<vmem>>)
      tpu.yield
    }) : () -> ()
    %dma_start3A = arith.constant 0 : i32
    %dma_start3A_3 = tpu.memref_slice %arg7[%dma_start3A] : memref<10080xi32, #tpu.memory_space<vmem>> -> memref<16xi32, #tpu.memory_space<vmem>>
    %dma_start3A_4 = arith.constant 0 : i32
    %dma_start3A_5 = arith.constant 0 : i32
    %dma_start3A_6 = tpu.memref_slice %arg2[%dma_start3A_4, %dma_start3A_5] : memref<10112x128xf32, #tpu.memory_space<hbm>> -> memref<10112x128xf32, #tpu.memory_space<hbm>>
    tpu.enqueue_indirect_dma source(%dma_start3A_6 : memref<10112x128xf32, #tpu.memory_space<hbm>>) target(%arg9 : memref<16x128xf32, #tpu.memory_space<vmem>>) offsets(%dma_start3A_3 : memref<16xi32, #tpu.memory_space<vmem>>) semaphore(%arg22 : memref<!tpu.dma_semaphore, #tpu.memory_space<semaphore_mem>>)
    %dma_start3A_7 = arith.constant 16 : i32
    %dma_start3A_8 = tpu.memref_slice %arg7[%dma_start3A_7] : memref<10080xi32, #tpu.memory_space<vmem>> -> memref<16xi32, #tpu.memory_space<vmem>>
    %dma_start3A_9 = arith.constant 0 : i32
    %dma_start3A_10 = arith.constant 0 : i32
    %dma_start3A_11 = tpu.memref_slice %arg2[%dma_start3A_9, %dma_start3A_10] : memref<10112x128xf32, #tpu.memory_space<hbm>> -> memref<10112x128xf32, #tpu.memory_space<hbm>>
    tpu.enqueue_indirect_dma source(%dma_start3A_11 : memref<10112x128xf32, #tpu.memory_space<hbm>>) target(%arg10 : memref<16x128xf32, #tpu.memory_space<vmem>>) offsets(%dma_start3A_8 : memref<16xi32, #tpu.memory_space<vmem>>) semaphore(%arg23 : memref<!tpu.dma_semaphore, #tpu.memory_space<semaphore_mem>>)
    %dma_start3A_12 = arith.constant 32 : i32
    %dma_start3A_13 = tpu.memref_slice %arg7[%dma_start3A_12] : memref<10080xi32, #tpu.memory_space<vmem>> -> memref<16xi32, #tpu.memory_space<vmem>>
    %dma_start3A_14 = arith.constant 0 : i32
    %dma_start3A_15 = arith.constant 0 : i32
    %dma_start3A_16 = tpu.memref_slice %arg2[%dma_start3A_14, %dma_start3A_15] : memref<10112x128xf32, #tpu.memory_space<hbm>> -> memref<10112x128xf32, #tpu.memory_space<hbm>>
    tpu.enqueue_indirect_dma source(%dma_start3A_16 : memref<10112x128xf32, #tpu.memory_space<hbm>>) target(%arg11 : memref<16x128xf32, #tpu.memory_space<vmem>>) offsets(%dma_start3A_13 : memref<16xi32, #tpu.memory_space<vmem>>) semaphore(%arg24 : memref<!tpu.dma_semaphore, #tpu.memory_space<semaphore_mem>>)
    %dma_start3A_17 = arith.constant 48 : i32
    %dma_start3A_18 = tpu.memref_slice %arg7[%dma_start3A_17] : memref<10080xi32, #tpu.memory_space<vmem>> -> memref<16xi32, #tpu.memory_space<vmem>>
    %dma_start3A_19 = arith.constant 0 : i32
    %dma_start3A_20 = arith.constant 0 : i32
    %dma_start3A_21 = tpu.memref_slice %arg2[%dma_start3A_19, %dma_start3A_20] : memref<10112x128xf32, #tpu.memory_space<hbm>> -> memref<10112x128xf32, #tpu.memory_space<hbm>>
    tpu.enqueue_indirect_dma source(%dma_start3A_21 : memref<10112x128xf32, #tpu.memory_space<hbm>>) target(%arg12 : memref<16x128xf32, #tpu.memory_space<vmem>>) offsets(%dma_start3A_18 : memref<16xi32, #tpu.memory_space<vmem>>) semaphore(%arg25 : memref<!tpu.dma_semaphore, #tpu.memory_space<semaphore_mem>>)
    %dma_start3A_22 = arith.constant 64 : i32
    %dma_start3A_23 = tpu.memref_slice %arg7[%dma_start3A_22] : memref<10080xi32, #tpu.memory_space<vmem>> -> memref<16xi32, #tpu.memory_space<vmem>>
    %dma_start3A_24 = arith.constant 0 : i32
    %dma_start3A_25 = arith.constant 0 : i32
    %dma_start3A_26 = tpu.memref_slice %arg2[%dma_start3A_24, %dma_start3A_25] : memref<10112x128xf32, #tpu.memory_space<hbm>> -> memref<10112x128xf32, #tpu.memory_space<hbm>>
    tpu.enqueue_indirect_dma source(%dma_start3A_26 : memref<10112x128xf32, #tpu.memory_space<hbm>>) target(%arg13 : memref<16x128xf32, #tpu.memory_space<vmem>>) offsets(%dma_start3A_23 : memref<16xi32, #tpu.memory_space<vmem>>) semaphore(%arg26 : memref<!tpu.dma_semaphore, #tpu.memory_space<semaphore_mem>>)
    %dma_start3A_27 = arith.constant 80 : i32
    %dma_start3A_28 = tpu.memref_slice %arg7[%dma_start3A_27] : memref<10080xi32, #tpu.memory_space<vmem>> -> memref<16xi32, #tpu.memory_space<vmem>>
    %dma_start3A_29 = arith.constant 0 : i32
    %dma_start3A_30 = arith.constant 0 : i32
    %dma_start3A_31 = tpu.memref_slice %arg2[%dma_start3A_29, %dma_start3A_30] : memref<10112x128xf32, #tpu.memory_space<hbm>> -> memref<10112x128xf32, #tpu.memory_space<hbm>>
    tpu.enqueue_indirect_dma source(%dma_start3A_31 : memref<10112x128xf32, #tpu.memory_space<hbm>>) target(%arg14 : memref<16x128xf32, #tpu.memory_space<vmem>>) offsets(%dma_start3A_28 : memref<16xi32, #tpu.memory_space<vmem>>) semaphore(%arg27 : memref<!tpu.dma_semaphore, #tpu.memory_space<semaphore_mem>>)
    %dma_start3A_32 = arith.constant 96 : i32
    %dma_start3A_33 = tpu.memref_slice %arg7[%dma_start3A_32] : memref<10080xi32, #tpu.memory_space<vmem>> -> memref<16xi32, #tpu.memory_space<vmem>>
    %dma_start3A_34 = arith.constant 0 : i32
    %dma_start3A_35 = arith.constant 0 : i32
    %dma_start3A_36 = tpu.memref_slice %arg2[%dma_start3A_34, %dma_start3A_35] : memref<10112x128xf32, #tpu.memory_space<hbm>> -> memref<10112x128xf32, #tpu.memory_space<hbm>>
    tpu.enqueue_indirect_dma source(%dma_start3A_36 : memref<10112x128xf32, #tpu.memory_space<hbm>>) target(%arg15 : memref<16x128xf32, #tpu.memory_space<vmem>>) offsets(%dma_start3A_33 : memref<16xi32, #tpu.memory_space<vmem>>) semaphore(%arg28 : memref<!tpu.dma_semaphore, #tpu.memory_space<semaphore_mem>>)
    %dma_start3A_37 = arith.constant 112 : i32
    %dma_start3A_38 = tpu.memref_slice %arg7[%dma_start3A_37] : memref<10080xi32, #tpu.memory_space<vmem>> -> memref<16xi32, #tpu.memory_space<vmem>>
    %dma_start3A_39 = arith.constant 0 : i32
    %dma_start3A_40 = arith.constant 0 : i32
    %dma_start3A_41 = tpu.memref_slice %arg2[%dma_start3A_39, %dma_start3A_40] : memref<10112x128xf32, #tpu.memory_space<hbm>> -> memref<10112x128xf32, #tpu.memory_space<hbm>>
    tpu.enqueue_indirect_dma source(%dma_start3A_41 : memref<10112x128xf32, #tpu.memory_space<hbm>>) target(%arg16 : memref<16x128xf32, #tpu.memory_space<vmem>>) offsets(%dma_start3A_38 : memref<16xi32, #tpu.memory_space<vmem>>) semaphore(%arg29 : memref<!tpu.dma_semaphore, #tpu.memory_space<semaphore_mem>>)
    %dma_start3A_42 = arith.constant 128 : i32
    %dma_start3A_43 = tpu.memref_slice %arg7[%dma_start3A_42] : memref<10080xi32, #tpu.memory_space<vmem>> -> memref<16xi32, #tpu.memory_space<vmem>>
    %dma_start3A_44 = arith.constant 0 : i32
    %dma_start3A_45 = arith.constant 0 : i32
    %dma_start3A_46 = tpu.memref_slice %arg2[%dma_start3A_44, %dma_start3A_45] : memref<10112x128xf32, #tpu.memory_space<hbm>> -> memref<10112x128xf32, #tpu.memory_space<hbm>>
    tpu.enqueue_indirect_dma source(%dma_start3A_46 : memref<10112x128xf32, #tpu.memory_space<hbm>>) target(%arg17 : memref<16x128xf32, #tpu.memory_space<vmem>>) offsets(%dma_start3A_43 : memref<16xi32, #tpu.memory_space<vmem>>) semaphore(%arg30 : memref<!tpu.dma_semaphore, #tpu.memory_space<semaphore_mem>>)
    %dma_start3A_47 = arith.constant 144 : i32
    %dma_start3A_48 = tpu.memref_slice %arg7[%dma_start3A_47] : memref<10080xi32, #tpu.memory_space<vmem>> -> memref<16xi32, #tpu.memory_space<vmem>>
    %dma_start3A_49 = arith.constant 0 : i32
    %dma_start3A_50 = arith.constant 0 : i32
    %dma_start3A_51 = tpu.memref_slice %arg2[%dma_start3A_49, %dma_start3A_50] : memref<10112x128xf32, #tpu.memory_space<hbm>> -> memref<10112x128xf32, #tpu.memory_space<hbm>>
    tpu.enqueue_indirect_dma source(%dma_start3A_51 : memref<10112x128xf32, #tpu.memory_space<hbm>>) target(%arg18 : memref<16x128xf32, #tpu.memory_space<vmem>>) offsets(%dma_start3A_48 : memref<16xi32, #tpu.memory_space<vmem>>) semaphore(%arg31 : memref<!tpu.dma_semaphore, #tpu.memory_space<semaphore_mem>>)
    %dma_start3A_52 = arith.constant 160 : i32
    %dma_start3A_53 = tpu.memref_slice %arg7[%dma_start3A_52] : memref<10080xi32, #tpu.memory_space<vmem>> -> memref<16xi32, #tpu.memory_space<vmem>>
    %dma_start3A_54 = arith.constant 0 : i32
    %dma_start3A_55 = arith.constant 0 : i32
    %dma_start3A_56 = tpu.memref_slice %arg2[%dma_start3A_54, %dma_start3A_55] : memref<10112x128xf32, #tpu.memory_space<hbm>> -> memref<10112x128xf32, #tpu.memory_space<hbm>>
    tpu.enqueue_indirect_dma source(%dma_start3A_56 : memref<10112x128xf32, #tpu.memory_space<hbm>>) target(%arg19 : memref<16x128xf32, #tpu.memory_space<vmem>>) offsets(%dma_start3A_53 : memref<16xi32, #tpu.memory_space<vmem>>) semaphore(%arg32 : memref<!tpu.dma_semaphore, #tpu.memory_space<semaphore_mem>>)
    %scan3A = arith.constant 0 : i32
    %scan3A_57 = arith.constant 0 : i32
    %scan3A_58 = arith.constant 52 : i32
    %scan3A_59 = arith.addi %scan3A_57, %scan3A_58 : i32
    %scan3A_60 = arith.constant 1 : i32
    %scan3A_61 = scf.for %scan3A_190 = %scan3A_57 to %scan3A_59 step %scan3A_60 iter_args(%scan3A_191 = %scan3A) -> (i32)  : i32 {
      %mul3A_192 = arith.constant 12 : i32
      %mul3A_193 = arith.muli %mul3A_192, %scan3A_190 : i32
      %add3A_194 = arith.constant 0 : i32
      %add3A_195 = arith.addi %mul3A_193, %add3A_194 : i32
      %dma_wait3A_196 = arith.constant 0 : i32
      %dma_wait3A_197 = tpu.memref_slice %arg7[%dma_wait3A_196] : memref<10080xi32, #tpu.memory_space<vmem>> -> memref<16xi32, #tpu.memory_space<vmem>>
      %dma_wait3A_198 = arith.constant 0 : i32
      %dma_wait3A_199 = arith.constant 0 : i32
      %dma_wait3A_200 = tpu.memref_slice %arg2[%dma_wait3A_198, %dma_wait3A_199] : memref<10112x128xf32, #tpu.memory_space<hbm>> -> memref<10112x128xf32, #tpu.memory_space<hbm>>
      tpu.wait_indirect_dma semaphore(%arg22 : memref<!tpu.dma_semaphore, #tpu.memory_space<semaphore_mem>>) src(%dma_wait3A_200 : memref<10112x128xf32, #tpu.memory_space<hbm>>) dst(%arg9 : memref<16x128xf32, #tpu.memory_space<vmem>>)
      %mul3A_201 = arith.constant 16 : i32
      %mul3A_202 = arith.muli %add3A_195, %mul3A_201 : i32
      %dma_start3A_203 = tpu.memref_slice %arg8[%mul3A_202] : memref<10080xi32, #tpu.memory_space<vmem>> -> memref<16xi32, #tpu.memory_space<vmem>>
      %dma_start3A_204 = arith.constant 0 : i32
      %dma_start3A_205 = arith.constant 0 : i32
      %dma_start3A_206 = tpu.memref_slice %arg21[%dma_start3A_204, %dma_start3A_205] : memref<10112x128xf32, #tpu.memory_space<vmem_shared>> -> memref<10112x128xf32, #tpu.memory_space<vmem_shared>>
      tpu.enqueue_indirect_dma source(%arg9 : memref<16x128xf32, #tpu.memory_space<vmem>>) target(%dma_start3A_206 : memref<10112x128xf32, #tpu.memory_space<vmem_shared>>) offsets(%dma_start3A_203 : memref<16xi32, #tpu.memory_space<vmem>>) semaphore(%arg34 : memref<!tpu.dma_semaphore, #tpu.memory_space<semaphore_mem>>) {add = true}
      %add3A_207 = arith.constant 12 : i32
      %add3A_208 = arith.addi %add3A_195, %add3A_207 : i32
      %sub3A = arith.constant 1 : i32
      %sub3A_209 = arith.subi %add3A_208, %sub3A : i32
      %lt3A = arith.constant 630 : i32
      %lt3A_210 = arith.cmpi slt, %sub3A_209, %lt3A : i32
      %convert_element_type3A_211 = arith.extui %lt3A_210 : i1 to i32
      %cond3A_212 = arith.constant 0 : i32
      %cond3A_213 = arith.cmpi ne, %convert_element_type3A_211, %cond3A_212 : i32
      scf.if %cond3A_213 {
        %ge3A = arith.constant 1 : i32
        %ge3A_457 = arith.cmpi sge, %add3A_195, %ge3A : i32
        %convert_element_type3A_458 = arith.extui %ge3A_457 : i1 to i32
        %cond3A_459 = arith.constant 0 : i32
        %cond3A_460 = arith.cmpi ne, %convert_element_type3A_458, %cond3A_459 : i32
        scf.if %cond3A_460 {
          %dma_wait3A_471 = arith.constant 0 : i32
          %dma_wait3A_472 = tpu.memref_slice %arg8[%dma_wait3A_471] : memref<10080xi32, #tpu.memory_space<vmem>> -> memref<16xi32, #tpu.memory_space<vmem>>
          %dma_wait3A_473 = arith.constant 0 : i32
          %dma_wait3A_474 = arith.constant 0 : i32
          %dma_wait3A_475 = tpu.memref_slice %arg21[%dma_wait3A_473, %dma_wait3A_474] : memref<10112x128xf32, #tpu.memory_space<vmem_shared>> -> memref<10112x128xf32, #tpu.memory_space<vmem_shared>>
          tpu.wait_indirect_dma semaphore(%arg45 : memref<!tpu.dma_semaphore, #tpu.memory_space<semaphore_mem>>) src(%arg20 : memref<16x128xf32, #tpu.memory_space<vmem>>) dst(%dma_wait3A_475 : memref<10112x128xf32, #tpu.memory_space<vmem_shared>>)
        } else {
        }
        %add3A_461 = arith.constant 12 : i32
        %add3A_462 = arith.addi %add3A_195, %add3A_461 : i32
        %sub3A_463 = arith.constant 1 : i32
        %sub3A_464 = arith.subi %add3A_462, %sub3A_463 : i32
        %mul3A_465 = arith.constant 16 : i32
        %mul3A_466 = arith.muli %sub3A_464, %mul3A_465 : i32
        %dma_start3A_467 = tpu.memref_slice %arg7[%mul3A_466] : memref<10080xi32, #tpu.memory_space<vmem>> -> memref<16xi32, #tpu.memory_space<vmem>>
        %dma_start3A_468 = arith.constant 0 : i32
        %dma_start3A_469 = arith.constant 0 : i32
        %dma_start3A_470 = tpu.memref_slice %arg2[%dma_start3A_468, %dma_start3A_469] : memref<10112x128xf32, #tpu.memory_space<hbm>> -> memref<10112x128xf32, #tpu.memory_space<hbm>>
        tpu.enqueue_indirect_dma source(%dma_start3A_470 : memref<10112x128xf32, #tpu.memory_space<hbm>>) target(%arg20 : memref<16x128xf32, #tpu.memory_space<vmem>>) offsets(%dma_start3A_467 : memref<16xi32, #tpu.memory_space<vmem>>) semaphore(%arg33 : memref<!tpu.dma_semaphore, #tpu.memory_space<semaphore_mem>>)
      } else {
      }
      %add3A_214 = arith.constant 1 : i32
      %add3A_215 = arith.addi %mul3A_193, %add3A_214 : i32
      %dma_wait3A_216 = arith.constant 0 : i32
      %dma_wait3A_217 = tpu.memref_slice %arg7[%dma_wait3A_216] : memref<10080xi32, #tpu.memory_space<vmem>> -> memref<16xi32, #tpu.memory_space<vmem>>
      %dma_wait3A_218 = arith.constant 0 : i32
      %dma_wait3A_219 = arith.constant 0 : i32
      %dma_wait3A_220 = tpu.memref_slice %arg2[%dma_wait3A_218, %dma_wait3A_219] : memref<10112x128xf32, #tpu.memory_space<hbm>> -> memref<10112x128xf32, #tpu.memory_space<hbm>>
      tpu.wait_indirect_dma semaphore(%arg23 : memref<!tpu.dma_semaphore, #tpu.memory_space<semaphore_mem>>) src(%dma_wait3A_220 : memref<10112x128xf32, #tpu.memory_space<hbm>>) dst(%arg10 : memref<16x128xf32, #tpu.memory_space<vmem>>)
      %mul3A_221 = arith.constant 16 : i32
      %mul3A_222 = arith.muli %add3A_215, %mul3A_221 : i32
      %dma_start3A_223 = tpu.memref_slice %arg8[%mul3A_222] : memref<10080xi32, #tpu.memory_space<vmem>> -> memref<16xi32, #tpu.memory_space<vmem>>
      %dma_start3A_224 = arith.constant 0 : i32
      %dma_start3A_225 = arith.constant 0 : i32
      %dma_start3A_226 = tpu.memref_slice %arg21[%dma_start3A_224, %dma_start3A_225] : memref<10112x128xf32, #tpu.memory_space<vmem_shared>> -> memref<10112x128xf32, #tpu.memory_space<vmem_shared>>
      tpu.enqueue_indirect_dma source(%arg10 : memref<16x128xf32, #tpu.memory_space<vmem>>) target(%dma_start3A_226 : memref<10112x128xf32, #tpu.memory_space<vmem_shared>>) offsets(%dma_start3A_223 : memref<16xi32, #tpu.memory_space<vmem>>) semaphore(%arg35 : memref<!tpu.dma_semaphore, #tpu.memory_space<semaphore_mem>>) {add = true}
      %add3A_227 = arith.constant 12 : i32
      %add3A_228 = arith.addi %add3A_215, %add3A_227 : i32
      %sub3A_229 = arith.constant 1 : i32
      %sub3A_230 = arith.subi %add3A_228, %sub3A_229 : i32
      %lt3A_231 = arith.constant 630 : i32
      %lt3A_232 = arith.cmpi slt, %sub3A_230, %lt3A_231 : i32
      %convert_element_type3A_233 = arith.extui %lt3A_232 : i1 to i32
      %cond3A_234 = arith.constant 0 : i32
      %cond3A_235 = arith.cmpi ne, %convert_element_type3A_233, %cond3A_234 : i32
      scf.if %cond3A_235 {
        %ge3A = arith.constant 1 : i32
        %ge3A_457 = arith.cmpi sge, %add3A_215, %ge3A : i32
        %convert_element_type3A_458 = arith.extui %ge3A_457 : i1 to i32
        %cond3A_459 = arith.constant 0 : i32
        %cond3A_460 = arith.cmpi ne, %convert_element_type3A_458, %cond3A_459 : i32
        scf.if %cond3A_460 {
          %dma_wait3A_471 = arith.constant 0 : i32
          %dma_wait3A_472 = tpu.memref_slice %arg8[%dma_wait3A_471] : memref<10080xi32, #tpu.memory_space<vmem>> -> memref<16xi32, #tpu.memory_space<vmem>>
          %dma_wait3A_473 = arith.constant 0 : i32
          %dma_wait3A_474 = arith.constant 0 : i32
          %dma_wait3A_475 = tpu.memref_slice %arg21[%dma_wait3A_473, %dma_wait3A_474] : memref<10112x128xf32, #tpu.memory_space<vmem_shared>> -> memref<10112x128xf32, #tpu.memory_space<vmem_shared>>
          tpu.wait_indirect_dma semaphore(%arg34 : memref<!tpu.dma_semaphore, #tpu.memory_space<semaphore_mem>>) src(%arg9 : memref<16x128xf32, #tpu.memory_space<vmem>>) dst(%dma_wait3A_475 : memref<10112x128xf32, #tpu.memory_space<vmem_shared>>)
        } else {
        }
        %add3A_461 = arith.constant 12 : i32
        %add3A_462 = arith.addi %add3A_215, %add3A_461 : i32
        %sub3A_463 = arith.constant 1 : i32
        %sub3A_464 = arith.subi %add3A_462, %sub3A_463 : i32
        %mul3A_465 = arith.constant 16 : i32
        %mul3A_466 = arith.muli %sub3A_464, %mul3A_465 : i32
        %dma_start3A_467 = tpu.memref_slice %arg7[%mul3A_466] : memref<10080xi32, #tpu.memory_space<vmem>> -> memref<16xi32, #tpu.memory_space<vmem>>
        %dma_start3A_468 = arith.constant 0 : i32
        %dma_start3A_469 = arith.constant 0 : i32
        %dma_start3A_470 = tpu.memref_slice %arg2[%dma_start3A_468, %dma_start3A_469] : memref<10112x128xf32, #tpu.memory_space<hbm>> -> memref<10112x128xf32, #tpu.memory_space<hbm>>
        tpu.enqueue_indirect_dma source(%dma_start3A_470 : memref<10112x128xf32, #tpu.memory_space<hbm>>) target(%arg9 : memref<16x128xf32, #tpu.memory_space<vmem>>) offsets(%dma_start3A_467 : memref<16xi32, #tpu.memory_space<vmem>>) semaphore(%arg22 : memref<!tpu.dma_semaphore, #tpu.memory_space<semaphore_mem>>)
      } else {
      }
      %add3A_236 = arith.constant 2 : i32
      %add3A_237 = arith.addi %mul3A_193, %add3A_236 : i32
      %dma_wait3A_238 = arith.constant 0 : i32
      %dma_wait3A_239 = tpu.memref_slice %arg7[%dma_wait3A_238] : memref<10080xi32, #tpu.memory_space<vmem>> -> memref<16xi32, #tpu.memory_space<vmem>>
      %dma_wait3A_240 = arith.constant 0 : i32
      %dma_wait3A_241 = arith.constant 0 : i32
      %dma_wait3A_242 = tpu.memref_slice %arg2[%dma_wait3A_240, %dma_wait3A_241] : memref<10112x128xf32, #tpu.memory_space<hbm>> -> memref<10112x128xf32, #tpu.memory_space<hbm>>
      tpu.wait_indirect_dma semaphore(%arg24 : memref<!tpu.dma_semaphore, #tpu.memory_space<semaphore_mem>>) src(%dma_wait3A_242 : memref<10112x128xf32, #tpu.memory_space<hbm>>) dst(%arg11 : memref<16x128xf32, #tpu.memory_space<vmem>>)
      %mul3A_243 = arith.constant 16 : i32
      %mul3A_244 = arith.muli %add3A_237, %mul3A_243 : i32
      %dma_start3A_245 = tpu.memref_slice %arg8[%mul3A_244] : memref<10080xi32, #tpu.memory_space<vmem>> -> memref<16xi32, #tpu.memory_space<vmem>>
      %dma_start3A_246 = arith.constant 0 : i32
      %dma_start3A_247 = arith.constant 0 : i32
      %dma_start3A_248 = tpu.memref_slice %arg21[%dma_start3A_246, %dma_start3A_247] : memref<10112x128xf32, #tpu.memory_space<vmem_shared>> -> memref<10112x128xf32, #tpu.memory_space<vmem_shared>>
      tpu.enqueue_indirect_dma source(%arg11 : memref<16x128xf32, #tpu.memory_space<vmem>>) target(%dma_start3A_248 : memref<10112x128xf32, #tpu.memory_space<vmem_shared>>) offsets(%dma_start3A_245 : memref<16xi32, #tpu.memory_space<vmem>>) semaphore(%arg36 : memref<!tpu.dma_semaphore, #tpu.memory_space<semaphore_mem>>) {add = true}
      %add3A_249 = arith.constant 12 : i32
      %add3A_250 = arith.addi %add3A_237, %add3A_249 : i32
      %sub3A_251 = arith.constant 1 : i32
      %sub3A_252 = arith.subi %add3A_250, %sub3A_251 : i32
      %lt3A_253 = arith.constant 630 : i32
      %lt3A_254 = arith.cmpi slt, %sub3A_252, %lt3A_253 : i32
      %convert_element_type3A_255 = arith.extui %lt3A_254 : i1 to i32
      %cond3A_256 = arith.constant 0 : i32
      %cond3A_257 = arith.cmpi ne, %convert_element_type3A_255, %cond3A_256 : i32
      scf.if %cond3A_257 {
        %ge3A = arith.constant 1 : i32
        %ge3A_457 = arith.cmpi sge, %add3A_237, %ge3A : i32
        %convert_element_type3A_458 = arith.extui %ge3A_457 : i1 to i32
        %cond3A_459 = arith.constant 0 : i32
        %cond3A_460 = arith.cmpi ne, %convert_element_type3A_458, %cond3A_459 : i32
        scf.if %cond3A_460 {
          %dma_wait3A_471 = arith.constant 0 : i32
          %dma_wait3A_472 = tpu.memref_slice %arg8[%dma_wait3A_471] : memref<10080xi32, #tpu.memory_space<vmem>> -> memref<16xi32, #tpu.memory_space<vmem>>
          %dma_wait3A_473 = arith.constant 0 : i32
          %dma_wait3A_474 = arith.constant 0 : i32
          %dma_wait3A_475 = tpu.memref_slice %arg21[%dma_wait3A_473, %dma_wait3A_474] : memref<10112x128xf32, #tpu.memory_space<vmem_shared>> -> memref<10112x128xf32, #tpu.memory_space<vmem_shared>>
          tpu.wait_indirect_dma semaphore(%arg35 : memref<!tpu.dma_semaphore, #tpu.memory_space<semaphore_mem>>) src(%arg10 : memref<16x128xf32, #tpu.memory_space<vmem>>) dst(%dma_wait3A_475 : memref<10112x128xf32, #tpu.memory_space<vmem_shared>>)
        } else {
        }
        %add3A_461 = arith.constant 12 : i32
        %add3A_462 = arith.addi %add3A_237, %add3A_461 : i32
        %sub3A_463 = arith.constant 1 : i32
        %sub3A_464 = arith.subi %add3A_462, %sub3A_463 : i32
        %mul3A_465 = arith.constant 16 : i32
        %mul3A_466 = arith.muli %sub3A_464, %mul3A_465 : i32
        %dma_start3A_467 = tpu.memref_slice %arg7[%mul3A_466] : memref<10080xi32, #tpu.memory_space<vmem>> -> memref<16xi32, #tpu.memory_space<vmem>>
        %dma_start3A_468 = arith.constant 0 : i32
        %dma_start3A_469 = arith.constant 0 : i32
        %dma_start3A_470 = tpu.memref_slice %arg2[%dma_start3A_468, %dma_start3A_469] : memref<10112x128xf32, #tpu.memory_space<hbm>> -> memref<10112x128xf32, #tpu.memory_space<hbm>>
        tpu.enqueue_indirect_dma source(%dma_start3A_470 : memref<10112x128xf32, #tpu.memory_space<hbm>>) target(%arg10 : memref<16x128xf32, #tpu.memory_space<vmem>>) offsets(%dma_start3A_467 : memref<16xi32, #tpu.memory_space<vmem>>) semaphore(%arg23 : memref<!tpu.dma_semaphore, #tpu.memory_space<semaphore_mem>>)
      } else {
      }
      %add3A_258 = arith.constant 3 : i32
      %add3A_259 = arith.addi %mul3A_193, %add3A_258 : i32
      %dma_wait3A_260 = arith.constant 0 : i32
      %dma_wait3A_261 = tpu.memref_slice %arg7[%dma_wait3A_260] : memref<10080xi32, #tpu.memory_space<vmem>> -> memref<16xi32, #tpu.memory_space<vmem>>
      %dma_wait3A_262 = arith.constant 0 : i32
      %dma_wait3A_263 = arith.constant 0 : i32
      %dma_wait3A_264 = tpu.memref_slice %arg2[%dma_wait3A_262, %dma_wait3A_263] : memref<10112x128xf32, #tpu.memory_space<hbm>> -> memref<10112x128xf32, #tpu.memory_space<hbm>>
      tpu.wait_indirect_dma semaphore(%arg25 : memref<!tpu.dma_semaphore, #tpu.memory_space<semaphore_mem>>) src(%dma_wait3A_264 : memref<10112x128xf32, #tpu.memory_space<hbm>>) dst(%arg12 : memref<16x128xf32, #tpu.memory_space<vmem>>)
      %mul3A_265 = arith.constant 16 : i32
      %mul3A_266 = arith.muli %add3A_259, %mul3A_265 : i32
      %dma_start3A_267 = tpu.memref_slice %arg8[%mul3A_266] : memref<10080xi32, #tpu.memory_space<vmem>> -> memref<16xi32, #tpu.memory_space<vmem>>
      %dma_start3A_268 = arith.constant 0 : i32
      %dma_start3A_269 = arith.constant 0 : i32
      %dma_start3A_270 = tpu.memref_slice %arg21[%dma_start3A_268, %dma_start3A_269] : memref<10112x128xf32, #tpu.memory_space<vmem_shared>> -> memref<10112x128xf32, #tpu.memory_space<vmem_shared>>
      tpu.enqueue_indirect_dma source(%arg12 : memref<16x128xf32, #tpu.memory_space<vmem>>) target(%dma_start3A_270 : memref<10112x128xf32, #tpu.memory_space<vmem_shared>>) offsets(%dma_start3A_267 : memref<16xi32, #tpu.memory_space<vmem>>) semaphore(%arg37 : memref<!tpu.dma_semaphore, #tpu.memory_space<semaphore_mem>>) {add = true}
      %add3A_271 = arith.constant 12 : i32
      %add3A_272 = arith.addi %add3A_259, %add3A_271 : i32
      %sub3A_273 = arith.constant 1 : i32
      %sub3A_274 = arith.subi %add3A_272, %sub3A_273 : i32
      %lt3A_275 = arith.constant 630 : i32
      %lt3A_276 = arith.cmpi slt, %sub3A_274, %lt3A_275 : i32
      %convert_element_type3A_277 = arith.extui %lt3A_276 : i1 to i32
      %cond3A_278 = arith.constant 0 : i32
      %cond3A_279 = arith.cmpi ne, %convert_element_type3A_277, %cond3A_278 : i32
      scf.if %cond3A_279 {
        %ge3A = arith.constant 1 : i32
        %ge3A_457 = arith.cmpi sge, %add3A_259, %ge3A : i32
        %convert_element_type3A_458 = arith.extui %ge3A_457 : i1 to i32
        %cond3A_459 = arith.constant 0 : i32
        %cond3A_460 = arith.cmpi ne, %convert_element_type3A_458, %cond3A_459 : i32
        scf.if %cond3A_460 {
          %dma_wait3A_471 = arith.constant 0 : i32
          %dma_wait3A_472 = tpu.memref_slice %arg8[%dma_wait3A_471] : memref<10080xi32, #tpu.memory_space<vmem>> -> memref<16xi32, #tpu.memory_space<vmem>>
          %dma_wait3A_473 = arith.constant 0 : i32
          %dma_wait3A_474 = arith.constant 0 : i32
          %dma_wait3A_475 = tpu.memref_slice %arg21[%dma_wait3A_473, %dma_wait3A_474] : memref<10112x128xf32, #tpu.memory_space<vmem_shared>> -> memref<10112x128xf32, #tpu.memory_space<vmem_shared>>
          tpu.wait_indirect_dma semaphore(%arg36 : memref<!tpu.dma_semaphore, #tpu.memory_space<semaphore_mem>>) src(%arg11 : memref<16x128xf32, #tpu.memory_space<vmem>>) dst(%dma_wait3A_475 : memref<10112x128xf32, #tpu.memory_space<vmem_shared>>)
        } else {
        }
        %add3A_461 = arith.constant 12 : i32
        %add3A_462 = arith.addi %add3A_259, %add3A_461 : i32
        %sub3A_463 = arith.constant 1 : i32
        %sub3A_464 = arith.subi %add3A_462, %sub3A_463 : i32
        %mul3A_465 = arith.constant 16 : i32
        %mul3A_466 = arith.muli %sub3A_464, %mul3A_465 : i32
        %dma_start3A_467 = tpu.memref_slice %arg7[%mul3A_466] : memref<10080xi32, #tpu.memory_space<vmem>> -> memref<16xi32, #tpu.memory_space<vmem>>
        %dma_start3A_468 = arith.constant 0 : i32
        %dma_start3A_469 = arith.constant 0 : i32
        %dma_start3A_470 = tpu.memref_slice %arg2[%dma_start3A_468, %dma_start3A_469] : memref<10112x128xf32, #tpu.memory_space<hbm>> -> memref<10112x128xf32, #tpu.memory_space<hbm>>
        tpu.enqueue_indirect_dma source(%dma_start3A_470 : memref<10112x128xf32, #tpu.memory_space<hbm>>) target(%arg11 : memref<16x128xf32, #tpu.memory_space<vmem>>) offsets(%dma_start3A_467 : memref<16xi32, #tpu.memory_space<vmem>>) semaphore(%arg24 : memref<!tpu.dma_semaphore, #tpu.memory_space<semaphore_mem>>)
      } else {
      }
      %add3A_280 = arith.constant 4 : i32
      %add3A_281 = arith.addi %mul3A_193, %add3A_280 : i32
      %dma_wait3A_282 = arith.constant 0 : i32
      %dma_wait3A_283 = tpu.memref_slice %arg7[%dma_wait3A_282] : memref<10080xi32, #tpu.memory_space<vmem>> -> memref<16xi32, #tpu.memory_space<vmem>>
      %dma_wait3A_284 = arith.constant 0 : i32
      %dma_wait3A_285 = arith.constant 0 : i32
      %dma_wait3A_286 = tpu.memref_slice %arg2[%dma_wait3A_284, %dma_wait3A_285] : memref<10112x128xf32, #tpu.memory_space<hbm>> -> memref<10112x128xf32, #tpu.memory_space<hbm>>
      tpu.wait_indirect_dma semaphore(%arg26 : memref<!tpu.dma_semaphore, #tpu.memory_space<semaphore_mem>>) src(%dma_wait3A_286 : memref<10112x128xf32, #tpu.memory_space<hbm>>) dst(%arg13 : memref<16x128xf32, #tpu.memory_space<vmem>>)
      %mul3A_287 = arith.constant 16 : i32
      %mul3A_288 = arith.muli %add3A_281, %mul3A_287 : i32
      %dma_start3A_289 = tpu.memref_slice %arg8[%mul3A_288] : memref<10080xi32, #tpu.memory_space<vmem>> -> memref<16xi32, #tpu.memory_space<vmem>>
      %dma_start3A_290 = arith.constant 0 : i32
      %dma_start3A_291 = arith.constant 0 : i32
      %dma_start3A_292 = tpu.memref_slice %arg21[%dma_start3A_290, %dma_start3A_291] : memref<10112x128xf32, #tpu.memory_space<vmem_shared>> -> memref<10112x128xf32, #tpu.memory_space<vmem_shared>>
      tpu.enqueue_indirect_dma source(%arg13 : memref<16x128xf32, #tpu.memory_space<vmem>>) target(%dma_start3A_292 : memref<10112x128xf32, #tpu.memory_space<vmem_shared>>) offsets(%dma_start3A_289 : memref<16xi32, #tpu.memory_space<vmem>>) semaphore(%arg38 : memref<!tpu.dma_semaphore, #tpu.memory_space<semaphore_mem>>) {add = true}
      %add3A_293 = arith.constant 12 : i32
      %add3A_294 = arith.addi %add3A_281, %add3A_293 : i32
      %sub3A_295 = arith.constant 1 : i32
      %sub3A_296 = arith.subi %add3A_294, %sub3A_295 : i32
      %lt3A_297 = arith.constant 630 : i32
      %lt3A_298 = arith.cmpi slt, %sub3A_296, %lt3A_297 : i32
      %convert_element_type3A_299 = arith.extui %lt3A_298 : i1 to i32
      %cond3A_300 = arith.constant 0 : i32
      %cond3A_301 = arith.cmpi ne, %convert_element_type3A_299, %cond3A_300 : i32
      scf.if %cond3A_301 {
        %ge3A = arith.constant 1 : i32
        %ge3A_457 = arith.cmpi sge, %add3A_281, %ge3A : i32
        %convert_element_type3A_458 = arith.extui %ge3A_457 : i1 to i32
        %cond3A_459 = arith.constant 0 : i32
        %cond3A_460 = arith.cmpi ne, %convert_element_type3A_458, %cond3A_459 : i32
        scf.if %cond3A_460 {
          %dma_wait3A_471 = arith.constant 0 : i32
          %dma_wait3A_472 = tpu.memref_slice %arg8[%dma_wait3A_471] : memref<10080xi32, #tpu.memory_space<vmem>> -> memref<16xi32, #tpu.memory_space<vmem>>
          %dma_wait3A_473 = arith.constant 0 : i32
          %dma_wait3A_474 = arith.constant 0 : i32
          %dma_wait3A_475 = tpu.memref_slice %arg21[%dma_wait3A_473, %dma_wait3A_474] : memref<10112x128xf32, #tpu.memory_space<vmem_shared>> -> memref<10112x128xf32, #tpu.memory_space<vmem_shared>>
          tpu.wait_indirect_dma semaphore(%arg37 : memref<!tpu.dma_semaphore, #tpu.memory_space<semaphore_mem>>) src(%arg12 : memref<16x128xf32, #tpu.memory_space<vmem>>) dst(%dma_wait3A_475 : memref<10112x128xf32, #tpu.memory_space<vmem_shared>>)
        } else {
        }
        %add3A_461 = arith.constant 12 : i32
        %add3A_462 = arith.addi %add3A_281, %add3A_461 : i32
        %sub3A_463 = arith.constant 1 : i32
        %sub3A_464 = arith.subi %add3A_462, %sub3A_463 : i32
        %mul3A_465 = arith.constant 16 : i32
        %mul3A_466 = arith.muli %sub3A_464, %mul3A_465 : i32
        %dma_start3A_467 = tpu.memref_slice %arg7[%mul3A_466] : memref<10080xi32, #tpu.memory_space<vmem>> -> memref<16xi32, #tpu.memory_space<vmem>>
        %dma_start3A_468 = arith.constant 0 : i32
        %dma_start3A_469 = arith.constant 0 : i32
        %dma_start3A_470 = tpu.memref_slice %arg2[%dma_start3A_468, %dma_start3A_469] : memref<10112x128xf32, #tpu.memory_space<hbm>> -> memref<10112x128xf32, #tpu.memory_space<hbm>>
        tpu.enqueue_indirect_dma source(%dma_start3A_470 : memref<10112x128xf32, #tpu.memory_space<hbm>>) target(%arg12 : memref<16x128xf32, #tpu.memory_space<vmem>>) offsets(%dma_start3A_467 : memref<16xi32, #tpu.memory_space<vmem>>) semaphore(%arg25 : memref<!tpu.dma_semaphore, #tpu.memory_space<semaphore_mem>>)
      } else {
      }
      %add3A_302 = arith.constant 5 : i32
      %add3A_303 = arith.addi %mul3A_193, %add3A_302 : i32
      %dma_wait3A_304 = arith.constant 0 : i32
      %dma_wait3A_305 = tpu.memref_slice %arg7[%dma_wait3A_304] : memref<10080xi32, #tpu.memory_space<vmem>> -> memref<16xi32, #tpu.memory_space<vmem>>
      %dma_wait3A_306 = arith.constant 0 : i32
      %dma_wait3A_307 = arith.constant 0 : i32
      %dma_wait3A_308 = tpu.memref_slice %arg2[%dma_wait3A_306, %dma_wait3A_307] : memref<10112x128xf32, #tpu.memory_space<hbm>> -> memref<10112x128xf32, #tpu.memory_space<hbm>>
      tpu.wait_indirect_dma semaphore(%arg27 : memref<!tpu.dma_semaphore, #tpu.memory_space<semaphore_mem>>) src(%dma_wait3A_308 : memref<10112x128xf32, #tpu.memory_space<hbm>>) dst(%arg14 : memref<16x128xf32, #tpu.memory_space<vmem>>)
      %mul3A_309 = arith.constant 16 : i32
      %mul3A_310 = arith.muli %add3A_303, %mul3A_309 : i32
      %dma_start3A_311 = tpu.memref_slice %arg8[%mul3A_310] : memref<10080xi32, #tpu.memory_space<vmem>> -> memref<16xi32, #tpu.memory_space<vmem>>
      %dma_start3A_312 = arith.constant 0 : i32
      %dma_start3A_313 = arith.constant 0 : i32
      %dma_start3A_314 = tpu.memref_slice %arg21[%dma_start3A_312, %dma_start3A_313] : memref<10112x128xf32, #tpu.memory_space<vmem_shared>> -> memref<10112x128xf32, #tpu.memory_space<vmem_shared>>
      tpu.enqueue_indirect_dma source(%arg14 : memref<16x128xf32, #tpu.memory_space<vmem>>) target(%dma_start3A_314 : memref<10112x128xf32, #tpu.memory_space<vmem_shared>>) offsets(%dma_start3A_311 : memref<16xi32, #tpu.memory_space<vmem>>) semaphore(%arg39 : memref<!tpu.dma_semaphore, #tpu.memory_space<semaphore_mem>>) {add = true}
      %add3A_315 = arith.constant 12 : i32
      %add3A_316 = arith.addi %add3A_303, %add3A_315 : i32
      %sub3A_317 = arith.constant 1 : i32
      %sub3A_318 = arith.subi %add3A_316, %sub3A_317 : i32
      %lt3A_319 = arith.constant 630 : i32
      %lt3A_320 = arith.cmpi slt, %sub3A_318, %lt3A_319 : i32
      %convert_element_type3A_321 = arith.extui %lt3A_320 : i1 to i32
      %cond3A_322 = arith.constant 0 : i32
      %cond3A_323 = arith.cmpi ne, %convert_element_type3A_321, %cond3A_322 : i32
      scf.if %cond3A_323 {
        %ge3A = arith.constant 1 : i32
        %ge3A_457 = arith.cmpi sge, %add3A_303, %ge3A : i32
        %convert_element_type3A_458 = arith.extui %ge3A_457 : i1 to i32
        %cond3A_459 = arith.constant 0 : i32
        %cond3A_460 = arith.cmpi ne, %convert_element_type3A_458, %cond3A_459 : i32
        scf.if %cond3A_460 {
          %dma_wait3A_471 = arith.constant 0 : i32
          %dma_wait3A_472 = tpu.memref_slice %arg8[%dma_wait3A_471] : memref<10080xi32, #tpu.memory_space<vmem>> -> memref<16xi32, #tpu.memory_space<vmem>>
          %dma_wait3A_473 = arith.constant 0 : i32
          %dma_wait3A_474 = arith.constant 0 : i32
          %dma_wait3A_475 = tpu.memref_slice %arg21[%dma_wait3A_473, %dma_wait3A_474] : memref<10112x128xf32, #tpu.memory_space<vmem_shared>> -> memref<10112x128xf32, #tpu.memory_space<vmem_shared>>
          tpu.wait_indirect_dma semaphore(%arg38 : memref<!tpu.dma_semaphore, #tpu.memory_space<semaphore_mem>>) src(%arg13 : memref<16x128xf32, #tpu.memory_space<vmem>>) dst(%dma_wait3A_475 : memref<10112x128xf32, #tpu.memory_space<vmem_shared>>)
        } else {
        }
        %add3A_461 = arith.constant 12 : i32
        %add3A_462 = arith.addi %add3A_303, %add3A_461 : i32
        %sub3A_463 = arith.constant 1 : i32
        %sub3A_464 = arith.subi %add3A_462, %sub3A_463 : i32
        %mul3A_465 = arith.constant 16 : i32
        %mul3A_466 = arith.muli %sub3A_464, %mul3A_465 : i32
        %dma_start3A_467 = tpu.memref_slice %arg7[%mul3A_466] : memref<10080xi32, #tpu.memory_space<vmem>> -> memref<16xi32, #tpu.memory_space<vmem>>
        %dma_start3A_468 = arith.constant 0 : i32
        %dma_start3A_469 = arith.constant 0 : i32
        %dma_start3A_470 = tpu.memref_slice %arg2[%dma_start3A_468, %dma_start3A_469] : memref<10112x128xf32, #tpu.memory_space<hbm>> -> memref<10112x128xf32, #tpu.memory_space<hbm>>
        tpu.enqueue_indirect_dma source(%dma_start3A_470 : memref<10112x128xf32, #tpu.memory_space<hbm>>) target(%arg13 : memref<16x128xf32, #tpu.memory_space<vmem>>) offsets(%dma_start3A_467 : memref<16xi32, #tpu.memory_space<vmem>>) semaphore(%arg26 : memref<!tpu.dma_semaphore, #tpu.memory_space<semaphore_mem>>)
      } else {
      }
      %add3A_324 = arith.constant 6 : i32
      %add3A_325 = arith.addi %mul3A_193, %add3A_324 : i32
      %dma_wait3A_326 = arith.constant 0 : i32
      %dma_wait3A_327 = tpu.memref_slice %arg7[%dma_wait3A_326] : memref<10080xi32, #tpu.memory_space<vmem>> -> memref<16xi32, #tpu.memory_space<vmem>>
      %dma_wait3A_328 = arith.constant 0 : i32
      %dma_wait3A_329 = arith.constant 0 : i32
      %dma_wait3A_330 = tpu.memref_slice %arg2[%dma_wait3A_328, %dma_wait3A_329] : memref<10112x128xf32, #tpu.memory_space<hbm>> -> memref<10112x128xf32, #tpu.memory_space<hbm>>
      tpu.wait_indirect_dma semaphore(%arg28 : memref<!tpu.dma_semaphore, #tpu.memory_space<semaphore_mem>>) src(%dma_wait3A_330 : memref<10112x128xf32, #tpu.memory_space<hbm>>) dst(%arg15 : memref<16x128xf32, #tpu.memory_space<vmem>>)
      %mul3A_331 = arith.constant 16 : i32
      %mul3A_332 = arith.muli %add3A_325, %mul3A_331 : i32
      %dma_start3A_333 = tpu.memref_slice %arg8[%mul3A_332] : memref<10080xi32, #tpu.memory_space<vmem>> -> memref<16xi32, #tpu.memory_space<vmem>>
      %dma_start3A_334 = arith.constant 0 : i32
      %dma_start3A_335 = arith.constant 0 : i32
      %dma_start3A_336 = tpu.memref_slice %arg21[%dma_start3A_334, %dma_start3A_335] : memref<10112x128xf32, #tpu.memory_space<vmem_shared>> -> memref<10112x128xf32, #tpu.memory_space<vmem_shared>>
      tpu.enqueue_indirect_dma source(%arg15 : memref<16x128xf32, #tpu.memory_space<vmem>>) target(%dma_start3A_336 : memref<10112x128xf32, #tpu.memory_space<vmem_shared>>) offsets(%dma_start3A_333 : memref<16xi32, #tpu.memory_space<vmem>>) semaphore(%arg40 : memref<!tpu.dma_semaphore, #tpu.memory_space<semaphore_mem>>) {add = true}
      %add3A_337 = arith.constant 12 : i32
      %add3A_338 = arith.addi %add3A_325, %add3A_337 : i32
      %sub3A_339 = arith.constant 1 : i32
      %sub3A_340 = arith.subi %add3A_338, %sub3A_339 : i32
      %lt3A_341 = arith.constant 630 : i32
      %lt3A_342 = arith.cmpi slt, %sub3A_340, %lt3A_341 : i32
      %convert_element_type3A_343 = arith.extui %lt3A_342 : i1 to i32
      %cond3A_344 = arith.constant 0 : i32
      %cond3A_345 = arith.cmpi ne, %convert_element_type3A_343, %cond3A_344 : i32
      scf.if %cond3A_345 {
        %ge3A = arith.constant 1 : i32
        %ge3A_457 = arith.cmpi sge, %add3A_325, %ge3A : i32
        %convert_element_type3A_458 = arith.extui %ge3A_457 : i1 to i32
        %cond3A_459 = arith.constant 0 : i32
        %cond3A_460 = arith.cmpi ne, %convert_element_type3A_458, %cond3A_459 : i32
        scf.if %cond3A_460 {
          %dma_wait3A_471 = arith.constant 0 : i32
          %dma_wait3A_472 = tpu.memref_slice %arg8[%dma_wait3A_471] : memref<10080xi32, #tpu.memory_space<vmem>> -> memref<16xi32, #tpu.memory_space<vmem>>
          %dma_wait3A_473 = arith.constant 0 : i32
          %dma_wait3A_474 = arith.constant 0 : i32
          %dma_wait3A_475 = tpu.memref_slice %arg21[%dma_wait3A_473, %dma_wait3A_474] : memref<10112x128xf32, #tpu.memory_space<vmem_shared>> -> memref<10112x128xf32, #tpu.memory_space<vmem_shared>>
          tpu.wait_indirect_dma semaphore(%arg39 : memref<!tpu.dma_semaphore, #tpu.memory_space<semaphore_mem>>) src(%arg14 : memref<16x128xf32, #tpu.memory_space<vmem>>) dst(%dma_wait3A_475 : memref<10112x128xf32, #tpu.memory_space<vmem_shared>>)
        } else {
        }
        %add3A_461 = arith.constant 12 : i32
        %add3A_462 = arith.addi %add3A_325, %add3A_461 : i32
        %sub3A_463 = arith.constant 1 : i32
        %sub3A_464 = arith.subi %add3A_462, %sub3A_463 : i32
        %mul3A_465 = arith.constant 16 : i32
        %mul3A_466 = arith.muli %sub3A_464, %mul3A_465 : i32
        %dma_start3A_467 = tpu.memref_slice %arg7[%mul3A_466] : memref<10080xi32, #tpu.memory_space<vmem>> -> memref<16xi32, #tpu.memory_space<vmem>>
        %dma_start3A_468 = arith.constant 0 : i32
        %dma_start3A_469 = arith.constant 0 : i32
        %dma_start3A_470 = tpu.memref_slice %arg2[%dma_start3A_468, %dma_start3A_469] : memref<10112x128xf32, #tpu.memory_space<hbm>> -> memref<10112x128xf32, #tpu.memory_space<hbm>>
        tpu.enqueue_indirect_dma source(%dma_start3A_470 : memref<10112x128xf32, #tpu.memory_space<hbm>>) target(%arg14 : memref<16x128xf32, #tpu.memory_space<vmem>>) offsets(%dma_start3A_467 : memref<16xi32, #tpu.memory_space<vmem>>) semaphore(%arg27 : memref<!tpu.dma_semaphore, #tpu.memory_space<semaphore_mem>>)
      } else {
      }
      %add3A_346 = arith.constant 7 : i32
      %add3A_347 = arith.addi %mul3A_193, %add3A_346 : i32
      %dma_wait3A_348 = arith.constant 0 : i32
      %dma_wait3A_349 = tpu.memref_slice %arg7[%dma_wait3A_348] : memref<10080xi32, #tpu.memory_space<vmem>> -> memref<16xi32, #tpu.memory_space<vmem>>
      %dma_wait3A_350 = arith.constant 0 : i32
      %dma_wait3A_351 = arith.constant 0 : i32
      %dma_wait3A_352 = tpu.memref_slice %arg2[%dma_wait3A_350, %dma_wait3A_351] : memref<10112x128xf32, #tpu.memory_space<hbm>> -> memref<10112x128xf32, #tpu.memory_space<hbm>>
      tpu.wait_indirect_dma semaphore(%arg29 : memref<!tpu.dma_semaphore, #tpu.memory_space<semaphore_mem>>) src(%dma_wait3A_352 : memref<10112x128xf32, #tpu.memory_space<hbm>>) dst(%arg16 : memref<16x128xf32, #tpu.memory_space<vmem>>)
      %mul3A_353 = arith.constant 16 : i32
      %mul3A_354 = arith.muli %add3A_347, %mul3A_353 : i32
      %dma_start3A_355 = tpu.memref_slice %arg8[%mul3A_354] : memref<10080xi32, #tpu.memory_space<vmem>> -> memref<16xi32, #tpu.memory_space<vmem>>
      %dma_start3A_356 = arith.constant 0 : i32
      %dma_start3A_357 = arith.constant 0 : i32
      %dma_start3A_358 = tpu.memref_slice %arg21[%dma_start3A_356, %dma_start3A_357] : memref<10112x128xf32, #tpu.memory_space<vmem_shared>> -> memref<10112x128xf32, #tpu.memory_space<vmem_shared>>
      tpu.enqueue_indirect_dma source(%arg16 : memref<16x128xf32, #tpu.memory_space<vmem>>) target(%dma_start3A_358 : memref<10112x128xf32, #tpu.memory_space<vmem_shared>>) offsets(%dma_start3A_355 : memref<16xi32, #tpu.memory_space<vmem>>) semaphore(%arg41 : memref<!tpu.dma_semaphore, #tpu.memory_space<semaphore_mem>>) {add = true}
      %add3A_359 = arith.constant 12 : i32
      %add3A_360 = arith.addi %add3A_347, %add3A_359 : i32
      %sub3A_361 = arith.constant 1 : i32
      %sub3A_362 = arith.subi %add3A_360, %sub3A_361 : i32
      %lt3A_363 = arith.constant 630 : i32
      %lt3A_364 = arith.cmpi slt, %sub3A_362, %lt3A_363 : i32
      %convert_element_type3A_365 = arith.extui %lt3A_364 : i1 to i32
      %cond3A_366 = arith.constant 0 : i32
      %cond3A_367 = arith.cmpi ne, %convert_element_type3A_365, %cond3A_366 : i32
      scf.if %cond3A_367 {
        %ge3A = arith.constant 1 : i32
        %ge3A_457 = arith.cmpi sge, %add3A_347, %ge3A : i32
        %convert_element_type3A_458 = arith.extui %ge3A_457 : i1 to i32
        %cond3A_459 = arith.constant 0 : i32
        %cond3A_460 = arith.cmpi ne, %convert_element_type3A_458, %cond3A_459 : i32
        scf.if %cond3A_460 {
          %dma_wait3A_471 = arith.constant 0 : i32
          %dma_wait3A_472 = tpu.memref_slice %arg8[%dma_wait3A_471] : memref<10080xi32, #tpu.memory_space<vmem>> -> memref<16xi32, #tpu.memory_space<vmem>>
          %dma_wait3A_473 = arith.constant 0 : i32
          %dma_wait3A_474 = arith.constant 0 : i32
          %dma_wait3A_475 = tpu.memref_slice %arg21[%dma_wait3A_473, %dma_wait3A_474] : memref<10112x128xf32, #tpu.memory_space<vmem_shared>> -> memref<10112x128xf32, #tpu.memory_space<vmem_shared>>
          tpu.wait_indirect_dma semaphore(%arg40 : memref<!tpu.dma_semaphore, #tpu.memory_space<semaphore_mem>>) src(%arg15 : memref<16x128xf32, #tpu.memory_space<vmem>>) dst(%dma_wait3A_475 : memref<10112x128xf32, #tpu.memory_space<vmem_shared>>)
        } else {
        }
        %add3A_461 = arith.constant 12 : i32
        %add3A_462 = arith.addi %add3A_347, %add3A_461 : i32
        %sub3A_463 = arith.constant 1 : i32
        %sub3A_464 = arith.subi %add3A_462, %sub3A_463 : i32
        %mul3A_465 = arith.constant 16 : i32
        %mul3A_466 = arith.muli %sub3A_464, %mul3A_465 : i32
        %dma_start3A_467 = tpu.memref_slice %arg7[%mul3A_466] : memref<10080xi32, #tpu.memory_space<vmem>> -> memref<16xi32, #tpu.memory_space<vmem>>
        %dma_start3A_468 = arith.constant 0 : i32
        %dma_start3A_469 = arith.constant 0 : i32
        %dma_start3A_470 = tpu.memref_slice %arg2[%dma_start3A_468, %dma_start3A_469] : memref<10112x128xf32, #tpu.memory_space<hbm>> -> memref<10112x128xf32, #tpu.memory_space<hbm>>
        tpu.enqueue_indirect_dma source(%dma_start3A_470 : memref<10112x128xf32, #tpu.memory_space<hbm>>) target(%arg15 : memref<16x128xf32, #tpu.memory_space<vmem>>) offsets(%dma_start3A_467 : memref<16xi32, #tpu.memory_space<vmem>>) semaphore(%arg28 : memref<!tpu.dma_semaphore, #tpu.memory_space<semaphore_mem>>)
      } else {
      }
      %add3A_368 = arith.constant 8 : i32
      %add3A_369 = arith.addi %mul3A_193, %add3A_368 : i32
      %dma_wait3A_370 = arith.constant 0 : i32
      %dma_wait3A_371 = tpu.memref_slice %arg7[%dma_wait3A_370] : memref<10080xi32, #tpu.memory_space<vmem>> -> memref<16xi32, #tpu.memory_space<vmem>>
      %dma_wait3A_372 = arith.constant 0 : i32
      %dma_wait3A_373 = arith.constant 0 : i32
      %dma_wait3A_374 = tpu.memref_slice %arg2[%dma_wait3A_372, %dma_wait3A_373] : memref<10112x128xf32, #tpu.memory_space<hbm>> -> memref<10112x128xf32, #tpu.memory_space<hbm>>
      tpu.wait_indirect_dma semaphore(%arg30 : memref<!tpu.dma_semaphore, #tpu.memory_space<semaphore_mem>>) src(%dma_wait3A_374 : memref<10112x128xf32, #tpu.memory_space<hbm>>) dst(%arg17 : memref<16x128xf32, #tpu.memory_space<vmem>>)
      %mul3A_375 = arith.constant 16 : i32
      %mul3A_376 = arith.muli %add3A_369, %mul3A_375 : i32
      %dma_start3A_377 = tpu.memref_slice %arg8[%mul3A_376] : memref<10080xi32, #tpu.memory_space<vmem>> -> memref<16xi32, #tpu.memory_space<vmem>>
      %dma_start3A_378 = arith.constant 0 : i32
      %dma_start3A_379 = arith.constant 0 : i32
      %dma_start3A_380 = tpu.memref_slice %arg21[%dma_start3A_378, %dma_start3A_379] : memref<10112x128xf32, #tpu.memory_space<vmem_shared>> -> memref<10112x128xf32, #tpu.memory_space<vmem_shared>>
      tpu.enqueue_indirect_dma source(%arg17 : memref<16x128xf32, #tpu.memory_space<vmem>>) target(%dma_start3A_380 : memref<10112x128xf32, #tpu.memory_space<vmem_shared>>) offsets(%dma_start3A_377 : memref<16xi32, #tpu.memory_space<vmem>>) semaphore(%arg42 : memref<!tpu.dma_semaphore, #tpu.memory_space<semaphore_mem>>) {add = true}
      %add3A_381 = arith.constant 12 : i32
      %add3A_382 = arith.addi %add3A_369, %add3A_381 : i32
      %sub3A_383 = arith.constant 1 : i32
      %sub3A_384 = arith.subi %add3A_382, %sub3A_383 : i32
      %lt3A_385 = arith.constant 630 : i32
      %lt3A_386 = arith.cmpi slt, %sub3A_384, %lt3A_385 : i32
      %convert_element_type3A_387 = arith.extui %lt3A_386 : i1 to i32
      %cond3A_388 = arith.constant 0 : i32
      %cond3A_389 = arith.cmpi ne, %convert_element_type3A_387, %cond3A_388 : i32
      scf.if %cond3A_389 {
        %ge3A = arith.constant 1 : i32
        %ge3A_457 = arith.cmpi sge, %add3A_369, %ge3A : i32
        %convert_element_type3A_458 = arith.extui %ge3A_457 : i1 to i32
        %cond3A_459 = arith.constant 0 : i32
        %cond3A_460 = arith.cmpi ne, %convert_element_type3A_458, %cond3A_459 : i32
        scf.if %cond3A_460 {
          %dma_wait3A_471 = arith.constant 0 : i32
          %dma_wait3A_472 = tpu.memref_slice %arg8[%dma_wait3A_471] : memref<10080xi32, #tpu.memory_space<vmem>> -> memref<16xi32, #tpu.memory_space<vmem>>
          %dma_wait3A_473 = arith.constant 0 : i32
          %dma_wait3A_474 = arith.constant 0 : i32
          %dma_wait3A_475 = tpu.memref_slice %arg21[%dma_wait3A_473, %dma_wait3A_474] : memref<10112x128xf32, #tpu.memory_space<vmem_shared>> -> memref<10112x128xf32, #tpu.memory_space<vmem_shared>>
          tpu.wait_indirect_dma semaphore(%arg41 : memref<!tpu.dma_semaphore, #tpu.memory_space<semaphore_mem>>) src(%arg16 : memref<16x128xf32, #tpu.memory_space<vmem>>) dst(%dma_wait3A_475 : memref<10112x128xf32, #tpu.memory_space<vmem_shared>>)
        } else {
        }
        %add3A_461 = arith.constant 12 : i32
        %add3A_462 = arith.addi %add3A_369, %add3A_461 : i32
        %sub3A_463 = arith.constant 1 : i32
        %sub3A_464 = arith.subi %add3A_462, %sub3A_463 : i32
        %mul3A_465 = arith.constant 16 : i32
        %mul3A_466 = arith.muli %sub3A_464, %mul3A_465 : i32
        %dma_start3A_467 = tpu.memref_slice %arg7[%mul3A_466] : memref<10080xi32, #tpu.memory_space<vmem>> -> memref<16xi32, #tpu.memory_space<vmem>>
        %dma_start3A_468 = arith.constant 0 : i32
        %dma_start3A_469 = arith.constant 0 : i32
        %dma_start3A_470 = tpu.memref_slice %arg2[%dma_start3A_468, %dma_start3A_469] : memref<10112x128xf32, #tpu.memory_space<hbm>> -> memref<10112x128xf32, #tpu.memory_space<hbm>>
        tpu.enqueue_indirect_dma source(%dma_start3A_470 : memref<10112x128xf32, #tpu.memory_space<hbm>>) target(%arg16 : memref<16x128xf32, #tpu.memory_space<vmem>>) offsets(%dma_start3A_467 : memref<16xi32, #tpu.memory_space<vmem>>) semaphore(%arg29 : memref<!tpu.dma_semaphore, #tpu.memory_space<semaphore_mem>>)
      } else {
      }
      %add3A_390 = arith.constant 9 : i32
      %add3A_391 = arith.addi %mul3A_193, %add3A_390 : i32
      %dma_wait3A_392 = arith.constant 0 : i32
      %dma_wait3A_393 = tpu.memref_slice %arg7[%dma_wait3A_392] : memref<10080xi32, #tpu.memory_space<vmem>> -> memref<16xi32, #tpu.memory_space<vmem>>
      %dma_wait3A_394 = arith.constant 0 : i32
      %dma_wait3A_395 = arith.constant 0 : i32
      %dma_wait3A_396 = tpu.memref_slice %arg2[%dma_wait3A_394, %dma_wait3A_395] : memref<10112x128xf32, #tpu.memory_space<hbm>> -> memref<10112x128xf32, #tpu.memory_space<hbm>>
      tpu.wait_indirect_dma semaphore(%arg31 : memref<!tpu.dma_semaphore, #tpu.memory_space<semaphore_mem>>) src(%dma_wait3A_396 : memref<10112x128xf32, #tpu.memory_space<hbm>>) dst(%arg18 : memref<16x128xf32, #tpu.memory_space<vmem>>)
      %mul3A_397 = arith.constant 16 : i32
      %mul3A_398 = arith.muli %add3A_391, %mul3A_397 : i32
      %dma_start3A_399 = tpu.memref_slice %arg8[%mul3A_398] : memref<10080xi32, #tpu.memory_space<vmem>> -> memref<16xi32, #tpu.memory_space<vmem>>
      %dma_start3A_400 = arith.constant 0 : i32
      %dma_start3A_401 = arith.constant 0 : i32
      %dma_start3A_402 = tpu.memref_slice %arg21[%dma_start3A_400, %dma_start3A_401] : memref<10112x128xf32, #tpu.memory_space<vmem_shared>> -> memref<10112x128xf32, #tpu.memory_space<vmem_shared>>
      tpu.enqueue_indirect_dma source(%arg18 : memref<16x128xf32, #tpu.memory_space<vmem>>) target(%dma_start3A_402 : memref<10112x128xf32, #tpu.memory_space<vmem_shared>>) offsets(%dma_start3A_399 : memref<16xi32, #tpu.memory_space<vmem>>) semaphore(%arg43 : memref<!tpu.dma_semaphore, #tpu.memory_space<semaphore_mem>>) {add = true}
      %add3A_403 = arith.constant 12 : i32
      %add3A_404 = arith.addi %add3A_391, %add3A_403 : i32
      %sub3A_405 = arith.constant 1 : i32
      %sub3A_406 = arith.subi %add3A_404, %sub3A_405 : i32
      %lt3A_407 = arith.constant 630 : i32
      %lt3A_408 = arith.cmpi slt, %sub3A_406, %lt3A_407 : i32
      %convert_element_type3A_409 = arith.extui %lt3A_408 : i1 to i32
      %cond3A_410 = arith.constant 0 : i32
      %cond3A_411 = arith.cmpi ne, %convert_element_type3A_409, %cond3A_410 : i32
      scf.if %cond3A_411 {
        %ge3A = arith.constant 1 : i32
        %ge3A_457 = arith.cmpi sge, %add3A_391, %ge3A : i32
        %convert_element_type3A_458 = arith.extui %ge3A_457 : i1 to i32
        %cond3A_459 = arith.constant 0 : i32
        %cond3A_460 = arith.cmpi ne, %convert_element_type3A_458, %cond3A_459 : i32
        scf.if %cond3A_460 {
          %dma_wait3A_471 = arith.constant 0 : i32
          %dma_wait3A_472 = tpu.memref_slice %arg8[%dma_wait3A_471] : memref<10080xi32, #tpu.memory_space<vmem>> -> memref<16xi32, #tpu.memory_space<vmem>>
          %dma_wait3A_473 = arith.constant 0 : i32
          %dma_wait3A_474 = arith.constant 0 : i32
          %dma_wait3A_475 = tpu.memref_slice %arg21[%dma_wait3A_473, %dma_wait3A_474] : memref<10112x128xf32, #tpu.memory_space<vmem_shared>> -> memref<10112x128xf32, #tpu.memory_space<vmem_shared>>
          tpu.wait_indirect_dma semaphore(%arg42 : memref<!tpu.dma_semaphore, #tpu.memory_space<semaphore_mem>>) src(%arg17 : memref<16x128xf32, #tpu.memory_space<vmem>>) dst(%dma_wait3A_475 : memref<10112x128xf32, #tpu.memory_space<vmem_shared>>)
        } else {
        }
        %add3A_461 = arith.constant 12 : i32
        %add3A_462 = arith.addi %add3A_391, %add3A_461 : i32
        %sub3A_463 = arith.constant 1 : i32
        %sub3A_464 = arith.subi %add3A_462, %sub3A_463 : i32
        %mul3A_465 = arith.constant 16 : i32
        %mul3A_466 = arith.muli %sub3A_464, %mul3A_465 : i32
        %dma_start3A_467 = tpu.memref_slice %arg7[%mul3A_466] : memref<10080xi32, #tpu.memory_space<vmem>> -> memref<16xi32, #tpu.memory_space<vmem>>
        %dma_start3A_468 = arith.constant 0 : i32
        %dma_start3A_469 = arith.constant 0 : i32
        %dma_start3A_470 = tpu.memref_slice %arg2[%dma_start3A_468, %dma_start3A_469] : memref<10112x128xf32, #tpu.memory_space<hbm>> -> memref<10112x128xf32, #tpu.memory_space<hbm>>
        tpu.enqueue_indirect_dma source(%dma_start3A_470 : memref<10112x128xf32, #tpu.memory_space<hbm>>) target(%arg17 : memref<16x128xf32, #tpu.memory_space<vmem>>) offsets(%dma_start3A_467 : memref<16xi32, #tpu.memory_space<vmem>>) semaphore(%arg30 : memref<!tpu.dma_semaphore, #tpu.memory_space<semaphore_mem>>)
      } else {
      }
      %add3A_412 = arith.constant 10 : i32
      %add3A_413 = arith.addi %mul3A_193, %add3A_412 : i32
      %dma_wait3A_414 = arith.constant 0 : i32
      %dma_wait3A_415 = tpu.memref_slice %arg7[%dma_wait3A_414] : memref<10080xi32, #tpu.memory_space<vmem>> -> memref<16xi32, #tpu.memory_space<vmem>>
      %dma_wait3A_416 = arith.constant 0 : i32
      %dma_wait3A_417 = arith.constant 0 : i32
      %dma_wait3A_418 = tpu.memref_slice %arg2[%dma_wait3A_416, %dma_wait3A_417] : memref<10112x128xf32, #tpu.memory_space<hbm>> -> memref<10112x128xf32, #tpu.memory_space<hbm>>
      tpu.wait_indirect_dma semaphore(%arg32 : memref<!tpu.dma_semaphore, #tpu.memory_space<semaphore_mem>>) src(%dma_wait3A_418 : memref<10112x128xf32, #tpu.memory_space<hbm>>) dst(%arg19 : memref<16x128xf32, #tpu.memory_space<vmem>>)
      %mul3A_419 = arith.constant 16 : i32
      %mul3A_420 = arith.muli %add3A_413, %mul3A_419 : i32
      %dma_start3A_421 = tpu.memref_slice %arg8[%mul3A_420] : memref<10080xi32, #tpu.memory_space<vmem>> -> memref<16xi32, #tpu.memory_space<vmem>>
      %dma_start3A_422 = arith.constant 0 : i32
      %dma_start3A_423 = arith.constant 0 : i32
      %dma_start3A_424 = tpu.memref_slice %arg21[%dma_start3A_422, %dma_start3A_423] : memref<10112x128xf32, #tpu.memory_space<vmem_shared>> -> memref<10112x128xf32, #tpu.memory_space<vmem_shared>>
      tpu.enqueue_indirect_dma source(%arg19 : memref<16x128xf32, #tpu.memory_space<vmem>>) target(%dma_start3A_424 : memref<10112x128xf32, #tpu.memory_space<vmem_shared>>) offsets(%dma_start3A_421 : memref<16xi32, #tpu.memory_space<vmem>>) semaphore(%arg44 : memref<!tpu.dma_semaphore, #tpu.memory_space<semaphore_mem>>) {add = true}
      %add3A_425 = arith.constant 12 : i32
      %add3A_426 = arith.addi %add3A_413, %add3A_425 : i32
      %sub3A_427 = arith.constant 1 : i32
      %sub3A_428 = arith.subi %add3A_426, %sub3A_427 : i32
      %lt3A_429 = arith.constant 630 : i32
      %lt3A_430 = arith.cmpi slt, %sub3A_428, %lt3A_429 : i32
      %convert_element_type3A_431 = arith.extui %lt3A_430 : i1 to i32
      %cond3A_432 = arith.constant 0 : i32
      %cond3A_433 = arith.cmpi ne, %convert_element_type3A_431, %cond3A_432 : i32
      scf.if %cond3A_433 {
        %ge3A = arith.constant 1 : i32
        %ge3A_457 = arith.cmpi sge, %add3A_413, %ge3A : i32
        %convert_element_type3A_458 = arith.extui %ge3A_457 : i1 to i32
        %cond3A_459 = arith.constant 0 : i32
        %cond3A_460 = arith.cmpi ne, %convert_element_type3A_458, %cond3A_459 : i32
        scf.if %cond3A_460 {
          %dma_wait3A_471 = arith.constant 0 : i32
          %dma_wait3A_472 = tpu.memref_slice %arg8[%dma_wait3A_471] : memref<10080xi32, #tpu.memory_space<vmem>> -> memref<16xi32, #tpu.memory_space<vmem>>
          %dma_wait3A_473 = arith.constant 0 : i32
          %dma_wait3A_474 = arith.constant 0 : i32
          %dma_wait3A_475 = tpu.memref_slice %arg21[%dma_wait3A_473, %dma_wait3A_474] : memref<10112x128xf32, #tpu.memory_space<vmem_shared>> -> memref<10112x128xf32, #tpu.memory_space<vmem_shared>>
          tpu.wait_indirect_dma semaphore(%arg43 : memref<!tpu.dma_semaphore, #tpu.memory_space<semaphore_mem>>) src(%arg18 : memref<16x128xf32, #tpu.memory_space<vmem>>) dst(%dma_wait3A_475 : memref<10112x128xf32, #tpu.memory_space<vmem_shared>>)
        } else {
        }
        %add3A_461 = arith.constant 12 : i32
        %add3A_462 = arith.addi %add3A_413, %add3A_461 : i32
        %sub3A_463 = arith.constant 1 : i32
        %sub3A_464 = arith.subi %add3A_462, %sub3A_463 : i32
        %mul3A_465 = arith.constant 16 : i32
        %mul3A_466 = arith.muli %sub3A_464, %mul3A_465 : i32
        %dma_start3A_467 = tpu.memref_slice %arg7[%mul3A_466] : memref<10080xi32, #tpu.memory_space<vmem>> -> memref<16xi32, #tpu.memory_space<vmem>>
        %dma_start3A_468 = arith.constant 0 : i32
        %dma_start3A_469 = arith.constant 0 : i32
        %dma_start3A_470 = tpu.memref_slice %arg2[%dma_start3A_468, %dma_start3A_469] : memref<10112x128xf32, #tpu.memory_space<hbm>> -> memref<10112x128xf32, #tpu.memory_space<hbm>>
        tpu.enqueue_indirect_dma source(%dma_start3A_470 : memref<10112x128xf32, #tpu.memory_space<hbm>>) target(%arg18 : memref<16x128xf32, #tpu.memory_space<vmem>>) offsets(%dma_start3A_467 : memref<16xi32, #tpu.memory_space<vmem>>) semaphore(%arg31 : memref<!tpu.dma_semaphore, #tpu.memory_space<semaphore_mem>>)
      } else {
      }
      %add3A_434 = arith.constant 11 : i32
      %add3A_435 = arith.addi %mul3A_193, %add3A_434 : i32
      %dma_wait3A_436 = arith.constant 0 : i32
      %dma_wait3A_437 = tpu.memref_slice %arg7[%dma_wait3A_436] : memref<10080xi32, #tpu.memory_space<vmem>> -> memref<16xi32, #tpu.memory_space<vmem>>
      %dma_wait3A_438 = arith.constant 0 : i32
      %dma_wait3A_439 = arith.constant 0 : i32
      %dma_wait3A_440 = tpu.memref_slice %arg2[%dma_wait3A_438, %dma_wait3A_439] : memref<10112x128xf32, #tpu.memory_space<hbm>> -> memref<10112x128xf32, #tpu.memory_space<hbm>>
      tpu.wait_indirect_dma semaphore(%arg33 : memref<!tpu.dma_semaphore, #tpu.memory_space<semaphore_mem>>) src(%dma_wait3A_440 : memref<10112x128xf32, #tpu.memory_space<hbm>>) dst(%arg20 : memref<16x128xf32, #tpu.memory_space<vmem>>)
      %mul3A_441 = arith.constant 16 : i32
      %mul3A_442 = arith.muli %add3A_435, %mul3A_441 : i32
      %dma_start3A_443 = tpu.memref_slice %arg8[%mul3A_442] : memref<10080xi32, #tpu.memory_space<vmem>> -> memref<16xi32, #tpu.memory_space<vmem>>
      %dma_start3A_444 = arith.constant 0 : i32
      %dma_start3A_445 = arith.constant 0 : i32
      %dma_start3A_446 = tpu.memref_slice %arg21[%dma_start3A_444, %dma_start3A_445] : memref<10112x128xf32, #tpu.memory_space<vmem_shared>> -> memref<10112x128xf32, #tpu.memory_space<vmem_shared>>
      tpu.enqueue_indirect_dma source(%arg20 : memref<16x128xf32, #tpu.memory_space<vmem>>) target(%dma_start3A_446 : memref<10112x128xf32, #tpu.memory_space<vmem_shared>>) offsets(%dma_start3A_443 : memref<16xi32, #tpu.memory_space<vmem>>) semaphore(%arg45 : memref<!tpu.dma_semaphore, #tpu.memory_space<semaphore_mem>>) {add = true}
      %add3A_447 = arith.constant 12 : i32
      %add3A_448 = arith.addi %add3A_435, %add3A_447 : i32
      %sub3A_449 = arith.constant 1 : i32
      %sub3A_450 = arith.subi %add3A_448, %sub3A_449 : i32
      %lt3A_451 = arith.constant 630 : i32
      %lt3A_452 = arith.cmpi slt, %sub3A_450, %lt3A_451 : i32
      %convert_element_type3A_453 = arith.extui %lt3A_452 : i1 to i32
      %cond3A_454 = arith.constant 0 : i32
      %cond3A_455 = arith.cmpi ne, %convert_element_type3A_453, %cond3A_454 : i32
      scf.if %cond3A_455 {
        %ge3A = arith.constant 1 : i32
        %ge3A_457 = arith.cmpi sge, %add3A_435, %ge3A : i32
        %convert_element_type3A_458 = arith.extui %ge3A_457 : i1 to i32
        %cond3A_459 = arith.constant 0 : i32
        %cond3A_460 = arith.cmpi ne, %convert_element_type3A_458, %cond3A_459 : i32
        scf.if %cond3A_460 {
          %dma_wait3A_471 = arith.constant 0 : i32
          %dma_wait3A_472 = tpu.memref_slice %arg8[%dma_wait3A_471] : memref<10080xi32, #tpu.memory_space<vmem>> -> memref<16xi32, #tpu.memory_space<vmem>>
          %dma_wait3A_473 = arith.constant 0 : i32
          %dma_wait3A_474 = arith.constant 0 : i32
          %dma_wait3A_475 = tpu.memref_slice %arg21[%dma_wait3A_473, %dma_wait3A_474] : memref<10112x128xf32, #tpu.memory_space<vmem_shared>> -> memref<10112x128xf32, #tpu.memory_space<vmem_shared>>
          tpu.wait_indirect_dma semaphore(%arg44 : memref<!tpu.dma_semaphore, #tpu.memory_space<semaphore_mem>>) src(%arg19 : memref<16x128xf32, #tpu.memory_space<vmem>>) dst(%dma_wait3A_475 : memref<10112x128xf32, #tpu.memory_space<vmem_shared>>)
        } else {
        }
        %add3A_461 = arith.constant 12 : i32
        %add3A_462 = arith.addi %add3A_435, %add3A_461 : i32
        %sub3A_463 = arith.constant 1 : i32
        %sub3A_464 = arith.subi %add3A_462, %sub3A_463 : i32
        %mul3A_465 = arith.constant 16 : i32
        %mul3A_466 = arith.muli %sub3A_464, %mul3A_465 : i32
        %dma_start3A_467 = tpu.memref_slice %arg7[%mul3A_466] : memref<10080xi32, #tpu.memory_space<vmem>> -> memref<16xi32, #tpu.memory_space<vmem>>
        %dma_start3A_468 = arith.constant 0 : i32
        %dma_start3A_469 = arith.constant 0 : i32
        %dma_start3A_470 = tpu.memref_slice %arg2[%dma_start3A_468, %dma_start3A_469] : memref<10112x128xf32, #tpu.memory_space<hbm>> -> memref<10112x128xf32, #tpu.memory_space<hbm>>
        tpu.enqueue_indirect_dma source(%dma_start3A_470 : memref<10112x128xf32, #tpu.memory_space<hbm>>) target(%arg19 : memref<16x128xf32, #tpu.memory_space<vmem>>) offsets(%dma_start3A_467 : memref<16xi32, #tpu.memory_space<vmem>>) semaphore(%arg32 : memref<!tpu.dma_semaphore, #tpu.memory_space<semaphore_mem>>)
      } else {
      }
      %scan3A_456 = arith.constant 0 : i32
      scf.yield %scan3A_456 : i32
    }
    %scan3A_62 = arith.constant 52 : i32
    %dma_wait3A = arith.constant 0 : i32
    %dma_wait3A_63 = tpu.memref_slice %arg7[%dma_wait3A] : memref<10080xi32, #tpu.memory_space<vmem>> -> memref<16xi32, #tpu.memory_space<vmem>>
    %dma_wait3A_64 = arith.constant 0 : i32
    %dma_wait3A_65 = arith.constant 0 : i32
    %dma_wait3A_66 = tpu.memref_slice %arg2[%dma_wait3A_64, %dma_wait3A_65] : memref<10112x128xf32, #tpu.memory_space<hbm>> -> memref<10112x128xf32, #tpu.memory_space<hbm>>
    tpu.wait_indirect_dma semaphore(%arg22 : memref<!tpu.dma_semaphore, #tpu.memory_space<semaphore_mem>>) src(%dma_wait3A_66 : memref<10112x128xf32, #tpu.memory_space<hbm>>) dst(%arg9 : memref<16x128xf32, #tpu.memory_space<vmem>>)
    %dma_start3A_67 = arith.constant 9984 : i32
    %dma_start3A_68 = tpu.memref_slice %arg8[%dma_start3A_67] : memref<10080xi32, #tpu.memory_space<vmem>> -> memref<16xi32, #tpu.memory_space<vmem>>
    %dma_start3A_69 = arith.constant 0 : i32
    %dma_start3A_70 = arith.constant 0 : i32
    %dma_start3A_71 = tpu.memref_slice %arg21[%dma_start3A_69, %dma_start3A_70] : memref<10112x128xf32, #tpu.memory_space<vmem_shared>> -> memref<10112x128xf32, #tpu.memory_space<vmem_shared>>
    tpu.enqueue_indirect_dma source(%arg9 : memref<16x128xf32, #tpu.memory_space<vmem>>) target(%dma_start3A_71 : memref<10112x128xf32, #tpu.memory_space<vmem_shared>>) offsets(%dma_start3A_68 : memref<16xi32, #tpu.memory_space<vmem>>) semaphore(%arg34 : memref<!tpu.dma_semaphore, #tpu.memory_space<semaphore_mem>>) {add = true}
    %dma_wait3A_72 = arith.constant 0 : i32
    %dma_wait3A_73 = tpu.memref_slice %arg7[%dma_wait3A_72] : memref<10080xi32, #tpu.memory_space<vmem>> -> memref<16xi32, #tpu.memory_space<vmem>>
    %dma_wait3A_74 = arith.constant 0 : i32
    %dma_wait3A_75 = arith.constant 0 : i32
    %dma_wait3A_76 = tpu.memref_slice %arg2[%dma_wait3A_74, %dma_wait3A_75] : memref<10112x128xf32, #tpu.memory_space<hbm>> -> memref<10112x128xf32, #tpu.memory_space<hbm>>
    tpu.wait_indirect_dma semaphore(%arg23 : memref<!tpu.dma_semaphore, #tpu.memory_space<semaphore_mem>>) src(%dma_wait3A_76 : memref<10112x128xf32, #tpu.memory_space<hbm>>) dst(%arg10 : memref<16x128xf32, #tpu.memory_space<vmem>>)
    %dma_start3A_77 = arith.constant 10000 : i32
    %dma_start3A_78 = tpu.memref_slice %arg8[%dma_start3A_77] : memref<10080xi32, #tpu.memory_space<vmem>> -> memref<16xi32, #tpu.memory_space<vmem>>
    %dma_start3A_79 = arith.constant 0 : i32
    %dma_start3A_80 = arith.constant 0 : i32
    %dma_start3A_81 = tpu.memref_slice %arg21[%dma_start3A_79, %dma_start3A_80] : memref<10112x128xf32, #tpu.memory_space<vmem_shared>> -> memref<10112x128xf32, #tpu.memory_space<vmem_shared>>
    tpu.enqueue_indirect_dma source(%arg10 : memref<16x128xf32, #tpu.memory_space<vmem>>) target(%dma_start3A_81 : memref<10112x128xf32, #tpu.memory_space<vmem_shared>>) offsets(%dma_start3A_78 : memref<16xi32, #tpu.memory_space<vmem>>) semaphore(%arg35 : memref<!tpu.dma_semaphore, #tpu.memory_space<semaphore_mem>>) {add = true}
    %dma_wait3A_82 = arith.constant 0 : i32
    %dma_wait3A_83 = tpu.memref_slice %arg7[%dma_wait3A_82] : memref<10080xi32, #tpu.memory_space<vmem>> -> memref<16xi32, #tpu.memory_space<vmem>>
    %dma_wait3A_84 = arith.constant 0 : i32
    %dma_wait3A_85 = arith.constant 0 : i32
    %dma_wait3A_86 = tpu.memref_slice %arg2[%dma_wait3A_84, %dma_wait3A_85] : memref<10112x128xf32, #tpu.memory_space<hbm>> -> memref<10112x128xf32, #tpu.memory_space<hbm>>
    tpu.wait_indirect_dma semaphore(%arg24 : memref<!tpu.dma_semaphore, #tpu.memory_space<semaphore_mem>>) src(%dma_wait3A_86 : memref<10112x128xf32, #tpu.memory_space<hbm>>) dst(%arg11 : memref<16x128xf32, #tpu.memory_space<vmem>>)
    %dma_start3A_87 = arith.constant 10016 : i32
    %dma_start3A_88 = tpu.memref_slice %arg8[%dma_start3A_87] : memref<10080xi32, #tpu.memory_space<vmem>> -> memref<16xi32, #tpu.memory_space<vmem>>
    %dma_start3A_89 = arith.constant 0 : i32
    %dma_start3A_90 = arith.constant 0 : i32
    %dma_start3A_91 = tpu.memref_slice %arg21[%dma_start3A_89, %dma_start3A_90] : memref<10112x128xf32, #tpu.memory_space<vmem_shared>> -> memref<10112x128xf32, #tpu.memory_space<vmem_shared>>
    tpu.enqueue_indirect_dma source(%arg11 : memref<16x128xf32, #tpu.memory_space<vmem>>) target(%dma_start3A_91 : memref<10112x128xf32, #tpu.memory_space<vmem_shared>>) offsets(%dma_start3A_88 : memref<16xi32, #tpu.memory_space<vmem>>) semaphore(%arg36 : memref<!tpu.dma_semaphore, #tpu.memory_space<semaphore_mem>>) {add = true}
    %dma_wait3A_92 = arith.constant 0 : i32
    %dma_wait3A_93 = tpu.memref_slice %arg7[%dma_wait3A_92] : memref<10080xi32, #tpu.memory_space<vmem>> -> memref<16xi32, #tpu.memory_space<vmem>>
    %dma_wait3A_94 = arith.constant 0 : i32
    %dma_wait3A_95 = arith.constant 0 : i32
    %dma_wait3A_96 = tpu.memref_slice %arg2[%dma_wait3A_94, %dma_wait3A_95] : memref<10112x128xf32, #tpu.memory_space<hbm>> -> memref<10112x128xf32, #tpu.memory_space<hbm>>
    tpu.wait_indirect_dma semaphore(%arg25 : memref<!tpu.dma_semaphore, #tpu.memory_space<semaphore_mem>>) src(%dma_wait3A_96 : memref<10112x128xf32, #tpu.memory_space<hbm>>) dst(%arg12 : memref<16x128xf32, #tpu.memory_space<vmem>>)
    %dma_start3A_97 = arith.constant 10032 : i32
    %dma_start3A_98 = tpu.memref_slice %arg8[%dma_start3A_97] : memref<10080xi32, #tpu.memory_space<vmem>> -> memref<16xi32, #tpu.memory_space<vmem>>
    %dma_start3A_99 = arith.constant 0 : i32
    %dma_start3A_100 = arith.constant 0 : i32
    %dma_start3A_101 = tpu.memref_slice %arg21[%dma_start3A_99, %dma_start3A_100] : memref<10112x128xf32, #tpu.memory_space<vmem_shared>> -> memref<10112x128xf32, #tpu.memory_space<vmem_shared>>
    tpu.enqueue_indirect_dma source(%arg12 : memref<16x128xf32, #tpu.memory_space<vmem>>) target(%dma_start3A_101 : memref<10112x128xf32, #tpu.memory_space<vmem_shared>>) offsets(%dma_start3A_98 : memref<16xi32, #tpu.memory_space<vmem>>) semaphore(%arg37 : memref<!tpu.dma_semaphore, #tpu.memory_space<semaphore_mem>>) {add = true}
    %dma_wait3A_102 = arith.constant 0 : i32
    %dma_wait3A_103 = tpu.memref_slice %arg7[%dma_wait3A_102] : memref<10080xi32, #tpu.memory_space<vmem>> -> memref<16xi32, #tpu.memory_space<vmem>>
    %dma_wait3A_104 = arith.constant 0 : i32
    %dma_wait3A_105 = arith.constant 0 : i32
    %dma_wait3A_106 = tpu.memref_slice %arg2[%dma_wait3A_104, %dma_wait3A_105] : memref<10112x128xf32, #tpu.memory_space<hbm>> -> memref<10112x128xf32, #tpu.memory_space<hbm>>
    tpu.wait_indirect_dma semaphore(%arg26 : memref<!tpu.dma_semaphore, #tpu.memory_space<semaphore_mem>>) src(%dma_wait3A_106 : memref<10112x128xf32, #tpu.memory_space<hbm>>) dst(%arg13 : memref<16x128xf32, #tpu.memory_space<vmem>>)
    %dma_start3A_107 = arith.constant 10048 : i32
    %dma_start3A_108 = tpu.memref_slice %arg8[%dma_start3A_107] : memref<10080xi32, #tpu.memory_space<vmem>> -> memref<16xi32, #tpu.memory_space<vmem>>
    %dma_start3A_109 = arith.constant 0 : i32
    %dma_start3A_110 = arith.constant 0 : i32
    %dma_start3A_111 = tpu.memref_slice %arg21[%dma_start3A_109, %dma_start3A_110] : memref<10112x128xf32, #tpu.memory_space<vmem_shared>> -> memref<10112x128xf32, #tpu.memory_space<vmem_shared>>
    tpu.enqueue_indirect_dma source(%arg13 : memref<16x128xf32, #tpu.memory_space<vmem>>) target(%dma_start3A_111 : memref<10112x128xf32, #tpu.memory_space<vmem_shared>>) offsets(%dma_start3A_108 : memref<16xi32, #tpu.memory_space<vmem>>) semaphore(%arg38 : memref<!tpu.dma_semaphore, #tpu.memory_space<semaphore_mem>>) {add = true}
    %dma_wait3A_112 = arith.constant 0 : i32
    %dma_wait3A_113 = tpu.memref_slice %arg7[%dma_wait3A_112] : memref<10080xi32, #tpu.memory_space<vmem>> -> memref<16xi32, #tpu.memory_space<vmem>>
    %dma_wait3A_114 = arith.constant 0 : i32
    %dma_wait3A_115 = arith.constant 0 : i32
    %dma_wait3A_116 = tpu.memref_slice %arg2[%dma_wait3A_114, %dma_wait3A_115] : memref<10112x128xf32, #tpu.memory_space<hbm>> -> memref<10112x128xf32, #tpu.memory_space<hbm>>
    tpu.wait_indirect_dma semaphore(%arg27 : memref<!tpu.dma_semaphore, #tpu.memory_space<semaphore_mem>>) src(%dma_wait3A_116 : memref<10112x128xf32, #tpu.memory_space<hbm>>) dst(%arg14 : memref<16x128xf32, #tpu.memory_space<vmem>>)
    %dma_start3A_117 = arith.constant 10064 : i32
    %dma_start3A_118 = tpu.memref_slice %arg8[%dma_start3A_117] : memref<10080xi32, #tpu.memory_space<vmem>> -> memref<16xi32, #tpu.memory_space<vmem>>
    %dma_start3A_119 = arith.constant 0 : i32
    %dma_start3A_120 = arith.constant 0 : i32
    %dma_start3A_121 = tpu.memref_slice %arg21[%dma_start3A_119, %dma_start3A_120] : memref<10112x128xf32, #tpu.memory_space<vmem_shared>> -> memref<10112x128xf32, #tpu.memory_space<vmem_shared>>
    tpu.enqueue_indirect_dma source(%arg14 : memref<16x128xf32, #tpu.memory_space<vmem>>) target(%dma_start3A_121 : memref<10112x128xf32, #tpu.memory_space<vmem_shared>>) offsets(%dma_start3A_118 : memref<16xi32, #tpu.memory_space<vmem>>) semaphore(%arg39 : memref<!tpu.dma_semaphore, #tpu.memory_space<semaphore_mem>>) {add = true}
    %dma_wait3A_122 = arith.constant 0 : i32
    %dma_wait3A_123 = tpu.memref_slice %arg8[%dma_wait3A_122] : memref<10080xi32, #tpu.memory_space<vmem>> -> memref<16xi32, #tpu.memory_space<vmem>>
    %dma_wait3A_124 = arith.constant 0 : i32
    %dma_wait3A_125 = arith.constant 0 : i32
    %dma_wait3A_126 = tpu.memref_slice %arg21[%dma_wait3A_124, %dma_wait3A_125] : memref<10112x128xf32, #tpu.memory_space<vmem_shared>> -> memref<10112x128xf32, #tpu.memory_space<vmem_shared>>
    tpu.wait_indirect_dma semaphore(%arg34 : memref<!tpu.dma_semaphore, #tpu.memory_space<semaphore_mem>>) src(%arg9 : memref<16x128xf32, #tpu.memory_space<vmem>>) dst(%dma_wait3A_126 : memref<10112x128xf32, #tpu.memory_space<vmem_shared>>)
    %dma_wait3A_127 = arith.constant 0 : i32
    %dma_wait3A_128 = tpu.memref_slice %arg8[%dma_wait3A_127] : memref<10080xi32, #tpu.memory_space<vmem>> -> memref<16xi32, #tpu.memory_space<vmem>>
    %dma_wait3A_129 = arith.constant 0 : i32
    %dma_wait3A_130 = arith.constant 0 : i32
    %dma_wait3A_131 = tpu.memref_slice %arg21[%dma_wait3A_129, %dma_wait3A_130] : memref<10112x128xf32, #tpu.memory_space<vmem_shared>> -> memref<10112x128xf32, #tpu.memory_space<vmem_shared>>
    tpu.wait_indirect_dma semaphore(%arg35 : memref<!tpu.dma_semaphore, #tpu.memory_space<semaphore_mem>>) src(%arg10 : memref<16x128xf32, #tpu.memory_space<vmem>>) dst(%dma_wait3A_131 : memref<10112x128xf32, #tpu.memory_space<vmem_shared>>)
    %dma_wait3A_132 = arith.constant 0 : i32
    %dma_wait3A_133 = tpu.memref_slice %arg8[%dma_wait3A_132] : memref<10080xi32, #tpu.memory_space<vmem>> -> memref<16xi32, #tpu.memory_space<vmem>>
    %dma_wait3A_134 = arith.constant 0 : i32
    %dma_wait3A_135 = arith.constant 0 : i32
    %dma_wait3A_136 = tpu.memref_slice %arg21[%dma_wait3A_134, %dma_wait3A_135] : memref<10112x128xf32, #tpu.memory_space<vmem_shared>> -> memref<10112x128xf32, #tpu.memory_space<vmem_shared>>
    tpu.wait_indirect_dma semaphore(%arg36 : memref<!tpu.dma_semaphore, #tpu.memory_space<semaphore_mem>>) src(%arg11 : memref<16x128xf32, #tpu.memory_space<vmem>>) dst(%dma_wait3A_136 : memref<10112x128xf32, #tpu.memory_space<vmem_shared>>)
    %dma_wait3A_137 = arith.constant 0 : i32
    %dma_wait3A_138 = tpu.memref_slice %arg8[%dma_wait3A_137] : memref<10080xi32, #tpu.memory_space<vmem>> -> memref<16xi32, #tpu.memory_space<vmem>>
    %dma_wait3A_139 = arith.constant 0 : i32
    %dma_wait3A_140 = arith.constant 0 : i32
    %dma_wait3A_141 = tpu.memref_slice %arg21[%dma_wait3A_139, %dma_wait3A_140] : memref<10112x128xf32, #tpu.memory_space<vmem_shared>> -> memref<10112x128xf32, #tpu.memory_space<vmem_shared>>
    tpu.wait_indirect_dma semaphore(%arg37 : memref<!tpu.dma_semaphore, #tpu.memory_space<semaphore_mem>>) src(%arg12 : memref<16x128xf32, #tpu.memory_space<vmem>>) dst(%dma_wait3A_141 : memref<10112x128xf32, #tpu.memory_space<vmem_shared>>)
    %dma_wait3A_142 = arith.constant 0 : i32
    %dma_wait3A_143 = tpu.memref_slice %arg8[%dma_wait3A_142] : memref<10080xi32, #tpu.memory_space<vmem>> -> memref<16xi32, #tpu.memory_space<vmem>>
    %dma_wait3A_144 = arith.constant 0 : i32
    %dma_wait3A_145 = arith.constant 0 : i32
    %dma_wait3A_146 = tpu.memref_slice %arg21[%dma_wait3A_144, %dma_wait3A_145] : memref<10112x128xf32, #tpu.memory_space<vmem_shared>> -> memref<10112x128xf32, #tpu.memory_space<vmem_shared>>
    tpu.wait_indirect_dma semaphore(%arg38 : memref<!tpu.dma_semaphore, #tpu.memory_space<semaphore_mem>>) src(%arg13 : memref<16x128xf32, #tpu.memory_space<vmem>>) dst(%dma_wait3A_146 : memref<10112x128xf32, #tpu.memory_space<vmem_shared>>)
    %dma_wait3A_147 = arith.constant 0 : i32
    %dma_wait3A_148 = tpu.memref_slice %arg8[%dma_wait3A_147] : memref<10080xi32, #tpu.memory_space<vmem>> -> memref<16xi32, #tpu.memory_space<vmem>>
    %dma_wait3A_149 = arith.constant 0 : i32
    %dma_wait3A_150 = arith.constant 0 : i32
    %dma_wait3A_151 = tpu.memref_slice %arg21[%dma_wait3A_149, %dma_wait3A_150] : memref<10112x128xf32, #tpu.memory_space<vmem_shared>> -> memref<10112x128xf32, #tpu.memory_space<vmem_shared>>
    tpu.wait_indirect_dma semaphore(%arg39 : memref<!tpu.dma_semaphore, #tpu.memory_space<semaphore_mem>>) src(%arg14 : memref<16x128xf32, #tpu.memory_space<vmem>>) dst(%dma_wait3A_151 : memref<10112x128xf32, #tpu.memory_space<vmem_shared>>)
    %dma_wait3A_152 = arith.constant 0 : i32
    %dma_wait3A_153 = tpu.memref_slice %arg8[%dma_wait3A_152] : memref<10080xi32, #tpu.memory_space<vmem>> -> memref<16xi32, #tpu.memory_space<vmem>>
    %dma_wait3A_154 = arith.constant 0 : i32
    %dma_wait3A_155 = arith.constant 0 : i32
    %dma_wait3A_156 = tpu.memref_slice %arg21[%dma_wait3A_154, %dma_wait3A_155] : memref<10112x128xf32, #tpu.memory_space<vmem_shared>> -> memref<10112x128xf32, #tpu.memory_space<vmem_shared>>
    tpu.wait_indirect_dma semaphore(%arg40 : memref<!tpu.dma_semaphore, #tpu.memory_space<semaphore_mem>>) src(%arg15 : memref<16x128xf32, #tpu.memory_space<vmem>>) dst(%dma_wait3A_156 : memref<10112x128xf32, #tpu.memory_space<vmem_shared>>)
    %dma_wait3A_157 = arith.constant 0 : i32
    %dma_wait3A_158 = tpu.memref_slice %arg8[%dma_wait3A_157] : memref<10080xi32, #tpu.memory_space<vmem>> -> memref<16xi32, #tpu.memory_space<vmem>>
    %dma_wait3A_159 = arith.constant 0 : i32
    %dma_wait3A_160 = arith.constant 0 : i32
    %dma_wait3A_161 = tpu.memref_slice %arg21[%dma_wait3A_159, %dma_wait3A_160] : memref<10112x128xf32, #tpu.memory_space<vmem_shared>> -> memref<10112x128xf32, #tpu.memory_space<vmem_shared>>
    tpu.wait_indirect_dma semaphore(%arg41 : memref<!tpu.dma_semaphore, #tpu.memory_space<semaphore_mem>>) src(%arg16 : memref<16x128xf32, #tpu.memory_space<vmem>>) dst(%dma_wait3A_161 : memref<10112x128xf32, #tpu.memory_space<vmem_shared>>)
    %dma_wait3A_162 = arith.constant 0 : i32
    %dma_wait3A_163 = tpu.memref_slice %arg8[%dma_wait3A_162] : memref<10080xi32, #tpu.memory_space<vmem>> -> memref<16xi32, #tpu.memory_space<vmem>>
    %dma_wait3A_164 = arith.constant 0 : i32
    %dma_wait3A_165 = arith.constant 0 : i32
    %dma_wait3A_166 = tpu.memref_slice %arg21[%dma_wait3A_164, %dma_wait3A_165] : memref<10112x128xf32, #tpu.memory_space<vmem_shared>> -> memref<10112x128xf32, #tpu.memory_space<vmem_shared>>
    tpu.wait_indirect_dma semaphore(%arg42 : memref<!tpu.dma_semaphore, #tpu.memory_space<semaphore_mem>>) src(%arg17 : memref<16x128xf32, #tpu.memory_space<vmem>>) dst(%dma_wait3A_166 : memref<10112x128xf32, #tpu.memory_space<vmem_shared>>)
    %dma_wait3A_167 = arith.constant 0 : i32
    %dma_wait3A_168 = tpu.memref_slice %arg8[%dma_wait3A_167] : memref<10080xi32, #tpu.memory_space<vmem>> -> memref<16xi32, #tpu.memory_space<vmem>>
    %dma_wait3A_169 = arith.constant 0 : i32
    %dma_wait3A_170 = arith.constant 0 : i32
    %dma_wait3A_171 = tpu.memref_slice %arg21[%dma_wait3A_169, %dma_wait3A_170] : memref<10112x128xf32, #tpu.memory_space<vmem_shared>> -> memref<10112x128xf32, #tpu.memory_space<vmem_shared>>
    tpu.wait_indirect_dma semaphore(%arg43 : memref<!tpu.dma_semaphore, #tpu.memory_space<semaphore_mem>>) src(%arg18 : memref<16x128xf32, #tpu.memory_space<vmem>>) dst(%dma_wait3A_171 : memref<10112x128xf32, #tpu.memory_space<vmem_shared>>)
    %dma_wait3A_172 = arith.constant 0 : i32
    %dma_wait3A_173 = tpu.memref_slice %arg8[%dma_wait3A_172] : memref<10080xi32, #tpu.memory_space<vmem>> -> memref<16xi32, #tpu.memory_space<vmem>>
    %dma_wait3A_174 = arith.constant 0 : i32
    %dma_wait3A_175 = arith.constant 0 : i32
    %dma_wait3A_176 = tpu.memref_slice %arg21[%dma_wait3A_174, %dma_wait3A_175] : memref<10112x128xf32, #tpu.memory_space<vmem_shared>> -> memref<10112x128xf32, #tpu.memory_space<vmem_shared>>
    tpu.wait_indirect_dma semaphore(%arg44 : memref<!tpu.dma_semaphore, #tpu.memory_space<semaphore_mem>>) src(%arg19 : memref<16x128xf32, #tpu.memory_space<vmem>>) dst(%dma_wait3A_176 : memref<10112x128xf32, #tpu.memory_space<vmem_shared>>)
    %dma_wait3A_177 = arith.constant 0 : i32
    %dma_wait3A_178 = tpu.memref_slice %arg8[%dma_wait3A_177] : memref<10080xi32, #tpu.memory_space<vmem>> -> memref<16xi32, #tpu.memory_space<vmem>>
    %dma_wait3A_179 = arith.constant 0 : i32
    %dma_wait3A_180 = arith.constant 0 : i32
    %dma_wait3A_181 = tpu.memref_slice %arg21[%dma_wait3A_179, %dma_wait3A_180] : memref<10112x128xf32, #tpu.memory_space<vmem_shared>> -> memref<10112x128xf32, #tpu.memory_space<vmem_shared>>
    tpu.wait_indirect_dma semaphore(%arg45 : memref<!tpu.dma_semaphore, #tpu.memory_space<semaphore_mem>>) src(%arg20 : memref<16x128xf32, #tpu.memory_space<vmem>>) dst(%dma_wait3A_181 : memref<10112x128xf32, #tpu.memory_space<vmem_shared>>)
    %barrier3A_182 = arith.constant 0 : index
    tpu.barrier barrier_id(%barrier3A_182)
    %eq3A = arith.constant 0 : i32
    %eq3A_183 = arith.cmpi eq, %arg0, %eq3A : i32
    %convert_element_type3A = arith.extui %eq3A_183 : i1 to i32
    %cond3A = arith.constant 0 : i32
    %cond3A_184 = arith.cmpi ne, %convert_element_type3A, %cond3A : i32
    scf.if %cond3A_184 {
      "tpu.region"() ({
        %run_scoped3A = tpu.sem_alloc : memref<!tpu.dma_semaphore, #tpu.memory_space<semaphore_mem>>
        %dma_start3A_190 = arith.constant 0 : i32
        %dma_start3A_191 = tpu.memref_slice %arg5[%mul3A_2, %dma_start3A_190] : memref<10112x128xf32, #tpu.memory_space<hbm>> -> memref<632x128xf32, #tpu.memory_space<hbm>>
        %dma_start3A_192 = arith.constant 0 : i32
        %dma_start3A_193 = tpu.memref_slice %arg21[%mul3A_2, %dma_start3A_192] : memref<10112x128xf32, #tpu.memory_space<vmem_shared>> -> memref<632x128xf32, #tpu.memory_space<vmem_shared>>
        tpu.enqueue_dma source(%dma_start3A_193 : memref<632x128xf32, #tpu.memory_space<vmem_shared>>) target(%dma_start3A_191 : memref<632x128xf32, #tpu.memory_space<hbm>>) target_semaphore(%run_scoped3A : memref<!tpu.dma_semaphore, #tpu.memory_space<semaphore_mem>>)
        %dma_wait3A_194 = arith.constant 0 : i32
        %dma_wait3A_195 = tpu.memref_slice %arg5[%mul3A_2, %dma_wait3A_194] : memref<10112x128xf32, #tpu.memory_space<hbm>> -> memref<632x128xf32, #tpu.memory_space<hbm>>
        %dma_wait3A_196 = arith.constant 0 : i32
        %dma_wait3A_197 = tpu.memref_slice %arg21[%mul3A_2, %dma_wait3A_196] : memref<10112x128xf32, #tpu.memory_space<vmem_shared>> -> memref<632x128xf32, #tpu.memory_space<vmem_shared>>
        tpu.wait_dma2 semaphore(%run_scoped3A : memref<!tpu.dma_semaphore, #tpu.memory_space<semaphore_mem>>) src(%dma_wait3A_197 : memref<632x128xf32, #tpu.memory_space<vmem_shared>>) dst(%dma_wait3A_195 : memref<632x128xf32, #tpu.memory_space<hbm>>)
        tpu.yield
      }) : () -> ()
    } else {
    }
    %eq3A_185 = arith.constant 1 : i32
    %eq3A_186 = arith.cmpi eq, %arg0, %eq3A_185 : i32
    %convert_element_type3A_187 = arith.extui %eq3A_186 : i1 to i32
    %cond3A_188 = arith.constant 0 : i32
    %cond3A_189 = arith.cmpi ne, %convert_element_type3A_187, %cond3A_188 : i32
    scf.if %cond3A_189 {
      "tpu.region"() ({
        %run_scoped3A = tpu.sem_alloc : memref<!tpu.dma_semaphore, #tpu.memory_space<semaphore_mem>>
        %dma_start3A_190 = arith.constant 0 : i32
        %dma_start3A_191 = tpu.memref_slice %arg6[%mul3A_2, %dma_start3A_190] : memref<10112x128xf32, #tpu.memory_space<hbm>> -> memref<632x128xf32, #tpu.memory_space<hbm>>
        %dma_start3A_192 = arith.constant 0 : i32
        %dma_start3A_193 = tpu.memref_slice %arg21[%mul3A_2, %dma_start3A_192] : memref<10112x128xf32, #tpu.memory_space<vmem_shared>> -> memref<632x128xf32, #tpu.memory_space<vmem_shared>>
        tpu.enqueue_dma source(%dma_start3A_193 : memref<632x128xf32, #tpu.memory_space<vmem_shared>>) target(%dma_start3A_191 : memref<632x128xf32, #tpu.memory_space<hbm>>) target_semaphore(%run_scoped3A : memref<!tpu.dma_semaphore, #tpu.memory_space<semaphore_mem>>)
        %dma_wait3A_194 = arith.constant 0 : i32
        %dma_wait3A_195 = tpu.memref_slice %arg6[%mul3A_2, %dma_wait3A_194] : memref<10112x128xf32, #tpu.memory_space<hbm>> -> memref<632x128xf32, #tpu.memory_space<hbm>>
        %dma_wait3A_196 = arith.constant 0 : i32
        %dma_wait3A_197 = tpu.memref_slice %arg21[%mul3A_2, %dma_wait3A_196] : memref<10112x128xf32, #tpu.memory_space<vmem_shared>> -> memref<632x128xf32, #tpu.memory_space<vmem_shared>>
        tpu.wait_dma2 semaphore(%run_scoped3A : memref<!tpu.dma_semaphore, #tpu.memory_space<semaphore_mem>>) src(%dma_wait3A_197 : memref<632x128xf32, #tpu.memory_space<vmem_shared>>) dst(%dma_wait3A_195 : memref<632x128xf32, #tpu.memory_space<hbm>>)
        tpu.yield
      }) : () -> ()
    } else {
    }
    return
  }
}

module attributes {stable_mosaic.version = 14 : i64} {
  func.func @_dense1_body(%arg0: i32, %arg1: memref<1000x128xf32, #tpu.memory_space<vmem>>, %arg2: memref<1000x16xf32, #tpu.memory_space<vmem>>, %arg3: memref<1000x16xf32, #tpu.memory_space<vmem>>, %arg4: memref<128x128xf32, #tpu.memory_space<vmem>>, %arg5: memref<1000x128xf32, #tpu.memory_space<vmem>>, %arg6: memref<1000x1xf32, #tpu.memory_space<vmem>>) attributes {dimension_semantics = [#tpu.dimension_semantics<arbitrary>], iteration_bounds = array<i64: 10>, scalar_prefetch = 0 : i64, scratch_operands = 0 : i64, tpu.core_type = #tpu.core_type<tc>, window_params = [{transform_indices = @transform_0, window_bounds = array<i64: 1000, 128>}, {transform_indices = @transform_1, window_bounds = array<i64: 1000, 16>}, {transform_indices = @transform_2, window_bounds = array<i64: 1000, 16>}, {pipeline_mode = #tpu.pipeline_mode<synchronous>, transform_indices = @transform_3, window_bounds = array<i64: 128, 128>}, {transform_indices = @transform_4, window_bounds = array<i64: 1000, 128>}, {transform_indices = @transform_5, window_bounds = array<i64: 1000, 1>}]} {
    %get3A = arith.constant 0 : index
    %get3A_0 = arith.constant 0 : index
    %get3A_1 = vector.load %arg2[%get3A, %get3A_0] : memref<1000x16xf32, #tpu.memory_space<vmem>>, vector<1000x1xf32>
    %get3A_2 = arith.constant 0 : index
    %get3A_3 = arith.constant 0 : index
    %get3A_4 = vector.load %arg3[%get3A_2, %get3A_3] : memref<1000x16xf32, #tpu.memory_space<vmem>>, vector<1000x1xf32>
    %add3A = arith.addf %get3A_1, %get3A_4 : vector<1000x1xf32>
    %add3A_5 = arith.constant 2.000000e+00 : f32
    %add3A_6 = vector.broadcast %add3A_5 : f32 to vector<1000x1xf32>
    %add3A_7 = arith.addf %add3A, %add3A_6 : vector<1000x1xf32>
    %rsqrt3A = math.rsqrt %add3A_7 : vector<1000x1xf32>
    %get3A_8 = arith.constant 0 : index
    %get3A_9 = arith.constant 0 : index
    %get3A_10 = vector.load %arg1[%get3A_8, %get3A_9] : memref<1000x128xf32, #tpu.memory_space<vmem>>, vector<1000x128xf32>
    %get3A_11 = arith.constant 0 : index
    %get3A_12 = arith.constant 0 : index
    %get3A_13 = vector.load %arg4[%get3A_11, %get3A_12] : memref<128x128xf32, #tpu.memory_space<vmem>>, vector<128x128xf32>
    %dot_general3A = arith.constant dense<0.000000e+00> : vector<1000x128xf32>
    %dot_general3A_14 = tpu.matmul %get3A_10, %get3A_13, %dot_general3A {dimension_numbers = #tpu.dot_dimension_numbers<[1], [0], [0], [1], [0, 0, 1, 1], [], []>, transpose_lhs_hint = false} : vector<1000x128xf32>, vector<128x128xf32>, vector<1000x128xf32> -> vector<1000x128xf32>
    %mul3A = vector.broadcast %rsqrt3A : vector<1000x1xf32> to vector<1000x128xf32>
    %mul3A_15 = arith.mulf %mul3A, %dot_general3A_14 : vector<1000x128xf32>
    %swap3A = arith.constant 0 : index
    %swap3A_16 = arith.constant 0 : index
    %swap3A_17 = vector.load %arg5[%swap3A, %swap3A_16] : memref<1000x128xf32, #tpu.memory_space<vmem>>, vector<1000x128xf32>
    tpu.vector_store %arg5[%swap3A, %swap3A_16], %mul3A_15 {strides = array<i32>} : memref<1000x128xf32, #tpu.memory_space<vmem>>, vector<1000x128xf32>,
    %swap3A_18 = arith.constant 0 : index
    %swap3A_19 = arith.constant 0 : index
    %swap3A_20 = vector.load %arg6[%swap3A_18, %swap3A_19] : memref<1000x1xf32, #tpu.memory_space<vmem>>, vector<1000x1xf32>
    tpu.vector_store %arg6[%swap3A_18, %swap3A_19], %rsqrt3A {strides = array<i32>} : memref<1000x1xf32, #tpu.memory_space<vmem>>, vector<1000x1xf32>,
    return
  }
  func.func @transform_0(%arg0: i32) -> (i32, i32) {
    %c0_i32 = arith.constant 0 : i32
    %c0_i32_0 = arith.constant 0 : i32
    return %arg0, %c0_i32 : i32, i32
  }
  func.func @transform_1(%arg0: i32) -> (i32, i32) {
    %c0_i32 = arith.constant 0 : i32
    %c0_i32_0 = arith.constant 0 : i32
    return %arg0, %c0_i32 : i32, i32
  }
  func.func @transform_2(%arg0: i32) -> (i32, i32) {
    %c0_i32 = arith.constant 0 : i32
    %c0_i32_0 = arith.constant 0 : i32
    return %arg0, %c0_i32 : i32, i32
  }
  func.func @transform_3(%arg0: i32) -> (i32, i32) {
    %c0_i32 = arith.constant 0 : i32
    %c0_i32_0 = arith.constant 0 : i32
    %c0_i32_1 = arith.constant 0 : i32
    return %c0_i32, %c0_i32_0 : i32, i32
  }
  func.func @transform_4(%arg0: i32) -> (i32, i32) {
    %c0_i32 = arith.constant 0 : i32
    %c0_i32_0 = arith.constant 0 : i32
    return %arg0, %c0_i32 : i32, i32
  }
  func.func @transform_5(%arg0: i32) -> (i32, i32) {
    %c0_i32 = arith.constant 0 : i32
    %c0_i32_0 = arith.constant 0 : i32
    return %arg0, %c0_i32 : i32, i32
  }
}

module attributes {stable_mosaic.version = 14 : i64} {
  func.func @_post1_body(%arg0: i32, %arg1: memref<1000x128xf32, #tpu.memory_space<vmem>>, %arg2: memref<1000x128xf32, #tpu.memory_space<vmem>>, %arg3: memref<1000x1xf32, #tpu.memory_space<vmem>>, %arg4: memref<1x128xf32, #tpu.memory_space<vmem>>, %arg5: memref<1x128xf32, #tpu.memory_space<vmem>>, %arg6: memref<1x128xf32, #tpu.memory_space<vmem>>, %arg7: memref<128x128xf32, #tpu.memory_space<vmem>>, %arg8: memref<1000x128xf32, #tpu.memory_space<vmem>>, %arg9: memref<1000x128xf32, #tpu.memory_space<vmem>>) attributes {dimension_semantics = [#tpu.dimension_semantics<arbitrary>], iteration_bounds = array<i64: 10>, scalar_prefetch = 0 : i64, scratch_operands = 0 : i64, tpu.core_type = #tpu.core_type<tc>, window_params = [{transform_indices = @transform_0, window_bounds = array<i64: 1000, 128>}, {transform_indices = @transform_1, window_bounds = array<i64: 1000, 128>}, {transform_indices = @transform_2, window_bounds = array<i64: 1000, 1>}, {pipeline_mode = #tpu.pipeline_mode<synchronous>, transform_indices = @transform_3, window_bounds = array<i64: 1, 128>}, {pipeline_mode = #tpu.pipeline_mode<synchronous>, transform_indices = @transform_4, window_bounds = array<i64: 1, 128>}, {pipeline_mode = #tpu.pipeline_mode<synchronous>, transform_indices = @transform_5, window_bounds = array<i64: 1, 128>}, {pipeline_mode = #tpu.pipeline_mode<synchronous>, transform_indices = @transform_6, window_bounds = array<i64: 128, 128>}, {transform_indices = @transform_7, window_bounds = array<i64: 1000, 128>}, {transform_indices = @transform_8, window_bounds = array<i64: 1000, 128>}]} {
    %get3A = arith.constant 0 : index
    %get3A_0 = arith.constant 0 : index
    %get3A_1 = vector.load %arg3[%get3A, %get3A_0] : memref<1000x1xf32, #tpu.memory_space<vmem>>, vector<1000x1xf32>
    %get3A_2 = arith.constant 0 : index
    %get3A_3 = arith.constant 0 : index
    %get3A_4 = vector.load %arg1[%get3A_2, %get3A_3] : memref<1000x128xf32, #tpu.memory_space<vmem>>, vector<1000x128xf32>
    %get3A_5 = arith.constant 0 : index
    %get3A_6 = arith.constant 0 : index
    %get3A_7 = vector.load %arg2[%get3A_5, %get3A_6] : memref<1000x128xf32, #tpu.memory_space<vmem>>, vector<1000x128xf32>
    %add3A = arith.addf %get3A_4, %get3A_7 : vector<1000x128xf32>
    %mul3A = vector.broadcast %get3A_1 : vector<1000x1xf32> to vector<1000x128xf32>
    %mul3A_8 = arith.mulf %mul3A, %add3A : vector<1000x128xf32>
    %get3A_9 = arith.constant 0 : index
    %get3A_10 = arith.constant 0 : index
    %get3A_11 = vector.load %arg4[%get3A_9, %get3A_10] : memref<1x128xf32, #tpu.memory_space<vmem>>, vector<1x128xf32>
    %add3A_12 = vector.broadcast %get3A_11 : vector<1x128xf32> to vector<1000x128xf32>
    %add3A_13 = arith.addf %mul3A_8, %add3A_12 : vector<1000x128xf32>
    %reduce_sum3A = arith.constant dense<0.000000e+00> : vector<1000xf32>
    %reduce_sum3A_14 = vector.multi_reduction <add>, %add3A_13, %reduce_sum3A [1] : vector<1000x128xf32> to vector<1000xf32>
    %broadcast_in_dim3A = vector.shape_cast %reduce_sum3A_14 : vector<1000xf32> to vector<1000x1xf32>
    %div3A = arith.constant 1.280000e+02 : f32
    %div3A_15 = vector.broadcast %div3A : f32 to vector<1000x1xf32>
    %div3A_16 = arith.divf %broadcast_in_dim3A, %div3A_15 : vector<1000x1xf32>
    %sub3A = vector.broadcast %div3A_16 : vector<1000x1xf32> to vector<1000x128xf32>
    %sub3A_17 = arith.subf %add3A_13, %sub3A : vector<1000x128xf32>
    %integer_pow3A = arith.mulf %sub3A_17, %sub3A_17 : vector<1000x128xf32>
    %reduce_sum3A_18 = arith.constant dense<0.000000e+00> : vector<1000xf32>
    %reduce_sum3A_19 = vector.multi_reduction <add>, %integer_pow3A, %reduce_sum3A_18 [1] : vector<1000x128xf32> to vector<1000xf32>
    %broadcast_in_dim3A_20 = vector.shape_cast %reduce_sum3A_19 : vector<1000xf32> to vector<1000x1xf32>
    %div3A_21 = arith.constant 1.280000e+02 : f32
    %div3A_22 = vector.broadcast %div3A_21 : f32 to vector<1000x1xf32>
    %div3A_23 = arith.divf %broadcast_in_dim3A_20, %div3A_22 : vector<1000x1xf32>
    %sub3A_24 = vector.broadcast %div3A_16 : vector<1000x1xf32> to vector<1000x128xf32>
    %sub3A_25 = arith.subf %add3A_13, %sub3A_24 : vector<1000x128xf32>
    %add3A_26 = arith.constant 9.99999974E-6 : f32
    %add3A_27 = vector.broadcast %add3A_26 : f32 to vector<1000x1xf32>
    %add3A_28 = arith.addf %div3A_23, %add3A_27 : vector<1000x1xf32>
    %rsqrt3A = math.rsqrt %add3A_28 : vector<1000x1xf32>
    %mul3A_29 = vector.broadcast %rsqrt3A : vector<1000x1xf32> to vector<1000x128xf32>
    %mul3A_30 = arith.mulf %sub3A_25, %mul3A_29 : vector<1000x128xf32>
    %get3A_31 = arith.constant 0 : index
    %get3A_32 = arith.constant 0 : index
    %get3A_33 = vector.load %arg5[%get3A_31, %get3A_32] : memref<1x128xf32, #tpu.memory_space<vmem>>, vector<1x128xf32>
    %mul3A_34 = vector.broadcast %get3A_33 : vector<1x128xf32> to vector<1000x128xf32>
    %mul3A_35 = arith.mulf %mul3A_30, %mul3A_34 : vector<1000x128xf32>
    %get3A_36 = arith.constant 0 : index
    %get3A_37 = arith.constant 0 : index
    %get3A_38 = vector.load %arg6[%get3A_36, %get3A_37] : memref<1x128xf32, #tpu.memory_space<vmem>>, vector<1x128xf32>
    %add3A_39 = vector.broadcast %get3A_38 : vector<1x128xf32> to vector<1000x128xf32>
    %add3A_40 = arith.addf %mul3A_35, %add3A_39 : vector<1000x128xf32>
    %max3A = arith.constant 0.000000e+00 : f32
    %max3A_41 = vector.broadcast %max3A : f32 to vector<1000x128xf32>
    %max3A_42 = arith.maximumf %add3A_40, %max3A_41 : vector<1000x128xf32>
    %swap3A = arith.constant 0 : index
    %swap3A_43 = arith.constant 0 : index
    %swap3A_44 = vector.load %arg8[%swap3A, %swap3A_43] : memref<1000x128xf32, #tpu.memory_space<vmem>>, vector<1000x128xf32>
    tpu.vector_store %arg8[%swap3A, %swap3A_43], %max3A_42 {strides = array<i32>} : memref<1000x128xf32, #tpu.memory_space<vmem>>, vector<1000x128xf32>,
    %get3A_45 = arith.constant 0 : index
    %get3A_46 = arith.constant 0 : index
    %get3A_47 = vector.load %arg7[%get3A_45, %get3A_46] : memref<128x128xf32, #tpu.memory_space<vmem>>, vector<128x128xf32>
    %dot_general3A = arith.constant dense<0.000000e+00> : vector<1000x128xf32>
    %dot_general3A_48 = tpu.matmul %max3A_42, %get3A_47, %dot_general3A {dimension_numbers = #tpu.dot_dimension_numbers<[1], [0], [0], [1], [0, 0, 1, 1], [], []>, transpose_lhs_hint = false} : vector<1000x128xf32>, vector<128x128xf32>, vector<1000x128xf32> -> vector<1000x128xf32>
    %mul3A_49 = vector.broadcast %get3A_1 : vector<1000x1xf32> to vector<1000x128xf32>
    %mul3A_50 = arith.mulf %mul3A_49, %dot_general3A_48 : vector<1000x128xf32>
    %swap3A_51 = arith.constant 0 : index
    %swap3A_52 = arith.constant 0 : index
    %swap3A_53 = vector.load %arg9[%swap3A_51, %swap3A_52] : memref<1000x128xf32, #tpu.memory_space<vmem>>, vector<1000x128xf32>
    tpu.vector_store %arg9[%swap3A_51, %swap3A_52], %mul3A_50 {strides = array<i32>} : memref<1000x128xf32, #tpu.memory_space<vmem>>, vector<1000x128xf32>,
    return
  }
  func.func @transform_0(%arg0: i32) -> (i32, i32) {
    %c0_i32 = arith.constant 0 : i32
    %c0_i32_0 = arith.constant 0 : i32
    return %arg0, %c0_i32 : i32, i32
  }
  func.func @transform_1(%arg0: i32) -> (i32, i32) {
    %c0_i32 = arith.constant 0 : i32
    %c0_i32_0 = arith.constant 0 : i32
    return %arg0, %c0_i32 : i32, i32
  }
  func.func @transform_2(%arg0: i32) -> (i32, i32) {
    %c0_i32 = arith.constant 0 : i32
    %c0_i32_0 = arith.constant 0 : i32
    return %arg0, %c0_i32 : i32, i32
  }
  func.func @transform_3(%arg0: i32) -> (i32, i32) {
    %c0_i32 = arith.constant 0 : i32
    %c0_i32_0 = arith.constant 0 : i32
    %c0_i32_1 = arith.constant 0 : i32
    return %c0_i32, %c0_i32_0 : i32, i32
  }
  func.func @transform_4(%arg0: i32) -> (i32, i32) {
    %c0_i32 = arith.constant 0 : i32
    %c0_i32_0 = arith.constant 0 : i32
    %c0_i32_1 = arith.constant 0 : i32
    return %c0_i32, %c0_i32_0 : i32, i32
  }
  func.func @transform_5(%arg0: i32) -> (i32, i32) {
    %c0_i32 = arith.constant 0 : i32
    %c0_i32_0 = arith.constant 0 : i32
    %c0_i32_1 = arith.constant 0 : i32
    return %c0_i32, %c0_i32_0 : i32, i32
  }
  func.func @transform_6(%arg0: i32) -> (i32, i32) {
    %c0_i32 = arith.constant 0 : i32
    %c0_i32_0 = arith.constant 0 : i32
    %c0_i32_1 = arith.constant 0 : i32
    return %c0_i32, %c0_i32_0 : i32, i32
  }
  func.func @transform_7(%arg0: i32) -> (i32, i32) {
    %c0_i32 = arith.constant 0 : i32
    %c0_i32_0 = arith.constant 0 : i32
    return %arg0, %c0_i32 : i32, i32
  }
  func.func @transform_8(%arg0: i32) -> (i32, i32) {
    %c0_i32 = arith.constant 0 : i32
    %c0_i32_0 = arith.constant 0 : i32
    return %arg0, %c0_i32 : i32, i32
  }
}

module attributes {stable_mosaic.version = 14 : i64} {
  func.func @_post2_body(%arg0: i32, %arg1: memref<1000x128xf32, #tpu.memory_space<vmem>>, %arg2: memref<1000x128xf32, #tpu.memory_space<vmem>>, %arg3: memref<1000x1xf32, #tpu.memory_space<vmem>>, %arg4: memref<1x128xf32, #tpu.memory_space<vmem>>, %arg5: memref<1x128xf32, #tpu.memory_space<vmem>>, %arg6: memref<1x128xf32, #tpu.memory_space<vmem>>, %arg7: memref<1000x128xf32, #tpu.memory_space<vmem>>, %arg8: memref<128x40xf32, #tpu.memory_space<vmem>>, %arg9: memref<1x40xf32, #tpu.memory_space<vmem>>, %arg10: memref<1000x40xf32, #tpu.memory_space<vmem>>) attributes {dimension_semantics = [#tpu.dimension_semantics<arbitrary>], iteration_bounds = array<i64: 10>, scalar_prefetch = 0 : i64, scratch_operands = 0 : i64, tpu.core_type = #tpu.core_type<tc>, window_params = [{transform_indices = @transform_0, window_bounds = array<i64: 1000, 128>}, {transform_indices = @transform_1, window_bounds = array<i64: 1000, 128>}, {transform_indices = @transform_2, window_bounds = array<i64: 1000, 1>}, {pipeline_mode = #tpu.pipeline_mode<synchronous>, transform_indices = @transform_3, window_bounds = array<i64: 1, 128>}, {pipeline_mode = #tpu.pipeline_mode<synchronous>, transform_indices = @transform_4, window_bounds = array<i64: 1, 128>}, {pipeline_mode = #tpu.pipeline_mode<synchronous>, transform_indices = @transform_5, window_bounds = array<i64: 1, 128>}, {transform_indices = @transform_6, window_bounds = array<i64: 1000, 128>}, {pipeline_mode = #tpu.pipeline_mode<synchronous>, transform_indices = @transform_7, window_bounds = array<i64: 128, 40>}, {pipeline_mode = #tpu.pipeline_mode<synchronous>, transform_indices = @transform_8, window_bounds = array<i64: 1, 40>}, {transform_indices = @transform_9, window_bounds = array<i64: 1000, 40>}]} {
    %get3A = arith.constant 0 : index
    %get3A_0 = arith.constant 0 : index
    %get3A_1 = vector.load %arg3[%get3A, %get3A_0] : memref<1000x1xf32, #tpu.memory_space<vmem>>, vector<1000x1xf32>
    %get3A_2 = arith.constant 0 : index
    %get3A_3 = arith.constant 0 : index
    %get3A_4 = vector.load %arg1[%get3A_2, %get3A_3] : memref<1000x128xf32, #tpu.memory_space<vmem>>, vector<1000x128xf32>
    %get3A_5 = arith.constant 0 : index
    %get3A_6 = arith.constant 0 : index
    %get3A_7 = vector.load %arg2[%get3A_5, %get3A_6] : memref<1000x128xf32, #tpu.memory_space<vmem>>, vector<1000x128xf32>
    %add3A = arith.addf %get3A_4, %get3A_7 : vector<1000x128xf32>
    %mul3A = vector.broadcast %get3A_1 : vector<1000x1xf32> to vector<1000x128xf32>
    %mul3A_8 = arith.mulf %mul3A, %add3A : vector<1000x128xf32>
    %get3A_9 = arith.constant 0 : index
    %get3A_10 = arith.constant 0 : index
    %get3A_11 = vector.load %arg4[%get3A_9, %get3A_10] : memref<1x128xf32, #tpu.memory_space<vmem>>, vector<1x128xf32>
    %add3A_12 = vector.broadcast %get3A_11 : vector<1x128xf32> to vector<1000x128xf32>
    %add3A_13 = arith.addf %mul3A_8, %add3A_12 : vector<1000x128xf32>
    %reduce_sum3A = arith.constant dense<0.000000e+00> : vector<1000xf32>
    %reduce_sum3A_14 = vector.multi_reduction <add>, %add3A_13, %reduce_sum3A [1] : vector<1000x128xf32> to vector<1000xf32>
    %broadcast_in_dim3A = vector.shape_cast %reduce_sum3A_14 : vector<1000xf32> to vector<1000x1xf32>
    %div3A = arith.constant 1.280000e+02 : f32
    %div3A_15 = vector.broadcast %div3A : f32 to vector<1000x1xf32>
    %div3A_16 = arith.divf %broadcast_in_dim3A, %div3A_15 : vector<1000x1xf32>
    %sub3A = vector.broadcast %div3A_16 : vector<1000x1xf32> to vector<1000x128xf32>
    %sub3A_17 = arith.subf %add3A_13, %sub3A : vector<1000x128xf32>
    %integer_pow3A = arith.mulf %sub3A_17, %sub3A_17 : vector<1000x128xf32>
    %reduce_sum3A_18 = arith.constant dense<0.000000e+00> : vector<1000xf32>
    %reduce_sum3A_19 = vector.multi_reduction <add>, %integer_pow3A, %reduce_sum3A_18 [1] : vector<1000x128xf32> to vector<1000xf32>
    %broadcast_in_dim3A_20 = vector.shape_cast %reduce_sum3A_19 : vector<1000xf32> to vector<1000x1xf32>
    %div3A_21 = arith.constant 1.280000e+02 : f32
    %div3A_22 = vector.broadcast %div3A_21 : f32 to vector<1000x1xf32>
    %div3A_23 = arith.divf %broadcast_in_dim3A_20, %div3A_22 : vector<1000x1xf32>
    %sub3A_24 = vector.broadcast %div3A_16 : vector<1000x1xf32> to vector<1000x128xf32>
    %sub3A_25 = arith.subf %add3A_13, %sub3A_24 : vector<1000x128xf32>
    %add3A_26 = arith.constant 9.99999974E-6 : f32
    %add3A_27 = vector.broadcast %add3A_26 : f32 to vector<1000x1xf32>
    %add3A_28 = arith.addf %div3A_23, %add3A_27 : vector<1000x1xf32>
    %rsqrt3A = math.rsqrt %add3A_28 : vector<1000x1xf32>
    %mul3A_29 = vector.broadcast %rsqrt3A : vector<1000x1xf32> to vector<1000x128xf32>
    %mul3A_30 = arith.mulf %sub3A_25, %mul3A_29 : vector<1000x128xf32>
    %get3A_31 = arith.constant 0 : index
    %get3A_32 = arith.constant 0 : index
    %get3A_33 = vector.load %arg5[%get3A_31, %get3A_32] : memref<1x128xf32, #tpu.memory_space<vmem>>, vector<1x128xf32>
    %mul3A_34 = vector.broadcast %get3A_33 : vector<1x128xf32> to vector<1000x128xf32>
    %mul3A_35 = arith.mulf %mul3A_30, %mul3A_34 : vector<1000x128xf32>
    %get3A_36 = arith.constant 0 : index
    %get3A_37 = arith.constant 0 : index
    %get3A_38 = vector.load %arg6[%get3A_36, %get3A_37] : memref<1x128xf32, #tpu.memory_space<vmem>>, vector<1x128xf32>
    %add3A_39 = vector.broadcast %get3A_38 : vector<1x128xf32> to vector<1000x128xf32>
    %add3A_40 = arith.addf %mul3A_35, %add3A_39 : vector<1000x128xf32>
    %max3A = arith.constant 0.000000e+00 : f32
    %max3A_41 = vector.broadcast %max3A : f32 to vector<1000x128xf32>
    %max3A_42 = arith.maximumf %add3A_40, %max3A_41 : vector<1000x128xf32>
    %get3A_43 = arith.constant 0 : index
    %get3A_44 = arith.constant 0 : index
    %get3A_45 = vector.load %arg7[%get3A_43, %get3A_44] : memref<1000x128xf32, #tpu.memory_space<vmem>>, vector<1000x128xf32>
    %mul3A_46 = arith.constant 2.000000e-01 : f32
    %mul3A_47 = vector.broadcast %mul3A_46 : f32 to vector<1000x128xf32>
    %mul3A_48 = arith.mulf %mul3A_47, %get3A_45 : vector<1000x128xf32>
    %add3A_49 = arith.addf %max3A_42, %mul3A_48 : vector<1000x128xf32>
    %get3A_50 = arith.constant 0 : index
    %get3A_51 = arith.constant 0 : index
    %get3A_52 = vector.load %arg8[%get3A_50, %get3A_51] : memref<128x40xf32, #tpu.memory_space<vmem>>, vector<128x40xf32>
    %dot_general3A = arith.constant dense<0.000000e+00> : vector<1000x40xf32>
    %dot_general3A_53 = tpu.matmul %add3A_49, %get3A_52, %dot_general3A {dimension_numbers = #tpu.dot_dimension_numbers<[1], [0], [0], [1], [0, 0, 1, 1], [], []>, transpose_lhs_hint = false} : vector<1000x128xf32>, vector<128x40xf32>, vector<1000x40xf32> -> vector<1000x40xf32>
    %get3A_54 = arith.constant 0 : index
    %get3A_55 = arith.constant 0 : index
    %get3A_56 = vector.load %arg9[%get3A_54, %get3A_55] : memref<1x40xf32, #tpu.memory_space<vmem>>, vector<1x40xf32>
    %add3A_57 = vector.broadcast %get3A_56 : vector<1x40xf32> to vector<1000x40xf32>
    %add3A_58 = arith.addf %dot_general3A_53, %add3A_57 : vector<1000x40xf32>
    %reduce_max3A = arith.constant dense<0xFF800000> : vector<1000xf32>
    %reduce_max3A_59 = vector.multi_reduction <maximumf>, %add3A_58, %reduce_max3A [1] : vector<1000x40xf32> to vector<1000xf32>
    %broadcast_in_dim3A_60 = vector.shape_cast %reduce_max3A_59 : vector<1000xf32> to vector<1000x1xf32>
    %sub3A_61 = vector.broadcast %broadcast_in_dim3A_60 : vector<1000x1xf32> to vector<1000x40xf32>
    %sub3A_62 = arith.subf %add3A_58, %sub3A_61 : vector<1000x40xf32>
    %exp3A = math.exp %sub3A_62 : vector<1000x40xf32>
    %reduce_sum3A_63 = arith.constant dense<0.000000e+00> : vector<1000xf32>
    %reduce_sum3A_64 = vector.multi_reduction <add>, %exp3A, %reduce_sum3A_63 [1] : vector<1000x40xf32> to vector<1000xf32>
    %broadcast_in_dim3A_65 = vector.shape_cast %reduce_sum3A_64 : vector<1000xf32> to vector<1000x1xf32>
    %log3A = math.log %broadcast_in_dim3A_65 : vector<1000x1xf32>
    %add3A_66 = arith.addf %log3A, %broadcast_in_dim3A_60 : vector<1000x1xf32>
    %sub3A_67 = vector.broadcast %add3A_66 : vector<1000x1xf32> to vector<1000x40xf32>
    %sub3A_68 = arith.subf %add3A_58, %sub3A_67 : vector<1000x40xf32>
    %swap3A = arith.constant 0 : index
    %swap3A_69 = arith.constant 0 : index
    %swap3A_70 = vector.load %arg10[%swap3A, %swap3A_69] : memref<1000x40xf32, #tpu.memory_space<vmem>>, vector<1000x40xf32>
    tpu.vector_store %arg10[%swap3A, %swap3A_69], %sub3A_68 {strides = array<i32>} : memref<1000x40xf32, #tpu.memory_space<vmem>>, vector<1000x40xf32>,
    return
  }
  func.func @transform_0(%arg0: i32) -> (i32, i32) {
    %c0_i32 = arith.constant 0 : i32
    %c0_i32_0 = arith.constant 0 : i32
    return %arg0, %c0_i32 : i32, i32
  }
  func.func @transform_1(%arg0: i32) -> (i32, i32) {
    %c0_i32 = arith.constant 0 : i32
    %c0_i32_0 = arith.constant 0 : i32
    return %arg0, %c0_i32 : i32, i32
  }
  func.func @transform_2(%arg0: i32) -> (i32, i32) {
    %c0_i32 = arith.constant 0 : i32
    %c0_i32_0 = arith.constant 0 : i32
    return %arg0, %c0_i32 : i32, i32
  }
  func.func @transform_3(%arg0: i32) -> (i32, i32) {
    %c0_i32 = arith.constant 0 : i32
    %c0_i32_0 = arith.constant 0 : i32
    %c0_i32_1 = arith.constant 0 : i32
    return %c0_i32, %c0_i32_0 : i32, i32
  }
  func.func @transform_4(%arg0: i32) -> (i32, i32) {
    %c0_i32 = arith.constant 0 : i32
    %c0_i32_0 = arith.constant 0 : i32
    %c0_i32_1 = arith.constant 0 : i32
    return %c0_i32, %c0_i32_0 : i32, i32
  }
  func.func @transform_5(%arg0: i32) -> (i32, i32) {
    %c0_i32 = arith.constant 0 : i32
    %c0_i32_0 = arith.constant 0 : i32
    %c0_i32_1 = arith.constant 0 : i32
    return %c0_i32, %c0_i32_0 : i32, i32
  }
  func.func @transform_6(%arg0: i32) -> (i32, i32) {
    %c0_i32 = arith.constant 0 : i32
    %c0_i32_0 = arith.constant 0 : i32
    return %arg0, %c0_i32 : i32, i32
  }
  func.func @transform_7(%arg0: i32) -> (i32, i32) {
    %c0_i32 = arith.constant 0 : i32
    %c0_i32_0 = arith.constant 0 : i32
    %c0_i32_1 = arith.constant 0 : i32
    return %c0_i32, %c0_i32_0 : i32, i32
  }
  func.func @transform_8(%arg0: i32) -> (i32, i32) {
    %c0_i32 = arith.constant 0 : i32
    %c0_i32_0 = arith.constant 0 : i32
    %c0_i32_1 = arith.constant 0 : i32
    return %c0_i32, %c0_i32_0 : i32, i32
  }
  func.func @transform_9(%arg0: i32) -> (i32, i32) {
    %c0_i32 = arith.constant 0 : i32
    %c0_i32_0 = arith.constant 0 : i32
    return %arg0, %c0_i32 : i32, i32
  }
}

</mosaic_0001>

<sc_bundles>
// kernel: kernel.11.cloned.1.call-start
scs
__scs_entry_jumppad:
0x0: {  	(pc) =	sbr.rel $0x88, $3  }
0x1: {  	(tag) =	ssettag $0x0;
	lr =	simm.s32 $0x1  }
0x2: {  	[smem:$0x3F95] =	sst lr;
	_ =	strace $0xD0000000  }
0x3: {  	_ = 	snop  }
0x4: {  	_ = 	snop  }
0x5: {  	_ = 	snop  }
0x6: {  	_ = 	snop  }
0x7: {  	_ = 	snop  }
__scs_overlays_trampoline_lowered:
0x8: {  	[smem:$0x3FA4] =	sst s0  }
0x9: {  	[smem:$0x3FA5] =	sst s1  }
0xa: {  	[smem:$0x3FA6] =	sst s2  }
0xb: {  	[smem:$0x3FA7] =	sst s3  }
0xc: {  	[smem:$0x3FA8] =	sst s4  }
0xd: {  	[smem:$0x3FA9] =	sst s5  }
0xe: {  	[smem:$0x3FAA] =	sst s6  }
0xf: {  	[smem:$0x3FAB] =	sst s7  }
0x10: {  	[smem:$0x3FAC] =	sst s8  }
0x11: {  	[smem:$0x3FAD] =	sst s9;
	s0 =	simm.s32 @!p0 $0x0  }
0x12: {  	s1 =	sld [smem:$0x3F93];
	s0 =	simm.s32 @p0 $0x1  }
0x13: {  	[smem:$0x3FAE] =	sst s0;
	s0 =	simm.s32 @!p1 $0x0  }
0x14: {  	s2 =	sld [smem:$0x3F92];
	s0 =	simm.s32 @p1 $0x1  }
0x15: {  	[smem:$0x3FAF] =	sst s0;
	s0 =	simm.s32 @!p2 $0x0  }
0x16: {  	s3 =	sld [smem:$0x3FDB];
	s0 =	simm.s32 @p2 $0x1  }
0x17: {  	s4 =	simm.s32 $0x1BF5;
	[smem:$0x3FB1] =	sst s0  }
0x18: {  	s0 =	sld [smem:$0x3F94];
	_ =	swait.ge [sflag:s4], $0x0  }
0x19: {  	s7 =	sld [smem:$0x3F95]  }
0x1a: {  	s8 =	sadd.s32 $0xFFFFE003, lr  }
0x1b: {  	s9 =	sadd.s32 $0xFFFFFEF7, lr;
	s5 =	simm.s32 $0xFFFFFFFF;
	p2 =	slt.u32 s8, $0xFFFFF086  }
0x1c: {  	p1 =	slt.u32 s9, $0xF7A;
	s5 =	simm.s32 @!p2 $0x0  }
0x1d: {  	s5 =	simm.s32 @p1 $0x1;
	p0 =	seq.s32 s7, s2  }
0x1e: {  	s7 =	smul.u32 @!p0 $0xF7A, s2;
	p2 =	seq.s32 @!p0 s5, $0x0  }
0x1f: {  	s9 =	smul.u32 $0xF7A, s1;
	s8 =	simm.s32 @!p0 $0x1BF5;
	p2 =	por !p2, p0  }
0x20: {  	[sflag:s8] =	ssyncset.s32 @!p0 $0xFFFFF086;
	s6 =	sadd.s32 @!p0 s3, s7;
	s7 =	simm.s32 @!p0 $0x108  }
0x21: {  	s3 =	sadd.s32 s3, s9;
	s6 =	sadd.s32 @!p0 $0x88, s6;
	s7 =	simm.s32 @p2 $0x1082  }
0x22: {  	[simem:s7], [sflag:s8] =	dma.local @!p0 [hbm:s6], $0xF7A  }
0x23: {  	s9 =	sor.u32 $0xD0000000, s2;
	s6 =	simm.s32 $0x108;
	_ =	swait.ge @!p0 [sflag:s8], $0x0  }
0x24: {  	s3 =	sadd.s32 $0x88, s3;
	s6 =	simm.s32 @!p1 $0x1082;
	[sflag:s4] =	ssyncset.s32 $0xFFFFF086  }
0x25: {  	[simem:s6], [sflag:s4] =	dma.local [hbm:s3], $0xF7A  }
0x26: {  	[smem:$0x3F95] =	sst s1;
	(tag) =	ssettag s2;
	_ =	strace s9  }
0x27: {  	s1 =	sld [smem:$0x3FA5]  }
0x28: {  	s2 =	sld [smem:$0x3FA6]  }
0x29: {  	s4 =	sld [smem:$0x3FA8]  }
0x2a: {  	p0 =	seq.s32 s5, $0x0;
	s5 =	sld [smem:$0x3FA9]  }
0x2b: {  	s6 =	sld [smem:$0x3FAA]  }
0x2c: {  	s7 =	sld [smem:$0x3FAB]  }
0x2d: {  	s3 =	simm.s32 $0x108;
	s8 =	sld [smem:$0x3FAC]  }
0x2e: {  	s3 =	simm.s32 @!p0 $0x1082;
	s9 =	sld [smem:$0x3FAD]  }
0x2f: {  	lr =	sadd.s32 s0, s3;
	s0 =	sld [smem:$0x3FA4]  }
0x30: {  	s3 =	sld [smem:$0x3FA7]  }
0x31: {  	[smem:$0x3FB0] =	sst s10  }
0x32: {  	s10 =	sld [smem:$0x3FAE];
	_ =	sdelay $0x3  }
0x33: {  	p0 =	seq.s32 s10, $0x1;
	s10 =	sld [smem:$0x3FB0];
	_ =	sdelay $0x3  }
0x34: {  	[smem:$0x3FB0] =	sst s10  }
0x35: {  	s10 =	sld [smem:$0x3FAF];
	_ =	sdelay $0x3  }
0x36: {  	p1 =	seq.s32 s10, $0x1;
	s10 =	sld [smem:$0x3FB0];
	_ =	sdelay $0x3  }
0x37: {  	[smem:$0x3FB0] =	sst s10  }
0x38: {  	s10 =	sld [smem:$0x3FB1]  }
0x39: {  	_ = 	snop;
	(pc) =	sbr.ind lr, $3  }
0x3a: {  	_ = 	snop  }
0x3b: {  	_ = 	snop  }
0x3c: {  	p2 =	seq.s32 s10, $0x1;
	s10 =	sld [smem:$0x3FB0]  }
0x3d: {  	_ =	shalt  }
0x3e: {  	_ =	shalt  }
0x3f: {  	_ =	shalt  }
0x40: {  	_ =	shalt  }
0x41: {  	_ =	shalt  }
0x42: {  	_ =	shalt  }
0x43: {  	_ =	shalt  }
0x44: {  	_ =	shalt  }
0x45: {  	_ =	shalt  }
0x46: {  	_ =	shalt  }
0x47: {  	_ =	shalt  }
0x48: {  	_ =	shalt  }
0x49: {  	_ =	shalt  }
0x4a: {  	_ =	shalt  }
0x4b: {  	_ =	shalt  }
0x4c: {  	_ =	shalt  }
0x4d: {  	_ =	shalt  }
0x4e: {  	_ =	shalt  }
0x4f: {  	_ =	shalt  }
0x50: {  	_ =	shalt  }
0x51: {  	_ =	shalt  }
0x52: {  	_ =	shalt  }
0x53: {  	_ =	shalt  }
0x54: {  	_ =	shalt  }
0x55: {  	_ =	shalt  }
0x56: {  	_ =	shalt  }
0x57: {  	_ =	shalt  }
0x58: {  	_ =	shalt  }
0x59: {  	_ =	shalt  }
0x5a: {  	_ =	shalt  }
0x5b: {  	_ =	shalt  }
0x5c: {  	_ =	shalt  }
0x5d: {  	_ =	shalt  }
0x5e: {  	_ =	shalt  }
0x5f: {  	_ =	shalt  }
0x60: {  	_ =	shalt  }
0x61: {  	_ =	shalt  }
0x62: {  	_ =	shalt  }
0x63: {  	_ =	shalt  }
0x64: {  	_ =	shalt  }
0x65: {  	_ =	shalt  }
0x66: {  	_ =	shalt  }
0x67: {  	_ =	shalt  }
0x68: {  	_ =	shalt  }
0x69: {  	_ =	shalt  }
0x6a: {  	_ =	shalt  }
0x6b: {  	_ =	shalt  }
0x6c: {  	_ =	shalt  }
0x6d: {  	_ =	shalt  }
0x6e: {  	_ =	shalt  }
0x6f: {  	_ =	shalt  }
0x70: {  	_ =	shalt  }
0x71: {  	_ =	shalt  }
0x72: {  	_ =	shalt  }
0x73: {  	_ =	shalt  }
0x74: {  	_ =	shalt  }
0x75: {  	_ =	shalt  }
0x76: {  	_ =	shalt  }
0x77: {  	_ =	shalt  }
0x78: {  	_ =	shalt  }
0x79: {  	_ =	shalt  }
0x7a: {  	_ =	shalt  }
0x7b: {  	_ =	shalt  }
0x7c: {  	_ =	shalt  }
0x7d: {  	_ =	shalt  }
0x7e: {  	_ =	shalt  }
0x7f: {  	_ =	shalt  }
0x80: {  	_ =	shalt  }
0x81: {  	_ =	shalt  }
0x82: {  	_ =	shalt  }
0x83: {  	_ =	shalt  }
0x84: {  	_ =	shalt  }
0x85: {  	_ =	shalt  }
0x86: {  	_ =	shalt  }
0x87: {  	_ =	shalt  }
.Lfunc_end0:
.L_simem_size_0:
called_computation.1_lowered:
.L_overlay_start_0:
0x88: {  	s2 =	sld [smem:$0x3FD9]  }
0x89: {  	s3 =	sld [smem:$0x3FFE];
	_ =	sdelay $0x1  }
0x8a: {  	s1 =	srdreg.scid  }
0x8b: {  	s0 =	sand.u32 $0x1, s1  }
0x8c: {  	s17 =	sshll.u32 s0, $0xA;
	s2 =	sadd.s32 s3, s2  }
0x8d: {  	s2 =	sadd.s32 s2, s17  }
0x8e: {  	[smem:$0x3FBC] =	sst s2  }
0x8f: {  	_ = 	snop  }
0x90: {  	s2 =	sld [smem:$0x3FD0];
	(tm) =	ssettm $0x1  }
0x91: {  	s18 =	sld [smem:$0x3FFB];
	_ =	sdelay $0x3  }
0x92: {  	_ =	strace s18  }
0x93: {  	s3 =	sld [smem:$0x3FFC];
	_ =	sdelay $0x3  }
0x94: {  	_ =	strace s3  }
0x95: {  	s3 =	sld [smem:$0x3FFD];
	_ =	sdelay $0x3  }
0x96: {  	_ =	strace s3  }
0x97: {  	_ =	strace $0x8FFFFFFF  }
0x98: {  	s19 =	sld [smem:$0x3FDB];
	_ =	sdelay $0x1  }
0x99: {  	s4 =	simm.s32 $_scs_section_size  }
0x9a: {  	s5 =	simm.s32 $_size__tile_overlayer_lowered;
	s6 =	simm.s32 $_tile_overlayer_lowered  }
0x9b: {  	s22 =	simm.s32 $0x1BFF;
	s21 =	sshll.u32 s6, $0x1;
	s3 =	sadd.s32 s4, s19  }
0x9c: {  	s7 =	simm.s32 $0x0;
	s20 =	sshll.u32 s5, $0x1;
	s5 =	sadd.s32 s21, s3  }
0x9d: {  	[timem:s7], [sflag:s22] =	dma.local [hbm:s5], s20  }
0x9e: {  	_ =	swait.ge [sflag:s22], s20  }
0x9f: {  	s4 =	ssub.s32 $0x0, s20;
	[sflag:s22] =	ssyncset.done $0x0  }
0xa0: {  	[sflag:s22] =	ssyncadd.s32 s4;
	_ =	sdelay $0x1  }
0xa1: {  	s23 =	simm.s32 $0x1B8B  }
0xa2: {  	_ =	swait.ge [sflag:s23], $0x1  }
0xa3: {  	[sflag:s23] =	ssyncset.done $0x0  }
0xa4: {  	s25 =	simm.s32 $0x1B8E;
	s24 =	sld [smem:$0x3FFE];
	[sflag:s23] =	ssyncadd.s32 $0xFFFFFFFF  }
0xa5: {  	s26 =	simm.s32 $execute0_lowered;
	[smem:$0x3FD2] =	sst s25  }
0xa6: {  	s5 =	sshll.u32 s26, $0x1;
	_ =	strace $0x80000049;
	[dreg:$0x1] =	wrdreg $0xFFFFFFFF  }
0xa7: {  	s28 =	simm.s32 $_size_execute0_lowered;
	s3 =	sadd.s32 s3, s5;
	[dreg:$0x0] =	wrdreg $0x0  }
0xa8: {  	s5 =	sshll.u32 s28, $0x1;
	[dreg:$0x2] =	wrdreg s3  }
0xa9: {  	[dreg:$0x3] =	wrdreg s5  }
0xaa: {  	[dreg:$0x4] =	wrdreg $0xC0  }
0xab: {  	_ =	task [dreg:s7], $0x5FFFF  }
0xac: {  	[dreg:$0x1] =	wrdreg $0xFFFFFFFF  }
0xad: {  	[dreg:$0x0] =	wrdreg $0x60  }
0xae: {  	[dreg:$0x2] =	wrdreg s24  }
0xaf: {  	[dreg:$0x3] =	wrdreg s2  }
0xb0: {  	[dreg:$0x4] =	wrdreg $0xAF000  }
0xb1: {  	[dreg:$0x5] =	wrdreg $0x9  }
0xb2: {  	_ =	task.clear_ibuf [dreg:s7], $0x6FFFF;
	_ =	strace $0x90000049  }
0xb3: {  	s29 =	simm.s32 $0x9;
	_ =	strace $0x8000004B  }
0xb4: {  	_ =	swait.ge [sflag:s29], $0x1  }
0xb5: {  	[sflag:s29] =	ssyncadd.s32 $0xFFFFFFFF  }
0xb6: {  	_ =	strace $0x9000004B  }
0xb7: {  	_ =	sfence  }
0xb8: {  	s30 =	sld [smem:$0x0];
	_ =	sdelay $0x2  }
0xb9: {  	s31 =	sshll.u32 s1, $0xD;
	s1 =	sshrl.u32 s1, $0x2  }
0xba: {  	s3 =	sand.u32 $0x4000, s31;
	s1 =	sadd.s32 s1, s30  }
0xbb: {  	s0 =	sor.u32 s3, s0;
	s1 =	sshll.u32 s1, $0x11  }
0xbc: {  	s0 =	sor.u32 s1, s0  }
0xbd: {  	s0 =	sadd.s32 $0x8F2B, s0  }
0xbe: {  	[sflag:s0] =	ssyncadd.remote.s32 $0x1  }
0xbf: {  	_ =	sfence.sel $0xFFFF  }
0xc0: {  	[dreg:$0x0] =	wrdreg $0xFFFFFFFF;
	(pc) =	sbr.abs _section_cstart, $3  }
0xc1: {  	[dreg:$0x1] =	wrdreg $0xFFFFFFFF  }
0xc2: {  	_ =	task.clear_ibuf [dreg:s7], $0x2FFFF;
	_ =	strace $0x9FFFFFFF  }
0xc3: {  	(tm) =	ssettm $0x7FFFFFFF  }
tec
execute0_lowered:
.L_overlay_start_1:
0x0: {  	(tag) =	ssettag $0x1  }
0x1: {  	s0 =	rddreg [dreg:$0x0]  }
0x2: {  	s1 =	rddreg [dreg:$0x1]  }
0x3: {  	s2 =	rddreg [dreg:$0x2];
	s7 =	simm.s32 $0x0  }
0x4: {  	s3 =	srdreg.scid;
	s10 =	stileid.u32;
	s18 =	simm.s32 $0x19  }
0x5: {  	s16 =	simm.s32 $0x10;
	s22 =	simm.s32 $0x4F00;
	s31 =	simm.s32 $0x5700  }
0x6: {  	s28 =	simm.s32 $0x2;
	s30 =	simm.s32 $0xD;
	s19 =	simm.s32 $0x4  }
0x7: {  	s14 =	simm.s32 $0x7;
	s13 =	simm.s32 $0xA;
	s20 =	simm.s32 $0x0  }
0x8: {  	s3 =	sand.u32 $0x1, s3;
	s4 =	sshrl.u32 s10, $0x2;
	s24 =	smul.u32 $0x4F000, s10  }
0x9: {  	s5 =	sshll.u32 s10, $0x8;
	[smem:$0x7FF] =	sst s7;
	s25 =	smul.u32 $0x2780, s10  }
0xa: {  	s10 =	sshll.u32 s10, $0x6;
	s4 =	smul.u32 $0x13C00, s4;
	s6 =	sshll.u32 s3, $0x7  }
0xb: {  	s5 =	sand.u32 $0x300, s5;
	_ =	strace $0x8000004A;
	s23 =	ssub.s32 $0x2, s3  }
0xc: {  	p0 =	seq.s32 s3, $0x1;
	s3 =	simm.s32 $0x6AA00;
	s15 =	sor.u32 $0x1C19, s10  }
0xd: {  	s10 =	simm.s32 $0x8;
	s5 =	sor.u32 s6, s5;
	s9 =	sshrl.u32 s23, $0x1  }
0xe: {  	s7 =	sshrl.u32 s24, $0x2;
	s3 =	simm.s32 @!p0 $0x2B400;
	s24 =	simm.s32 $0x6F00  }
0xf: {  	[dreg:$0x5] =	wrdreg s15;
	s4 =	sor.u32 s4, s5;
	s6 =	ssub.s32 s23, s9  }
0x10: {  	s7 =	sadd.s32 s7, s2;
	s23 =	simm.s32 $0x1;
	s9 =	simm.s32 $0x12  }
0x11: {  	s5 =	sshrl.u32 s4, $0x3;
	s4 =	sadd.s32 $0x3C00, s0;
	s29 =	smax.u32 s6, $0x1  }
0x12: {  	s17 =	sshrl.u32 s7, $0x3;
	s7 =	simm.s32 $0x6;
	s6 =	simm.s32 $0xC  }
0x13: {  	s8 =	sadd.s32 s5, s0;
	s11 =	sadd.s32 s4, s25;
	[dreg:$0x8] =	wrdreg s29  }
0x14: {  	s1 =	sadd.s32 s1, s5;
	s0 =	sadd.s32 s3, s0;
	[dreg:$0xa] =	wrdreg s17  }
.Ltmp0:
0x15: {  	s3 =	simm.s32 $0xF;
	[dreg:$0x4] =	wrdreg s11;
	(pc) =	sbr.rel .LBB2_1-.Ltmp0, $4  }
0x16: {  	s5 =	simm.s32 $0x5;
	[dreg:$0x6] =	wrdreg s1;
	s26 =	sadd.s32 $0x60C00, s8  }
0x17: {  	s0 =	sadd.s32 s0, s25;
	s25 =	simm.s32 $0xA700;
	s1 =	simm.s32 $0xE  }
0x18: {  	s8 =	simm.s32 $0x11;
	s11 =	simm.s32 $0x17;
	[dreg:$0x7] =	wrdreg s26  }
0x19: {  	[dreg:$0x9] =	wrdreg s0;
	s26 =	simm.s32 $0x7700;
	s0 =	simm.s32 $0x3  }
.LBB2_4:
0x1a: {  	_ =	swait.ge [sflag:s23], $0x800  }
0x1b: {  	[sflag:s23] =	ssyncset.done $0x0  }
0x1c: {  	s22 =	simm.s32 $0x4F00;
	s12 =	simm.s32 $0x4E80;
	[sflag:s23] =	ssyncadd.s32 $0xFFFFF800  }
0x1d: {  	[spmem:s2] =	stream.indirect.scatter.add.f32 [tilespmem:s22], [sflag:$0xD], $0x80, s12, s16, $0xb8;
	[tilespmem:$0x1EB00] =	vst v63  }
0x1e: {  	_ =	swait.ge [sflag:s28], $0x800  }
0x1f: {  	[sflag:s28] =	ssyncset.done $0x0  }
0x20: {  	s31 =	simm.s32 $0x5700;
	s21 =	simm.s32 $0x4E90;
	[sflag:s28] =	ssyncadd.s32 $0xFFFFF800  }
0x21: {  	[spmem:s2] =	stream.indirect.scatter.add.f32 [tilespmem:s31], [sflag:$0xE], $0x80, s21, s16, $0xb8;
	[tilespmem:$0x1EB00] =	vst v63  }
0x22: {  	_ =	swait.ge [sflag:s0], $0x800  }
0x23: {  	[sflag:s0] =	ssyncset.done $0x0  }
0x24: {  	s29 =	simm.s32 $0x5F00;
	s15 =	simm.s32 $0x4EA0;
	[sflag:s0] =	ssyncadd.s32 $0xFFFFF800  }
0x25: {  	[spmem:s2] =	stream.indirect.scatter.add.f32 [tilespmem:s29], [sflag:$0xF], $0x80, s15, s16, $0xb8;
	[tilespmem:$0x1EB00] =	vst v63  }
0x26: {  	_ =	swait.ge [sflag:s19], $0x800  }
0x27: {  	[sflag:s19] =	ssyncset.done $0x0  }
0x28: {  	s17 =	simm.s32 $0x6700;
	s18 =	simm.s32 $0x4EB0;
	[sflag:s19] =	ssyncadd.s32 $0xFFFFF800  }
0x29: {  	[spmem:s2] =	stream.indirect.scatter.add.f32 [tilespmem:s17], [sflag:$0x10], $0x80, s18, s16, $0xb8;
	[tilespmem:$0x1EB00] =	vst v63  }
0x2a: {  	_ =	swait.ge [sflag:s5], $0x800  }
0x2b: {  	[sflag:s5] =	ssyncset.done $0x0  }
0x2c: {  	s20 =	simm.s32 $0x4EC0;
	[sflag:s5] =	ssyncadd.s32 $0xFFFFF800  }
0x2d: {  	[spmem:s2] =	stream.indirect.scatter.add.f32 [tilespmem:s24], [sflag:$0x11], $0x80, s20, s16, $0xb8;
	[tilespmem:$0x1EB00] =	vst v63  }
0x2e: {  	_ =	swait.ge [sflag:s7], $0x800  }
0x2f: {  	[sflag:s7] =	ssyncset.done $0x0  }
0x30: {  	s21 =	simm.s32 $0x4ED0;
	[sflag:s7] =	ssyncadd.s32 $0xFFFFF800  }
0x31: {  	[spmem:s2] =	stream.indirect.scatter.add.f32 [tilespmem:s26], [sflag:$0x12], $0x80, s21, s16, $0xb8;
	[tilespmem:$0x1EB00] =	vst v63  }
0x32: {  	_ =	swait.ge [sflag:s30], $0x800  }
0x33: {  	[sflag:s30] =	ssyncset.done $0x0  }
0x34: {  	[sflag:s30] =	ssyncadd.s32 $0xFFFFF800  }
0x35: {  	_ =	swait.ge [sflag:s1], $0x800  }
0x36: {  	[sflag:s1] =	ssyncset.done $0x0  }
0x37: {  	[sflag:s1] =	ssyncadd.s32 $0xFFFFF800  }
0x38: {  	_ =	swait.ge [sflag:s3], $0x800  }
0x39: {  	[sflag:s3] =	ssyncset.done $0x0  }
0x3a: {  	[sflag:s3] =	ssyncadd.s32 $0xFFFFF800  }
0x3b: {  	_ =	swait.ge [sflag:s16], $0x800  }
0x3c: {  	[sflag:s16] =	ssyncset.done $0x0  }
0x3d: {  	[sflag:s16] =	ssyncadd.s32 $0xFFFFF800  }
0x3e: {  	_ =	swait.ge [sflag:s8], $0x800  }
0x3f: {  	[sflag:s8] =	ssyncset.done $0x0  }
0x40: {  	[sflag:s8] =	ssyncadd.s32 $0xFFFFF800  }
0x41: {  	_ =	swait.ge [sflag:s9], $0x800  }
0x42: {  	[sflag:s9] =	ssyncset.done $0x0  }
0x43: {  	s29 =	simm.s32 $0x13;
	[sflag:s9] =	ssyncadd.s32 $0xFFFFF800  }
0x44: {  	_ =	swait.ge [sflag:s29], $0x800  }
0x45: {  	[sflag:s29] =	ssyncset.done $0x0  }
0x46: {  	s15 =	simm.s32 $0x14;
	[sflag:s29] =	ssyncadd.s32 $0xFFFFF800  }
0x47: {  	_ =	swait.ge [sflag:s15], $0x800  }
0x48: {  	[sflag:s15] =	ssyncset.done $0x0  }
0x49: {  	s17 =	simm.s32 $0x15;
	[sflag:s15] =	ssyncadd.s32 $0xFFFFF800  }
0x4a: {  	_ =	swait.ge [sflag:s17], $0x800  }
0x4b: {  	[sflag:s17] =	ssyncset.done $0x0  }
0x4c: {  	s18 =	simm.s32 $0x16;
	[sflag:s17] =	ssyncadd.s32 $0xFFFFF800  }
0x4d: {  	_ =	swait.ge [sflag:s18], $0x800  }
0x4e: {  	[sflag:s18] =	ssyncset.done $0x0  }
0x4f: {  	[sflag:s18] =	ssyncadd.s32 $0xFFFFF800  }
0x50: {  	_ =	swait.ge [sflag:s11], $0x800  }
0x51: {  	[sflag:s11] =	ssyncset.done $0x0  }
0x52: {  	s20 =	simm.s32 $0x18;
	[sflag:s11] =	ssyncadd.s32 $0xFFFFF800  }
0x53: {  	_ =	swait.ge [sflag:s20], $0x800  }
0x54: {  	[sflag:s20] =	ssyncset.done $0x0  }
0x55: {  	[sflag:s20] =	ssyncadd.s32 $0xFFFFF800  }
0x56: {  	[bflag:$0x0] =	sbarrier.arrive $0xFFFF  }
0x57: {  	s15 =	rddreg [dreg:$0x5]  }
0x58: {  	s21 =	rddreg [dreg:$0x9]  }
0x59: {  	s18 =	simm.s32 $0x19;
	s17 =	rddreg [dreg:$0xa]  }
0x5a: {  	[hbm:s21], [sflag:s15] =	dma.local [spmem:s17], $0x2780  }
0x5b: {  	_ =	swait.ge [sflag:s18], $0x2780  }
0x5c: {  	s20 =	rddreg [dreg:$0xb]  }
0x5d: {  	s29 =	rddreg [dreg:$0x8];
	s20 =	sadd.s32 $0x1, s20  }
0x5e: {  	p0 =	sne.s32 s20, s29  }
.Ltmp1:
0x5f: {  	_ = 	snop;
	(pc) =	sbr.rel @!p0 .LBB2_5-.Ltmp1, $3  }
0x60: {  	_ =	sdelay $0x1  }
0x61: {  	[sflag:s18] =	ssyncset.done $0x0  }
0x62: {  	[sflag:s18] =	ssyncadd.s32 $0xFFFFD880  }
.LBB2_1:
0x63: {  	[dreg:$0xb] =	wrdreg s20  }
0x64: {  	s12 =	rddreg [dreg:$0x4]  }
0x65: {  	[spmem:s17], [sflag:s15] =	dma.local [hbm:s12], $0x2780  }
0x66: {  	_ =	swait.ge [sflag:s18], $0x2780  }
0x67: {  	[sflag:s18] =	ssyncset.done $0x0  }
0x68: {  	[sflag:s18] =	ssyncadd.s32 $0xFFFFD880  }
0x69: {  	s20 =	simm.s32 $0x400;
	[bflag:$0x0] =	sbarrier.arrive $0xFFFF  }
0x6a: {  	s12 =	simm.s32 $0x0;
	s17 =	simm.s32 $0x80;
	s21 =	rddreg [dreg:$0x6]  }
0x6b: {  	[tilespmem:s12], [sflag:$0x19] =	stream.strided.gather [hbm4b:s21+s17], $0x2780, s20, s17, $0x38;
	[tilespmem:$0x1EB00] =	vst v63  }
0x6c: {  	_ =	swait.ge [sflag:s18], $0x2780  }
0x6d: {  	[sflag:s18] =	ssyncset.done $0x0  }
0x6e: {  	s21 =	simm.s32 $0x2780;
	s29 =	rddreg [dreg:$0x7];
	[sflag:s18] =	ssyncadd.s32 $0xFFFFD880  }
0x6f: {  	[tilespmem:s21], [sflag:$0x19] =	stream.strided.gather [hbm4b:s29+s17], $0x2780, s20, s17, $0x38;
	[tilespmem:$0x1EB00] =	vst v63  }
0x70: {  	_ =	swait.ge [sflag:s18], $0x2780  }
0x71: {  	[sflag:s18] =	ssyncset.done $0x0  }
0x72: {  	[sflag:s18] =	ssyncadd.s32 $0xFFFFD880  }
0x73: {  	[tilespmem:s22], [sflag:$0x1] =	stream.indirect.gather [hbm4b:s4+s16], $0x80, s12, s16, $0xb8;
	[tilespmem:$0x1EB00] =	vst v63  }
0x74: {  	_ = 	snop  }
0x75: {  	[tilespmem:s31], [sflag:$0x2] =	stream.indirect.gather [hbm4b:s4+s16], $0x80, s16, s16, $0xb8;
	[tilespmem:$0x1EB00] =	vst v63  }
0x76: {  	s15 =	simm.s32 $0x5F00;
	s18 =	simm.s32 $0x20  }
0x77: {  	[tilespmem:s15], [sflag:$0x3] =	stream.indirect.gather [hbm4b:s4+s16], $0x80, s18, s16, $0xb8;
	[tilespmem:$0x1EB00] =	vst v63  }
0x78: {  	s20 =	simm.s32 $0x6700;
	s21 =	simm.s32 $0x30  }
0x79: {  	[tilespmem:s20], [sflag:$0x4] =	stream.indirect.gather [hbm4b:s4+s16], $0x80, s21, s16, $0xb8;
	[tilespmem:$0x1EB00] =	vst v63  }
0x7a: {  	s29 =	simm.s32 $0x40  }
0x7b: {  	[tilespmem:s24], [sflag:$0x5] =	stream.indirect.gather [hbm4b:s4+s16], $0x80, s29, s16, $0xb8;
	[tilespmem:$0x1EB00] =	vst v63  }
0x7c: {  	s18 =	simm.s32 $0x50  }
0x7d: {  	[tilespmem:s26], [sflag:$0x6] =	stream.indirect.gather [hbm4b:s4+s16], $0x80, s18, s16, $0xb8;
	[tilespmem:$0x1EB00] =	vst v63  }
0x7e: {  	s21 =	simm.s32 $0x60;
	s29 =	simm.s32 $0x7F00  }
0x7f: {  	[tilespmem:s29], [sflag:$0x7] =	stream.indirect.gather [hbm4b:s4+s16], $0x80, s21, s16, $0xb8;
	[tilespmem:$0x1EB00] =	vst v63  }
0x80: {  	s18 =	simm.s32 $0x70;
	s21 =	simm.s32 $0x8700  }
0x81: {  	[tilespmem:s21], [sflag:$0x8] =	stream.indirect.gather [hbm4b:s4+s16], $0x80, s18, s16, $0xb8;
	[tilespmem:$0x1EB00] =	vst v63  }
0x82: {  	s29 =	simm.s32 $0x8F00  }
0x83: {  	[tilespmem:s29], [sflag:$0x9] =	stream.indirect.gather [hbm4b:s4+s16], $0x80, s17, s16, $0xb8;
	[tilespmem:$0x1EB00] =	vst v63  }
0x84: {  	s18 =	simm.s32 $0x9700;
	s17 =	simm.s32 $0x90  }
0x85: {  	[tilespmem:s18], [sflag:$0xA] =	stream.indirect.gather [hbm4b:s4+s16], $0x80, s17, s16, $0xb8;
	[tilespmem:$0x1EB00] =	vst v63  }
0x86: {  	s12 =	simm.s32 $0x0;
	s21 =	simm.s32 $0xA0;
	s29 =	simm.s32 $0x9F00  }
0x87: {  	[tilespmem:s29], [sflag:$0xB] =	stream.indirect.gather [hbm4b:s4+s16], $0x80, s21, s16, $0xb8;
	[tilespmem:$0x1EB00] =	vst v63  }
.LBB2_2:
0x88: {  	_ =	swait.ge [sflag:s23], $0x800  }
0x89: {  	s21 =	sshra.s32 s12, $0x2;
	[sflag:s23] =	ssyncset.done $0x0  }
0x8a: {  	p0 =	seq.s32 s12, $0x0;
	s29 =	sadd.s32 $0x2780, s21;
	[sflag:s23] =	ssyncadd.s32 $0xFFFFF800  }
0x8b: {  	[spmem:s2] =	stream.indirect.scatter.add.f32 [tilespmem:s22], [sflag:$0xD], $0x80, s29, s16, $0xb8;
	[tilespmem:$0x1EB00] =	vst v63  }
0x8c: {  	s29 =	simm.s32 @!p0 $0x18  }
0x8d: {  	_ =	swait.ge @!p0 [sflag:s29], $0x800  }
0x8e: {  	[sflag:s29] =	ssyncset.done @!p0 $0x0  }
0x8f: {  	s18 =	sadd.s32 $0xB0, s21;
	[sflag:s29] =	ssyncadd.s32 @!p0 $0xFFFFF800  }
0x90: {  	[tilespmem:s25], [sflag:$0xC] =	stream.indirect.gather [hbm4b:s4+s16], $0x80, s18, s16, $0xb8;
	[tilespmem:$0x1EB00] =	vst v63  }
0x91: {  	_ =	swait.ge [sflag:s28], $0x800  }
0x92: {  	[sflag:s28] =	ssyncset.done $0x0  }
0x93: {  	s17 =	sadd.s32 $0x2790, s21;
	[sflag:s28] =	ssyncadd.s32 $0xFFFFF800  }
0x94: {  	[spmem:s2] =	stream.indirect.scatter.add.f32 [tilespmem:s31], [sflag:$0xE], $0x80, s17, s16, $0xb8;
	[tilespmem:$0x1EB00] =	vst v63  }
0x95: {  	_ =	swait.ge [sflag:s30], $0x800  }
0x96: {  	[sflag:s30] =	ssyncset.done $0x0  }
0x97: {  	s18 =	sadd.s32 $0xC0, s21;
	[sflag:s30] =	ssyncadd.s32 $0xFFFFF800  }
0x98: {  	[tilespmem:s22], [sflag:$0x1] =	stream.indirect.gather [hbm4b:s4+s16], $0x80, s18, s16, $0xb8;
	[tilespmem:$0x1EB00] =	vst v63  }
0x99: {  	_ =	swait.ge [sflag:s0], $0x800  }
0x9a: {  	[sflag:s0] =	ssyncset.done $0x0  }
0x9b: {  	s17 =	sadd.s32 $0x27A0, s21;
	[sflag:s0] =	ssyncadd.s32 $0xFFFFF800  }
0x9c: {  	[spmem:s2] =	stream.indirect.scatter.add.f32 [tilespmem:s15], [sflag:$0xF], $0x80, s17, s16, $0xb8;
	[tilespmem:$0x1EB00] =	vst v63  }
0x9d: {  	_ =	swait.ge [sflag:s1], $0x800  }
0x9e: {  	[sflag:s1] =	ssyncset.done $0x0  }
0x9f: {  	s18 =	sadd.s32 $0xD0, s21;
	[sflag:s1] =	ssyncadd.s32 $0xFFFFF800  }
0xa0: {  	[tilespmem:s31], [sflag:$0x2] =	stream.indirect.gather [hbm4b:s4+s16], $0x80, s18, s16, $0xb8;
	[tilespmem:$0x1EB00] =	vst v63  }
0xa1: {  	_ =	swait.ge [sflag:s19], $0x800  }
0xa2: {  	[sflag:s19] =	ssyncset.done $0x0  }
0xa3: {  	s22 =	sadd.s32 $0x27B0, s21;
	[sflag:s19] =	ssyncadd.s32 $0xFFFFF800  }
0xa4: {  	[spmem:s2] =	stream.indirect.scatter.add.f32 [tilespmem:s20], [sflag:$0x10], $0x80, s22, s16, $0xb8;
	[tilespmem:$0x1EB00] =	vst v63  }
0xa5: {  	_ =	swait.ge [sflag:s3], $0x800  }
0xa6: {  	[sflag:s3] =	ssyncset.done $0x0  }
0xa7: {  	s31 =	sadd.s32 $0xE0, s21;
	[sflag:s3] =	ssyncadd.s32 $0xFFFFF800  }
0xa8: {  	[tilespmem:s15], [sflag:$0x3] =	stream.indirect.gather [hbm4b:s4+s16], $0x80, s31, s16, $0xb8;
	[tilespmem:$0x1EB00] =	vst v63  }
0xa9: {  	_ =	swait.ge [sflag:s5], $0x800  }
0xaa: {  	[sflag:s5] =	ssyncset.done $0x0  }
0xab: {  	s17 =	sadd.s32 $0x27C0, s21;
	[sflag:s5] =	ssyncadd.s32 $0xFFFFF800  }
0xac: {  	[spmem:s2] =	stream.indirect.scatter.add.f32 [tilespmem:s24], [sflag:$0x11], $0x80, s17, s16, $0xb8;
	[tilespmem:$0x1EB00] =	vst v63  }
0xad: {  	_ =	swait.ge [sflag:s16], $0x800  }
0xae: {  	[sflag:s16] =	ssyncset.done $0x0  }
0xaf: {  	s18 =	sadd.s32 $0xF0, s21;
	[sflag:s16] =	ssyncadd.s32 $0xFFFFF800  }
0xb0: {  	[tilespmem:s20], [sflag:$0x4] =	stream.indirect.gather [hbm4b:s4+s16], $0x80, s18, s16, $0xb8;
	[tilespmem:$0x1EB00] =	vst v63  }
0xb1: {  	_ =	swait.ge [sflag:s7], $0x800  }
0xb2: {  	[sflag:s7] =	ssyncset.done $0x0  }
0xb3: {  	s22 =	sadd.s32 $0x27D0, s21;
	[sflag:s7] =	ssyncadd.s32 $0xFFFFF800  }
0xb4: {  	[spmem:s2] =	stream.indirect.scatter.add.f32 [tilespmem:s26], [sflag:$0x12], $0x80, s22, s16, $0xb8;
	[tilespmem:$0x1EB00] =	vst v63  }
0xb5: {  	_ =	swait.ge [sflag:s8], $0x800  }
0xb6: {  	[sflag:s8] =	ssyncset.done $0x0  }
0xb7: {  	s31 =	sadd.s32 $0x100, s21;
	[sflag:s8] =	ssyncadd.s32 $0xFFFFF800  }
0xb8: {  	[tilespmem:s24], [sflag:$0x5] =	stream.indirect.gather [hbm4b:s4+s16], $0x80, s31, s16, $0xb8;
	[tilespmem:$0x1EB00] =	vst v63  }
0xb9: {  	_ =	swait.ge [sflag:s14], $0x800  }
0xba: {  	[sflag:s14] =	ssyncset.done $0x0  }
0xbb: {  	s15 =	sadd.s32 $0x27E0, s21;
	s17 =	simm.s32 $0x7F00;
	[sflag:s14] =	ssyncadd.s32 $0xFFFFF800  }
0xbc: {  	[spmem:s2] =	stream.indirect.scatter.add.f32 [tilespmem:s17], [sflag:$0x13], $0x80, s15, s16, $0xb8;
	[tilespmem:$0x1EB00] =	vst v63  }
0xbd: {  	_ =	swait.ge [sflag:s9], $0x800  }
0xbe: {  	[sflag:s9] =	ssyncset.done $0x0  }
0xbf: {  	s18 =	sadd.s32 $0x110, s21;
	[sflag:s9] =	ssyncadd.s32 $0xFFFFF800  }
0xc0: {  	[tilespmem:s26], [sflag:$0x6] =	stream.indirect.gather [hbm4b:s4+s16], $0x80, s18, s16, $0xb8;
	[tilespmem:$0x1EB00] =	vst v63  }
0xc1: {  	p0 =	seq.s32 s12, $0x9900;
	_ =	swait.ge [sflag:s10], $0x800  }
0xc2: {  	s29 =	simm.s32 @p0 $0x9;
	[sflag:s10] =	ssyncset.done $0x0  }
0xc3: {  	s20 =	sadd.s32 $0x27F0, s21;
	s22 =	simm.s32 $0x8700;
	[sflag:s10] =	ssyncadd.s32 $0xFFFFF800  }
0xc4: {  	[spmem:s2] =	stream.indirect.scatter.add.f32 [tilespmem:s22], [sflag:$0x14], $0x80, s20, s16, $0xb8;
	[tilespmem:$0x1EB00] =	vst v63  }
0xc5: {  	_ =	swait.ge @p0 [sflag:s29], $0x800  }
0xc6: {  	[sflag:s29] =	ssyncset.done @p0 $0x0  }
0xc7: {  	[sflag:s29] =	ssyncadd.s32 @p0 $0xFFFFF800;
	s29 =	sshra.s32 @p0 s12, $0x2  }
0xc8: {  	s15 =	simm.s32 @p0 $0x10;
	s17 =	simm.s32 @p0 $0x8F00;
	s31 =	sadd.s32 @p0 $0x2800, s29  }
0xc9: {  	[spmem:s2] =	stream.indirect.scatter.add.f32 @p0 [tilespmem:s17], [sflag:$0x15], $0x80, s31, s15, $0xb8;
	[tilespmem:$0x1EB00] =	vst v63  }
0xca: {  	s17 =	simm.s32 @!p0 $0x13  }
0xcb: {  	_ =	swait.ge @!p0 [sflag:s17], $0x800  }
0xcc: {  	[sflag:s17] =	ssyncset.done @!p0 $0x0  }
0xcd: {  	[sflag:s17] =	ssyncadd.s32 @!p0 $0xFFFFF800;
	s17 =	sshra.s32 @!p0 s12, $0x2  }
0xce: {  	s18 =	simm.s32 @!p0 $0x10;
	s20 =	simm.s32 @!p0 $0x7F00;
	s31 =	sadd.s32 @!p0 $0x120, s17  }
0xcf: {  	[tilespmem:s20], [sflag:$0x7] =	stream.indirect.gather @!p0 [hbm4b:s4+s18], $0x80, s31, s18, $0xb8;
	[tilespmem:$0x1EB00] =	vst v63  }
0xd0: {  	s20 =	simm.s32 @!p0 $0x9  }
0xd1: {  	_ =	swait.ge @!p0 [sflag:s20], $0x800  }
0xd2: {  	[sflag:s20] =	ssyncset.done @!p0 $0x0  }
0xd3: {  	s31 =	simm.s32 @!p0 $0x8F00;
	[sflag:s20] =	ssyncadd.s32 @!p0 $0xFFFFF800;
	s20 =	sadd.s32 @!p0 $0x2800, s17  }
0xd4: {  	[spmem:s2] =	stream.indirect.scatter.add.f32 @!p0 [tilespmem:s31], [sflag:$0x15], $0x80, s20, s18, $0xb8;
	[tilespmem:$0x1EB00] =	vst v63  }
0xd5: {  	s20 =	simm.s32 @!p0 $0x14  }
0xd6: {  	_ =	swait.ge @!p0 [sflag:s20], $0x800  }
0xd7: {  	[sflag:s20] =	ssyncset.done @!p0 $0x0  }
0xd8: {  	s22 =	simm.s32 @!p0 $0x8700;
	[sflag:s20] =	ssyncadd.s32 @!p0 $0xFFFFF800;
	s20 =	sadd.s32 @!p0 $0x130, s17  }
0xd9: {  	[tilespmem:s22], [sflag:$0x8] =	stream.indirect.gather @!p0 [hbm4b:s4+s18], $0x80, s20, s18, $0xb8;
	[tilespmem:$0x1EB00] =	vst v63  }
0xda: {  	_ =	swait.ge [sflag:s13], $0x800  }
0xdb: {  	[sflag:s13] =	ssyncset.done $0x0  }
0xdc: {  	s20 =	sadd.s32 $0x2810, s21;
	s22 =	simm.s32 $0x9700;
	[sflag:s13] =	ssyncadd.s32 $0xFFFFF800  }
0xdd: {  	[spmem:s2] =	stream.indirect.scatter.add.f32 [tilespmem:s22], [sflag:$0x16], $0x80, s20, s16, $0xb8;
	[tilespmem:$0x1EB00] =	vst v63  }
0xde: {  	s20 =	simm.s32 @p0 $0xB  }
0xdf: {  	_ =	swait.ge @p0 [sflag:s20], $0x800  }
0xe0: {  	[sflag:s20] =	ssyncset.done @p0 $0x0  }
0xe1: {  	s22 =	simm.s32 @p0 $0x9F00;
	[sflag:s20] =	ssyncadd.s32 @p0 $0xFFFFF800;
	s20 =	sadd.s32 @p0 $0x2820, s29  }
0xe2: {  	[spmem:s2] =	stream.indirect.scatter.add.f32 @p0 [tilespmem:s22], [sflag:$0x17], $0x80, s20, s15, $0xb8;
	[tilespmem:$0x1EB00] =	vst v63  }
0xe3: {  	s15 =	simm.s32 @!p0 $0x15  }
0xe4: {  	_ =	swait.ge @!p0 [sflag:s15], $0x800  }
0xe5: {  	[sflag:s15] =	ssyncset.done @!p0 $0x0  }
0xe6: {  	[sflag:s15] =	ssyncadd.s32 @!p0 $0xFFFFF800;
	s15 =	sadd.s32 @!p0 $0x140, s17  }
0xe7: {  	[tilespmem:s31], [sflag:$0x9] =	stream.indirect.gather @!p0 [hbm4b:s4+s18], $0x80, s15, s18, $0xb8;
	[tilespmem:$0x1EB00] =	vst v63  }
0xe8: {  	s15 =	simm.s32 @!p0 $0xB  }
0xe9: {  	_ =	swait.ge @!p0 [sflag:s15], $0x800  }
0xea: {  	[sflag:s15] =	ssyncset.done @!p0 $0x0  }
0xeb: {  	s20 =	simm.s32 @!p0 $0x9F00;
	[sflag:s15] =	ssyncadd.s32 @!p0 $0xFFFFF800;
	s15 =	sadd.s32 @!p0 $0x2820, s17  }
0xec: {  	[spmem:s2] =	stream.indirect.scatter.add.f32 @!p0 [tilespmem:s20], [sflag:$0x17], $0x80, s15, s18, $0xb8;
	[tilespmem:$0x1EB00] =	vst v63  }
0xed: {  	s15 =	simm.s32 @!p0 $0x16  }
0xee: {  	_ =	swait.ge @!p0 [sflag:s15], $0x800  }
0xef: {  	[sflag:s15] =	ssyncset.done @!p0 $0x0  }
0xf0: {  	[sflag:s15] =	ssyncadd.s32 @!p0 $0xFFFFF800;
	s15 =	sadd.s32 @!p0 $0x150, s17;
	s17 =	simm.s32 @!p0 $0x9700  }
0xf1: {  	[tilespmem:s17], [sflag:$0xA] =	stream.indirect.gather @!p0 [hbm4b:s4+s18], $0x80, s15, s18, $0xb8;
	[tilespmem:$0x1EB00] =	vst v63  }
.Ltmp2:
0xf2: {  	_ = 	snop;
	(pc) =	sbr.rel @p0 .LBB2_4-.Ltmp2, $4  }
0xf3: {  	_ =	swait.ge [sflag:s6], $0x800  }
0xf4: {  	[sflag:s6] =	ssyncset.done $0x0  }
0xf5: {  	s31 =	sadd.s32 $0x2830, s21;
	[sflag:s6] =	ssyncadd.s32 $0xFFFFF800  }
0xf6: {  	[spmem:s2] =	stream.indirect.scatter.add.f32 [tilespmem:s25], [sflag:$0x18], $0x80, s31, s16, $0xb8;
	[tilespmem:$0x1EB00] =	vst v63  }
.Ltmp3:
0xf7: {  	_ =	swait.ge [sflag:s11], $0x800;
	(pc) =	sbr.rel .LBB2_2-.Ltmp3, $4  }
0xf8: {  	s15 =	sadd.s32 $0x160, s21;
	s17 =	simm.s32 $0x9F00;
	[sflag:s11] =	ssyncset.done $0x0  }
0xf9: {  	s12 =	sadd.s32 $0x300, s12;
	s22 =	simm.s32 $0x4F00;
	[sflag:s11] =	ssyncadd.s32 $0xFFFFF800  }
0xfa: {  	[tilespmem:s17], [sflag:$0xB] =	stream.indirect.gather [hbm4b:s4+s16], $0x80, s15, s16, $0xb8;
	[tilespmem:$0x1EB00] =	vst v63  }
0xfb: {  	s31 =	simm.s32 $0x5700;
	s20 =	simm.s32 $0x6700;
	s15 =	simm.s32 $0x5F00  }
.LBB2_5:
0xfc: {  	_ =	sfence.sel $0x180000  }
0xfd: {  	[bflag:$0x0] =	sbarrier.arrive $0xFFFF  }
0xfe: {  	_ =	strace $0x9000004A  }
0xff: {  	s0 =	stileid.u32;
	[bflag:$0x2] =	sbarrier.arrive $0xFFFF  }
0x100: {  	p0 =	sne.s32 s0, $0x0;
	s0 =	rddreg [dreg:$0x3]  }
0x101: {  	s0 =	sadd.s32 @!p0 $0x100000, s0  }
0x102: {  	[sflag:s0] =	ssyncadd.tile.s32 @!p0 $0x1;
	_ =	shalt  }
.Lfunc_end2:
_tile_overlayer_lowered:
.L_overlay_start_2:
0x103: {  	(tag) =	ssettag $0x2  }
0x104: {  	s0 =	rddreg [dreg:$0x0];
	s2 =	stileid.u32  }
0x105: {  	s1 =	rddreg [dreg:$0x1];
	p0 =	sne.s32 s2, $0x0  }
0x106: {  	s3 =	rddreg [dreg:$0x2];
	[bflag:$0x3] =	sbarrier.arrive $0xFFFF;
	s2 =	simm.s32 @!p0 $0x1C19  }
0x107: {  	[timem:s3], [sflag:s2] =	dma.local @!p0 [hbm:s0], s1  }
0x108: {  	s0 =	simm.s32 @!p0 $0x19  }
0x109: {  	_ =	swait.ge @!p0 [sflag:s0], s1  }
0x10a: {  	s1 =	ssub.s32 @!p0 $0x0, s1;
	[sflag:s0] =	ssyncset.done @!p0 $0x0  }
0x10b: {  	[sflag:s0] =	ssyncadd.s32 @!p0 s1  }
0x10c: {  	[bflag:$0x3] =	sbarrier.arrive $0xFFFF  }
0x10d: {  	_ =	shalt  }

// kernel: kernel.14.cloned.1.call-start
scs
__scs_entry_jumppad:
0x0: {  	(pc) =	sbr.rel $0x88, $3  }
0x1: {  	(tag) =	ssettag $0x0;
	lr =	simm.s32 $0x1  }
0x2: {  	[smem:$0x3F95] =	sst lr;
	_ =	strace $0xD0000000  }
0x3: {  	_ = 	snop  }
0x4: {  	_ = 	snop  }
0x5: {  	_ = 	snop  }
0x6: {  	_ = 	snop  }
0x7: {  	_ = 	snop  }
__scs_overlays_trampoline_lowered:
0x8: {  	[smem:$0x3FA4] =	sst s0  }
0x9: {  	[smem:$0x3FA5] =	sst s1  }
0xa: {  	[smem:$0x3FA6] =	sst s2  }
0xb: {  	[smem:$0x3FA7] =	sst s3  }
0xc: {  	[smem:$0x3FA8] =	sst s4  }
0xd: {  	[smem:$0x3FA9] =	sst s5  }
0xe: {  	[smem:$0x3FAA] =	sst s6  }
0xf: {  	[smem:$0x3FAB] =	sst s7  }
0x10: {  	[smem:$0x3FAC] =	sst s8  }
0x11: {  	[smem:$0x3FAD] =	sst s9;
	s0 =	simm.s32 @!p0 $0x0  }
0x12: {  	s1 =	sld [smem:$0x3F93];
	s0 =	simm.s32 @p0 $0x1  }
0x13: {  	[smem:$0x3FAE] =	sst s0;
	s0 =	simm.s32 @!p1 $0x0  }
0x14: {  	s2 =	sld [smem:$0x3F92];
	s0 =	simm.s32 @p1 $0x1  }
0x15: {  	[smem:$0x3FAF] =	sst s0;
	s0 =	simm.s32 @!p2 $0x0  }
0x16: {  	s3 =	sld [smem:$0x3FDB];
	s0 =	simm.s32 @p2 $0x1  }
0x17: {  	s4 =	simm.s32 $0x1BF5;
	[smem:$0x3FB1] =	sst s0  }
0x18: {  	s0 =	sld [smem:$0x3F94];
	_ =	swait.ge [sflag:s4], $0x0  }
0x19: {  	s7 =	sld [smem:$0x3F95]  }
0x1a: {  	s8 =	sadd.s32 $0xFFFFE003, lr  }
0x1b: {  	s9 =	sadd.s32 $0xFFFFFEF7, lr;
	s5 =	simm.s32 $0xFFFFFFFF;
	p2 =	slt.u32 s8, $0xFFFFF086  }
0x1c: {  	p1 =	slt.u32 s9, $0xF7A;
	s5 =	simm.s32 @!p2 $0x0  }
0x1d: {  	s5 =	simm.s32 @p1 $0x1;
	p0 =	seq.s32 s7, s2  }
0x1e: {  	s7 =	smul.u32 @!p0 $0xF7A, s2;
	p2 =	seq.s32 @!p0 s5, $0x0  }
0x1f: {  	s9 =	smul.u32 $0xF7A, s1;
	s8 =	simm.s32 @!p0 $0x1BF5;
	p2 =	por !p2, p0  }
0x20: {  	[sflag:s8] =	ssyncset.s32 @!p0 $0xFFFFF086;
	s6 =	sadd.s32 @!p0 s3, s7;
	s7 =	simm.s32 @!p0 $0x108  }
0x21: {  	s3 =	sadd.s32 s3, s9;
	s6 =	sadd.s32 @!p0 $0x88, s6;
	s7 =	simm.s32 @p2 $0x1082  }
0x22: {  	[simem:s7], [sflag:s8] =	dma.local @!p0 [hbm:s6], $0xF7A  }
0x23: {  	s9 =	sor.u32 $0xD0000000, s2;
	s6 =	simm.s32 $0x108;
	_ =	swait.ge @!p0 [sflag:s8], $0x0  }
0x24: {  	s3 =	sadd.s32 $0x88, s3;
	s6 =	simm.s32 @!p1 $0x1082;
	[sflag:s4] =	ssyncset.s32 $0xFFFFF086  }
0x25: {  	[simem:s6], [sflag:s4] =	dma.local [hbm:s3], $0xF7A  }
0x26: {  	[smem:$0x3F95] =	sst s1;
	(tag) =	ssettag s2;
	_ =	strace s9  }
0x27: {  	s1 =	sld [smem:$0x3FA5]  }
0x28: {  	s2 =	sld [smem:$0x3FA6]  }
0x29: {  	s4 =	sld [smem:$0x3FA8]  }
0x2a: {  	p0 =	seq.s32 s5, $0x0;
	s5 =	sld [smem:$0x3FA9]  }
0x2b: {  	s6 =	sld [smem:$0x3FAA]  }
0x2c: {  	s7 =	sld [smem:$0x3FAB]  }
0x2d: {  	s3 =	simm.s32 $0x108;
	s8 =	sld [smem:$0x3FAC]  }
0x2e: {  	s3 =	simm.s32 @!p0 $0x1082;
	s9 =	sld [smem:$0x3FAD]  }
0x2f: {  	lr =	sadd.s32 s0, s3;
	s0 =	sld [smem:$0x3FA4]  }
0x30: {  	s3 =	sld [smem:$0x3FA7]  }
0x31: {  	[smem:$0x3FB0] =	sst s10  }
0x32: {  	s10 =	sld [smem:$0x3FAE];
	_ =	sdelay $0x3  }
0x33: {  	p0 =	seq.s32 s10, $0x1;
	s10 =	sld [smem:$0x3FB0];
	_ =	sdelay $0x3  }
0x34: {  	[smem:$0x3FB0] =	sst s10  }
0x35: {  	s10 =	sld [smem:$0x3FAF];
	_ =	sdelay $0x3  }
0x36: {  	p1 =	seq.s32 s10, $0x1;
	s10 =	sld [smem:$0x3FB0];
	_ =	sdelay $0x3  }
0x37: {  	[smem:$0x3FB0] =	sst s10  }
0x38: {  	s10 =	sld [smem:$0x3FB1]  }
0x39: {  	_ = 	snop;
	(pc) =	sbr.ind lr, $3  }
0x3a: {  	_ = 	snop  }
0x3b: {  	_ = 	snop  }
0x3c: {  	p2 =	seq.s32 s10, $0x1;
	s10 =	sld [smem:$0x3FB0]  }
0x3d: {  	_ =	shalt  }
0x3e: {  	_ =	shalt  }
0x3f: {  	_ =	shalt  }
0x40: {  	_ =	shalt  }
0x41: {  	_ =	shalt  }
0x42: {  	_ =	shalt  }
0x43: {  	_ =	shalt  }
0x44: {  	_ =	shalt  }
0x45: {  	_ =	shalt  }
0x46: {  	_ =	shalt  }
0x47: {  	_ =	shalt  }
0x48: {  	_ =	shalt  }
0x49: {  	_ =	shalt  }
0x4a: {  	_ =	shalt  }
0x4b: {  	_ =	shalt  }
0x4c: {  	_ =	shalt  }
0x4d: {  	_ =	shalt  }
0x4e: {  	_ =	shalt  }
0x4f: {  	_ =	shalt  }
0x50: {  	_ =	shalt  }
0x51: {  	_ =	shalt  }
0x52: {  	_ =	shalt  }
0x53: {  	_ =	shalt  }
0x54: {  	_ =	shalt  }
0x55: {  	_ =	shalt  }
0x56: {  	_ =	shalt  }
0x57: {  	_ =	shalt  }
0x58: {  	_ =	shalt  }
0x59: {  	_ =	shalt  }
0x5a: {  	_ =	shalt  }
0x5b: {  	_ =	shalt  }
0x5c: {  	_ =	shalt  }
0x5d: {  	_ =	shalt  }
0x5e: {  	_ =	shalt  }
0x5f: {  	_ =	shalt  }
0x60: {  	_ =	shalt  }
0x61: {  	_ =	shalt  }
0x62: {  	_ =	shalt  }
0x63: {  	_ =	shalt  }
0x64: {  	_ =	shalt  }
0x65: {  	_ =	shalt  }
0x66: {  	_ =	shalt  }
0x67: {  	_ =	shalt  }
0x68: {  	_ =	shalt  }
0x69: {  	_ =	shalt  }
0x6a: {  	_ =	shalt  }
0x6b: {  	_ =	shalt  }
0x6c: {  	_ =	shalt  }
0x6d: {  	_ =	shalt  }
0x6e: {  	_ =	shalt  }
0x6f: {  	_ =	shalt  }
0x70: {  	_ =	shalt  }
0x71: {  	_ =	shalt  }
0x72: {  	_ =	shalt  }
0x73: {  	_ =	shalt  }
0x74: {  	_ =	shalt  }
0x75: {  	_ =	shalt  }
0x76: {  	_ =	shalt  }
0x77: {  	_ =	shalt  }
0x78: {  	_ =	shalt  }
0x79: {  	_ =	shalt  }
0x7a: {  	_ =	shalt  }
0x7b: {  	_ =	shalt  }
0x7c: {  	_ =	shalt  }
0x7d: {  	_ =	shalt  }
0x7e: {  	_ =	shalt  }
0x7f: {  	_ =	shalt  }
0x80: {  	_ =	shalt  }
0x81: {  	_ =	shalt  }
0x82: {  	_ =	shalt  }
0x83: {  	_ =	shalt  }
0x84: {  	_ =	shalt  }
0x85: {  	_ =	shalt  }
0x86: {  	_ =	shalt  }
0x87: {  	_ =	shalt  }
.Lfunc_end0:
.L_simem_size_0:
called_computation.2_lowered:
.L_overlay_start_0:
0x88: {  	s2 =	sld [smem:$0x3FD9]  }
0x89: {  	s3 =	sld [smem:$0x3FFE];
	_ =	sdelay $0x1  }
0x8a: {  	s1 =	srdreg.scid  }
0x8b: {  	s0 =	sand.u32 $0x1, s1  }
0x8c: {  	s17 =	sshll.u32 s0, $0xA;
	s2 =	sadd.s32 s3, s2  }
0x8d: {  	s2 =	sadd.s32 s2, s17  }
0x8e: {  	[smem:$0x3FBC] =	sst s2  }
0x8f: {  	_ = 	snop  }
0x90: {  	s2 =	sld [smem:$0x3FD0];
	(tm) =	ssettm $0x1  }
0x91: {  	s18 =	sld [smem:$0x3FFB];
	_ =	sdelay $0x3  }
0x92: {  	_ =	strace s18  }
0x93: {  	s3 =	sld [smem:$0x3FFC];
	_ =	sdelay $0x3  }
0x94: {  	_ =	strace s3  }
0x95: {  	s3 =	sld [smem:$0x3FFD];
	_ =	sdelay $0x3  }
0x96: {  	_ =	strace s3  }
0x97: {  	_ =	strace $0x8FFFFFFF  }
0x98: {  	s19 =	sld [smem:$0x3FDB];
	_ =	sdelay $0x1  }
0x99: {  	s4 =	simm.s32 $_scs_section_size  }
0x9a: {  	s5 =	simm.s32 $_size__tile_overlayer_lowered;
	s6 =	simm.s32 $_tile_overlayer_lowered  }
0x9b: {  	s22 =	simm.s32 $0x1BFF;
	s21 =	sshll.u32 s6, $0x1;
	s3 =	sadd.s32 s4, s19  }
0x9c: {  	s7 =	simm.s32 $0x0;
	s20 =	sshll.u32 s5, $0x1;
	s5 =	sadd.s32 s21, s3  }
0x9d: {  	[timem:s7], [sflag:s22] =	dma.local [hbm:s5], s20  }
0x9e: {  	_ =	swait.ge [sflag:s22], s20  }
0x9f: {  	s4 =	ssub.s32 $0x0, s20;
	[sflag:s22] =	ssyncset.done $0x0  }
0xa0: {  	[sflag:s22] =	ssyncadd.s32 s4;
	_ =	sdelay $0x1  }
0xa1: {  	s23 =	simm.s32 $0x1B8B  }
0xa2: {  	_ =	swait.ge [sflag:s23], $0x1  }
0xa3: {  	[sflag:s23] =	ssyncset.done $0x0  }
0xa4: {  	s25 =	simm.s32 $0x1B8E;
	s24 =	sld [smem:$0x3FFE];
	[sflag:s23] =	ssyncadd.s32 $0xFFFFFFFF  }
0xa5: {  	s26 =	simm.s32 $execute0_lowered;
	[smem:$0x3FD2] =	sst s25  }
0xa6: {  	s5 =	sshll.u32 s26, $0x1;
	_ =	strace $0x8000004C;
	[dreg:$0x1] =	wrdreg $0xFFFFFFFF  }
0xa7: {  	s28 =	simm.s32 $_size_execute0_lowered;
	s3 =	sadd.s32 s3, s5;
	[dreg:$0x0] =	wrdreg $0x0  }
0xa8: {  	s5 =	sshll.u32 s28, $0x1;
	[dreg:$0x2] =	wrdreg s3  }
0xa9: {  	[dreg:$0x3] =	wrdreg s5  }
0xaa: {  	[dreg:$0x4] =	wrdreg $0xC0  }
0xab: {  	_ =	task [dreg:s7], $0x5FFFF  }
0xac: {  	[dreg:$0x1] =	wrdreg $0xFFFFFFFF  }
0xad: {  	[dreg:$0x0] =	wrdreg $0x60  }
0xae: {  	[dreg:$0x2] =	wrdreg s24  }
0xaf: {  	[dreg:$0x3] =	wrdreg s2  }
0xb0: {  	[dreg:$0x4] =	wrdreg $0xAF000  }
0xb1: {  	[dreg:$0x5] =	wrdreg $0x9  }
0xb2: {  	_ =	task.clear_ibuf [dreg:s7], $0x6FFFF;
	_ =	strace $0x9000004C  }
0xb3: {  	s29 =	simm.s32 $0x9;
	_ =	strace $0x8000004E  }
0xb4: {  	_ =	swait.ge [sflag:s29], $0x1  }
0xb5: {  	[sflag:s29] =	ssyncadd.s32 $0xFFFFFFFF  }
0xb6: {  	_ =	strace $0x9000004E  }
0xb7: {  	_ =	sfence  }
0xb8: {  	s30 =	sld [smem:$0x0];
	_ =	sdelay $0x2  }
0xb9: {  	s31 =	sshll.u32 s1, $0xD;
	s1 =	sshrl.u32 s1, $0x2  }
0xba: {  	s3 =	sand.u32 $0x4000, s31;
	s1 =	sadd.s32 s1, s30  }
0xbb: {  	s0 =	sor.u32 s3, s0;
	s1 =	sshll.u32 s1, $0x11  }
0xbc: {  	s0 =	sor.u32 s1, s0  }
0xbd: {  	s0 =	sadd.s32 $0x8F2B, s0  }
0xbe: {  	[sflag:s0] =	ssyncadd.remote.s32 $0x1  }
0xbf: {  	_ =	sfence.sel $0xFFFF  }
0xc0: {  	[dreg:$0x0] =	wrdreg $0xFFFFFFFF;
	(pc) =	sbr.abs _section_cstart, $3  }
0xc1: {  	[dreg:$0x1] =	wrdreg $0xFFFFFFFF  }
0xc2: {  	_ =	task.clear_ibuf [dreg:s7], $0x2FFFF;
	_ =	strace $0x9FFFFFFF  }
0xc3: {  	(tm) =	ssettm $0x7FFFFFFF  }
tec
execute0_lowered:
.L_overlay_start_1:
0x0: {  	(tag) =	ssettag $0x1  }
0x1: {  	s0 =	rddreg [dreg:$0x0]  }
0x2: {  	s1 =	rddreg [dreg:$0x1]  }
0x3: {  	s2 =	rddreg [dreg:$0x2];
	s7 =	simm.s32 $0x0  }
0x4: {  	s3 =	srdreg.scid;
	s10 =	stileid.u32;
	s18 =	simm.s32 $0x19  }
0x5: {  	s16 =	simm.s32 $0x10;
	s22 =	simm.s32 $0x4F00;
	s31 =	simm.s32 $0x5700  }
0x6: {  	s28 =	simm.s32 $0x2;
	s30 =	simm.s32 $0xD;
	s19 =	simm.s32 $0x4  }
0x7: {  	s14 =	simm.s32 $0x7;
	s13 =	simm.s32 $0xA;
	s20 =	simm.s32 $0x0  }
0x8: {  	s3 =	sand.u32 $0x1, s3;
	s4 =	sshrl.u32 s10, $0x2;
	s24 =	smul.u32 $0x4F000, s10  }
0x9: {  	s5 =	sshll.u32 s10, $0x8;
	[smem:$0x7FF] =	sst s7;
	s25 =	smul.u32 $0x2780, s10  }
0xa: {  	s10 =	sshll.u32 s10, $0x6;
	s4 =	smul.u32 $0x13C00, s4;
	s6 =	sshll.u32 s3, $0x7  }
0xb: {  	s5 =	sand.u32 $0x300, s5;
	_ =	strace $0x8000004D;
	s23 =	ssub.s32 $0x2, s3  }
0xc: {  	p0 =	seq.s32 s3, $0x1;
	s3 =	simm.s32 $0x6AA00;
	s15 =	sor.u32 $0x1C19, s10  }
0xd: {  	s10 =	simm.s32 $0x8;
	s5 =	sor.u32 s6, s5;
	s9 =	sshrl.u32 s23, $0x1  }
0xe: {  	s7 =	sshrl.u32 s24, $0x2;
	s3 =	simm.s32 @!p0 $0x2B400;
	s24 =	simm.s32 $0x6F00  }
0xf: {  	[dreg:$0x5] =	wrdreg s15;
	s4 =	sor.u32 s4, s5;
	s6 =	ssub.s32 s23, s9  }
0x10: {  	s7 =	sadd.s32 s7, s2;
	s23 =	simm.s32 $0x1;
	s9 =	simm.s32 $0x12  }
0x11: {  	s5 =	sshrl.u32 s4, $0x3;
	s4 =	sadd.s32 $0x3C00, s0;
	s29 =	smax.u32 s6, $0x1  }
0x12: {  	s17 =	sshrl.u32 s7, $0x3;
	s7 =	simm.s32 $0x6;
	s6 =	simm.s32 $0xC  }
0x13: {  	s8 =	sadd.s32 s5, s0;
	s11 =	sadd.s32 s4, s25;
	[dreg:$0x8] =	wrdreg s29  }
0x14: {  	s1 =	sadd.s32 s1, s5;
	s0 =	sadd.s32 s3, s0;
	[dreg:$0xa] =	wrdreg s17  }
.Ltmp0:
0x15: {  	s3 =	simm.s32 $0xF;
	[dreg:$0x4] =	wrdreg s11;
	(pc) =	sbr.rel .LBB2_1-.Ltmp0, $4  }
0x16: {  	s5 =	simm.s32 $0x5;
	[dreg:$0x6] =	wrdreg s1;
	s26 =	sadd.s32 $0x60C00, s8  }
0x17: {  	s0 =	sadd.s32 s0, s25;
	s25 =	simm.s32 $0xA700;
	s1 =	simm.s32 $0xE  }
0x18: {  	s8 =	simm.s32 $0x11;
	s11 =	simm.s32 $0x17;
	[dreg:$0x7] =	wrdreg s26  }
0x19: {  	[dreg:$0x9] =	wrdreg s0;
	s26 =	simm.s32 $0x7700;
	s0 =	simm.s32 $0x3  }
.LBB2_4:
0x1a: {  	_ =	swait.ge [sflag:s23], $0x800  }
0x1b: {  	[sflag:s23] =	ssyncset.done $0x0  }
0x1c: {  	s22 =	simm.s32 $0x4F00;
	s12 =	simm.s32 $0x4E80;
	[sflag:s23] =	ssyncadd.s32 $0xFFFFF800  }
0x1d: {  	[spmem:s2] =	stream.indirect.scatter.add.f32 [tilespmem:s22], [sflag:$0xD], $0x80, s12, s16, $0xb8;
	[tilespmem:$0x1EB00] =	vst v63  }
0x1e: {  	_ =	swait.ge [sflag:s28], $0x800  }
0x1f: {  	[sflag:s28] =	ssyncset.done $0x0  }
0x20: {  	s31 =	simm.s32 $0x5700;
	s21 =	simm.s32 $0x4E90;
	[sflag:s28] =	ssyncadd.s32 $0xFFFFF800  }
0x21: {  	[spmem:s2] =	stream.indirect.scatter.add.f32 [tilespmem:s31], [sflag:$0xE], $0x80, s21, s16, $0xb8;
	[tilespmem:$0x1EB00] =	vst v63  }
0x22: {  	_ =	swait.ge [sflag:s0], $0x800  }
0x23: {  	[sflag:s0] =	ssyncset.done $0x0  }
0x24: {  	s29 =	simm.s32 $0x5F00;
	s15 =	simm.s32 $0x4EA0;
	[sflag:s0] =	ssyncadd.s32 $0xFFFFF800  }
0x25: {  	[spmem:s2] =	stream.indirect.scatter.add.f32 [tilespmem:s29], [sflag:$0xF], $0x80, s15, s16, $0xb8;
	[tilespmem:$0x1EB00] =	vst v63  }
0x26: {  	_ =	swait.ge [sflag:s19], $0x800  }
0x27: {  	[sflag:s19] =	ssyncset.done $0x0  }
0x28: {  	s17 =	simm.s32 $0x6700;
	s18 =	simm.s32 $0x4EB0;
	[sflag:s19] =	ssyncadd.s32 $0xFFFFF800  }
0x29: {  	[spmem:s2] =	stream.indirect.scatter.add.f32 [tilespmem:s17], [sflag:$0x10], $0x80, s18, s16, $0xb8;
	[tilespmem:$0x1EB00] =	vst v63  }
0x2a: {  	_ =	swait.ge [sflag:s5], $0x800  }
0x2b: {  	[sflag:s5] =	ssyncset.done $0x0  }
0x2c: {  	s20 =	simm.s32 $0x4EC0;
	[sflag:s5] =	ssyncadd.s32 $0xFFFFF800  }
0x2d: {  	[spmem:s2] =	stream.indirect.scatter.add.f32 [tilespmem:s24], [sflag:$0x11], $0x80, s20, s16, $0xb8;
	[tilespmem:$0x1EB00] =	vst v63  }
0x2e: {  	_ =	swait.ge [sflag:s7], $0x800  }
0x2f: {  	[sflag:s7] =	ssyncset.done $0x0  }
0x30: {  	s21 =	simm.s32 $0x4ED0;
	[sflag:s7] =	ssyncadd.s32 $0xFFFFF800  }
0x31: {  	[spmem:s2] =	stream.indirect.scatter.add.f32 [tilespmem:s26], [sflag:$0x12], $0x80, s21, s16, $0xb8;
	[tilespmem:$0x1EB00] =	vst v63  }
0x32: {  	_ =	swait.ge [sflag:s30], $0x800  }
0x33: {  	[sflag:s30] =	ssyncset.done $0x0  }
0x34: {  	[sflag:s30] =	ssyncadd.s32 $0xFFFFF800  }
0x35: {  	_ =	swait.ge [sflag:s1], $0x800  }
0x36: {  	[sflag:s1] =	ssyncset.done $0x0  }
0x37: {  	[sflag:s1] =	ssyncadd.s32 $0xFFFFF800  }
0x38: {  	_ =	swait.ge [sflag:s3], $0x800  }
0x39: {  	[sflag:s3] =	ssyncset.done $0x0  }
0x3a: {  	[sflag:s3] =	ssyncadd.s32 $0xFFFFF800  }
0x3b: {  	_ =	swait.ge [sflag:s16], $0x800  }
0x3c: {  	[sflag:s16] =	ssyncset.done $0x0  }
0x3d: {  	[sflag:s16] =	ssyncadd.s32 $0xFFFFF800  }
0x3e: {  	_ =	swait.ge [sflag:s8], $0x800  }
0x3f: {  	[sflag:s8] =	ssyncset.done $0x0  }
0x40: {  	[sflag:s8] =	ssyncadd.s32 $0xFFFFF800  }
0x41: {  	_ =	swait.ge [sflag:s9], $0x800  }
0x42: {  	[sflag:s9] =	ssyncset.done $0x0  }
0x43: {  	s29 =	simm.s32 $0x13;
	[sflag:s9] =	ssyncadd.s32 $0xFFFFF800  }
0x44: {  	_ =	swait.ge [sflag:s29], $0x800  }
0x45: {  	[sflag:s29] =	ssyncset.done $0x0  }
0x46: {  	s15 =	simm.s32 $0x14;
	[sflag:s29] =	ssyncadd.s32 $0xFFFFF800  }
0x47: {  	_ =	swait.ge [sflag:s15], $0x800  }
0x48: {  	[sflag:s15] =	ssyncset.done $0x0  }
0x49: {  	s17 =	simm.s32 $0x15;
	[sflag:s15] =	ssyncadd.s32 $0xFFFFF800  }
0x4a: {  	_ =	swait.ge [sflag:s17], $0x800  }
0x4b: {  	[sflag:s17] =	ssyncset.done $0x0  }
0x4c: {  	s18 =	simm.s32 $0x16;
	[sflag:s17] =	ssyncadd.s32 $0xFFFFF800  }
0x4d: {  	_ =	swait.ge [sflag:s18], $0x800  }
0x4e: {  	[sflag:s18] =	ssyncset.done $0x0  }
0x4f: {  	[sflag:s18] =	ssyncadd.s32 $0xFFFFF800  }
0x50: {  	_ =	swait.ge [sflag:s11], $0x800  }
0x51: {  	[sflag:s11] =	ssyncset.done $0x0  }
0x52: {  	s20 =	simm.s32 $0x18;
	[sflag:s11] =	ssyncadd.s32 $0xFFFFF800  }
0x53: {  	_ =	swait.ge [sflag:s20], $0x800  }
0x54: {  	[sflag:s20] =	ssyncset.done $0x0  }
0x55: {  	[sflag:s20] =	ssyncadd.s32 $0xFFFFF800  }
0x56: {  	[bflag:$0x0] =	sbarrier.arrive $0xFFFF  }
0x57: {  	s15 =	rddreg [dreg:$0x5]  }
0x58: {  	s21 =	rddreg [dreg:$0x9]  }
0x59: {  	s18 =	simm.s32 $0x19;
	s17 =	rddreg [dreg:$0xa]  }
0x5a: {  	[hbm:s21], [sflag:s15] =	dma.local [spmem:s17], $0x2780  }
0x5b: {  	_ =	swait.ge [sflag:s18], $0x2780  }
0x5c: {  	s20 =	rddreg [dreg:$0xb]  }
0x5d: {  	s29 =	rddreg [dreg:$0x8];
	s20 =	sadd.s32 $0x1, s20  }
0x5e: {  	p0 =	sne.s32 s20, s29  }
.Ltmp1:
0x5f: {  	_ = 	snop;
	(pc) =	sbr.rel @!p0 .LBB2_5-.Ltmp1, $3  }
0x60: {  	_ =	sdelay $0x1  }
0x61: {  	[sflag:s18] =	ssyncset.done $0x0  }
0x62: {  	[sflag:s18] =	ssyncadd.s32 $0xFFFFD880  }
.LBB2_1:
0x63: {  	[dreg:$0xb] =	wrdreg s20  }
0x64: {  	s12 =	rddreg [dreg:$0x4]  }
0x65: {  	[spmem:s17], [sflag:s15] =	dma.local [hbm:s12], $0x2780  }
0x66: {  	_ =	swait.ge [sflag:s18], $0x2780  }
0x67: {  	[sflag:s18] =	ssyncset.done $0x0  }
0x68: {  	[sflag:s18] =	ssyncadd.s32 $0xFFFFD880  }
0x69: {  	s20 =	simm.s32 $0x400;
	[bflag:$0x0] =	sbarrier.arrive $0xFFFF  }
0x6a: {  	s12 =	simm.s32 $0x0;
	s17 =	simm.s32 $0x80;
	s21 =	rddreg [dreg:$0x6]  }
0x6b: {  	[tilespmem:s12], [sflag:$0x19] =	stream.strided.gather [hbm4b:s21+s17], $0x2780, s20, s17, $0x38;
	[tilespmem:$0x1EB00] =	vst v63  }
0x6c: {  	_ =	swait.ge [sflag:s18], $0x2780  }
0x6d: {  	[sflag:s18] =	ssyncset.done $0x0  }
0x6e: {  	s21 =	simm.s32 $0x2780;
	s29 =	rddreg [dreg:$0x7];
	[sflag:s18] =	ssyncadd.s32 $0xFFFFD880  }
0x6f: {  	[tilespmem:s21], [sflag:$0x19] =	stream.strided.gather [hbm4b:s29+s17], $0x2780, s20, s17, $0x38;
	[tilespmem:$0x1EB00] =	vst v63  }
0x70: {  	_ =	swait.ge [sflag:s18], $0x2780  }
0x71: {  	[sflag:s18] =	ssyncset.done $0x0  }
0x72: {  	[sflag:s18] =	ssyncadd.s32 $0xFFFFD880  }
0x73: {  	[tilespmem:s22], [sflag:$0x1] =	stream.indirect.gather [hbm4b:s4+s16], $0x80, s12, s16, $0xb8;
	[tilespmem:$0x1EB00] =	vst v63  }
0x74: {  	_ = 	snop  }
0x75: {  	[tilespmem:s31], [sflag:$0x2] =	stream.indirect.gather [hbm4b:s4+s16], $0x80, s16, s16, $0xb8;
	[tilespmem:$0x1EB00] =	vst v63  }
0x76: {  	s15 =	simm.s32 $0x5F00;
	s18 =	simm.s32 $0x20  }
0x77: {  	[tilespmem:s15], [sflag:$0x3] =	stream.indirect.gather [hbm4b:s4+s16], $0x80, s18, s16, $0xb8;
	[tilespmem:$0x1EB00] =	vst v63  }
0x78: {  	s20 =	simm.s32 $0x6700;
	s21 =	simm.s32 $0x30  }
0x79: {  	[tilespmem:s20], [sflag:$0x4] =	stream.indirect.gather [hbm4b:s4+s16], $0x80, s21, s16, $0xb8;
	[tilespmem:$0x1EB00] =	vst v63  }
0x7a: {  	s29 =	simm.s32 $0x40  }
0x7b: {  	[tilespmem:s24], [sflag:$0x5] =	stream.indirect.gather [hbm4b:s4+s16], $0x80, s29, s16, $0xb8;
	[tilespmem:$0x1EB00] =	vst v63  }
0x7c: {  	s18 =	simm.s32 $0x50  }
0x7d: {  	[tilespmem:s26], [sflag:$0x6] =	stream.indirect.gather [hbm4b:s4+s16], $0x80, s18, s16, $0xb8;
	[tilespmem:$0x1EB00] =	vst v63  }
0x7e: {  	s21 =	simm.s32 $0x60;
	s29 =	simm.s32 $0x7F00  }
0x7f: {  	[tilespmem:s29], [sflag:$0x7] =	stream.indirect.gather [hbm4b:s4+s16], $0x80, s21, s16, $0xb8;
	[tilespmem:$0x1EB00] =	vst v63  }
0x80: {  	s18 =	simm.s32 $0x70;
	s21 =	simm.s32 $0x8700  }
0x81: {  	[tilespmem:s21], [sflag:$0x8] =	stream.indirect.gather [hbm4b:s4+s16], $0x80, s18, s16, $0xb8;
	[tilespmem:$0x1EB00] =	vst v63  }
0x82: {  	s29 =	simm.s32 $0x8F00  }
0x83: {  	[tilespmem:s29], [sflag:$0x9] =	stream.indirect.gather [hbm4b:s4+s16], $0x80, s17, s16, $0xb8;
	[tilespmem:$0x1EB00] =	vst v63  }
0x84: {  	s18 =	simm.s32 $0x9700;
	s17 =	simm.s32 $0x90  }
0x85: {  	[tilespmem:s18], [sflag:$0xA] =	stream.indirect.gather [hbm4b:s4+s16], $0x80, s17, s16, $0xb8;
	[tilespmem:$0x1EB00] =	vst v63  }
0x86: {  	s12 =	simm.s32 $0x0;
	s21 =	simm.s32 $0xA0;
	s29 =	simm.s32 $0x9F00  }
0x87: {  	[tilespmem:s29], [sflag:$0xB] =	stream.indirect.gather [hbm4b:s4+s16], $0x80, s21, s16, $0xb8;
	[tilespmem:$0x1EB00] =	vst v63  }
.LBB2_2:
0x88: {  	_ =	swait.ge [sflag:s23], $0x800  }
0x89: {  	s21 =	sshra.s32 s12, $0x2;
	[sflag:s23] =	ssyncset.done $0x0  }
0x8a: {  	p0 =	seq.s32 s12, $0x0;
	s29 =	sadd.s32 $0x2780, s21;
	[sflag:s23] =	ssyncadd.s32 $0xFFFFF800  }
0x8b: {  	[spmem:s2] =	stream.indirect.scatter.add.f32 [tilespmem:s22], [sflag:$0xD], $0x80, s29, s16, $0xb8;
	[tilespmem:$0x1EB00] =	vst v63  }
0x8c: {  	s29 =	simm.s32 @!p0 $0x18  }
0x8d: {  	_ =	swait.ge @!p0 [sflag:s29], $0x800  }
0x8e: {  	[sflag:s29] =	ssyncset.done @!p0 $0x0  }
0x8f: {  	s18 =	sadd.s32 $0xB0, s21;
	[sflag:s29] =	ssyncadd.s32 @!p0 $0xFFFFF800  }
0x90: {  	[tilespmem:s25], [sflag:$0xC] =	stream.indirect.gather [hbm4b:s4+s16], $0x80, s18, s16, $0xb8;
	[tilespmem:$0x1EB00] =	vst v63  }
0x91: {  	_ =	swait.ge [sflag:s28], $0x800  }
0x92: {  	[sflag:s28] =	ssyncset.done $0x0  }
0x93: {  	s17 =	sadd.s32 $0x2790, s21;
	[sflag:s28] =	ssyncadd.s32 $0xFFFFF800  }
0x94: {  	[spmem:s2] =	stream.indirect.scatter.add.f32 [tilespmem:s31], [sflag:$0xE], $0x80, s17, s16, $0xb8;
	[tilespmem:$0x1EB00] =	vst v63  }
0x95: {  	_ =	swait.ge [sflag:s30], $0x800  }
0x96: {  	[sflag:s30] =	ssyncset.done $0x0  }
0x97: {  	s18 =	sadd.s32 $0xC0, s21;
	[sflag:s30] =	ssyncadd.s32 $0xFFFFF800  }
0x98: {  	[tilespmem:s22], [sflag:$0x1] =	stream.indirect.gather [hbm4b:s4+s16], $0x80, s18, s16, $0xb8;
	[tilespmem:$0x1EB00] =	vst v63  }
0x99: {  	_ =	swait.ge [sflag:s0], $0x800  }
0x9a: {  	[sflag:s0] =	ssyncset.done $0x0  }
0x9b: {  	s17 =	sadd.s32 $0x27A0, s21;
	[sflag:s0] =	ssyncadd.s32 $0xFFFFF800  }
0x9c: {  	[spmem:s2] =	stream.indirect.scatter.add.f32 [tilespmem:s15], [sflag:$0xF], $0x80, s17, s16, $0xb8;
	[tilespmem:$0x1EB00] =	vst v63  }
0x9d: {  	_ =	swait.ge [sflag:s1], $0x800  }
0x9e: {  	[sflag:s1] =	ssyncset.done $0x0  }
0x9f: {  	s18 =	sadd.s32 $0xD0, s21;
	[sflag:s1] =	ssyncadd.s32 $0xFFFFF800  }
0xa0: {  	[tilespmem:s31], [sflag:$0x2] =	stream.indirect.gather [hbm4b:s4+s16], $0x80, s18, s16, $0xb8;
	[tilespmem:$0x1EB00] =	vst v63  }
0xa1: {  	_ =	swait.ge [sflag:s19], $0x800  }
0xa2: {  	[sflag:s19] =	ssyncset.done $0x0  }
0xa3: {  	s22 =	sadd.s32 $0x27B0, s21;
	[sflag:s19] =	ssyncadd.s32 $0xFFFFF800  }
0xa4: {  	[spmem:s2] =	stream.indirect.scatter.add.f32 [tilespmem:s20], [sflag:$0x10], $0x80, s22, s16, $0xb8;
	[tilespmem:$0x1EB00] =	vst v63  }
0xa5: {  	_ =	swait.ge [sflag:s3], $0x800  }
0xa6: {  	[sflag:s3] =	ssyncset.done $0x0  }
0xa7: {  	s31 =	sadd.s32 $0xE0, s21;
	[sflag:s3] =	ssyncadd.s32 $0xFFFFF800  }
0xa8: {  	[tilespmem:s15], [sflag:$0x3] =	stream.indirect.gather [hbm4b:s4+s16], $0x80, s31, s16, $0xb8;
	[tilespmem:$0x1EB00] =	vst v63  }
0xa9: {  	_ =	swait.ge [sflag:s5], $0x800  }
0xaa: {  	[sflag:s5] =	ssyncset.done $0x0  }
0xab: {  	s17 =	sadd.s32 $0x27C0, s21;
	[sflag:s5] =	ssyncadd.s32 $0xFFFFF800  }
0xac: {  	[spmem:s2] =	stream.indirect.scatter.add.f32 [tilespmem:s24], [sflag:$0x11], $0x80, s17, s16, $0xb8;
	[tilespmem:$0x1EB00] =	vst v63  }
0xad: {  	_ =	swait.ge [sflag:s16], $0x800  }
0xae: {  	[sflag:s16] =	ssyncset.done $0x0  }
0xaf: {  	s18 =	sadd.s32 $0xF0, s21;
	[sflag:s16] =	ssyncadd.s32 $0xFFFFF800  }
0xb0: {  	[tilespmem:s20], [sflag:$0x4] =	stream.indirect.gather [hbm4b:s4+s16], $0x80, s18, s16, $0xb8;
	[tilespmem:$0x1EB00] =	vst v63  }
0xb1: {  	_ =	swait.ge [sflag:s7], $0x800  }
0xb2: {  	[sflag:s7] =	ssyncset.done $0x0  }
0xb3: {  	s22 =	sadd.s32 $0x27D0, s21;
	[sflag:s7] =	ssyncadd.s32 $0xFFFFF800  }
0xb4: {  	[spmem:s2] =	stream.indirect.scatter.add.f32 [tilespmem:s26], [sflag:$0x12], $0x80, s22, s16, $0xb8;
	[tilespmem:$0x1EB00] =	vst v63  }
0xb5: {  	_ =	swait.ge [sflag:s8], $0x800  }
0xb6: {  	[sflag:s8] =	ssyncset.done $0x0  }
0xb7: {  	s31 =	sadd.s32 $0x100, s21;
	[sflag:s8] =	ssyncadd.s32 $0xFFFFF800  }
0xb8: {  	[tilespmem:s24], [sflag:$0x5] =	stream.indirect.gather [hbm4b:s4+s16], $0x80, s31, s16, $0xb8;
	[tilespmem:$0x1EB00] =	vst v63  }
0xb9: {  	_ =	swait.ge [sflag:s14], $0x800  }
0xba: {  	[sflag:s14] =	ssyncset.done $0x0  }
0xbb: {  	s15 =	sadd.s32 $0x27E0, s21;
	s17 =	simm.s32 $0x7F00;
	[sflag:s14] =	ssyncadd.s32 $0xFFFFF800  }
0xbc: {  	[spmem:s2] =	stream.indirect.scatter.add.f32 [tilespmem:s17], [sflag:$0x13], $0x80, s15, s16, $0xb8;
	[tilespmem:$0x1EB00] =	vst v63  }
0xbd: {  	_ =	swait.ge [sflag:s9], $0x800  }
0xbe: {  	[sflag:s9] =	ssyncset.done $0x0  }
0xbf: {  	s18 =	sadd.s32 $0x110, s21;
	[sflag:s9] =	ssyncadd.s32 $0xFFFFF800  }
0xc0: {  	[tilespmem:s26], [sflag:$0x6] =	stream.indirect.gather [hbm4b:s4+s16], $0x80, s18, s16, $0xb8;
	[tilespmem:$0x1EB00] =	vst v63  }
0xc1: {  	p0 =	seq.s32 s12, $0x9900;
	_ =	swait.ge [sflag:s10], $0x800  }
0xc2: {  	s29 =	simm.s32 @p0 $0x9;
	[sflag:s10] =	ssyncset.done $0x0  }
0xc3: {  	s20 =	sadd.s32 $0x27F0, s21;
	s22 =	simm.s32 $0x8700;
	[sflag:s10] =	ssyncadd.s32 $0xFFFFF800  }
0xc4: {  	[spmem:s2] =	stream.indirect.scatter.add.f32 [tilespmem:s22], [sflag:$0x14], $0x80, s20, s16, $0xb8;
	[tilespmem:$0x1EB00] =	vst v63  }
0xc5: {  	_ =	swait.ge @p0 [sflag:s29], $0x800  }
0xc6: {  	[sflag:s29] =	ssyncset.done @p0 $0x0  }
0xc7: {  	[sflag:s29] =	ssyncadd.s32 @p0 $0xFFFFF800;
	s29 =	sshra.s32 @p0 s12, $0x2  }
0xc8: {  	s15 =	simm.s32 @p0 $0x10;
	s17 =	simm.s32 @p0 $0x8F00;
	s31 =	sadd.s32 @p0 $0x2800, s29  }
0xc9: {  	[spmem:s2] =	stream.indirect.scatter.add.f32 @p0 [tilespmem:s17], [sflag:$0x15], $0x80, s31, s15, $0xb8;
	[tilespmem:$0x1EB00] =	vst v63  }
0xca: {  	s17 =	simm.s32 @!p0 $0x13  }
0xcb: {  	_ =	swait.ge @!p0 [sflag:s17], $0x800  }
0xcc: {  	[sflag:s17] =	ssyncset.done @!p0 $0x0  }
0xcd: {  	[sflag:s17] =	ssyncadd.s32 @!p0 $0xFFFFF800;
	s17 =	sshra.s32 @!p0 s12, $0x2  }
0xce: {  	s18 =	simm.s32 @!p0 $0x10;
	s20 =	simm.s32 @!p0 $0x7F00;
	s31 =	sadd.s32 @!p0 $0x120, s17  }
0xcf: {  	[tilespmem:s20], [sflag:$0x7] =	stream.indirect.gather @!p0 [hbm4b:s4+s18], $0x80, s31, s18, $0xb8;
	[tilespmem:$0x1EB00] =	vst v63  }
0xd0: {  	s20 =	simm.s32 @!p0 $0x9  }
0xd1: {  	_ =	swait.ge @!p0 [sflag:s20], $0x800  }
0xd2: {  	[sflag:s20] =	ssyncset.done @!p0 $0x0  }
0xd3: {  	s31 =	simm.s32 @!p0 $0x8F00;
	[sflag:s20] =	ssyncadd.s32 @!p0 $0xFFFFF800;
	s20 =	sadd.s32 @!p0 $0x2800, s17  }
0xd4: {  	[spmem:s2] =	stream.indirect.scatter.add.f32 @!p0 [tilespmem:s31], [sflag:$0x15], $0x80, s20, s18, $0xb8;
	[tilespmem:$0x1EB00] =	vst v63  }
0xd5: {  	s20 =	simm.s32 @!p0 $0x14  }
0xd6: {  	_ =	swait.ge @!p0 [sflag:s20], $0x800  }
0xd7: {  	[sflag:s20] =	ssyncset.done @!p0 $0x0  }
0xd8: {  	s22 =	simm.s32 @!p0 $0x8700;
	[sflag:s20] =	ssyncadd.s32 @!p0 $0xFFFFF800;
	s20 =	sadd.s32 @!p0 $0x130, s17  }
0xd9: {  	[tilespmem:s22], [sflag:$0x8] =	stream.indirect.gather @!p0 [hbm4b:s4+s18], $0x80, s20, s18, $0xb8;
	[tilespmem:$0x1EB00] =	vst v63  }
0xda: {  	_ =	swait.ge [sflag:s13], $0x800  }
0xdb: {  	[sflag:s13] =	ssyncset.done $0x0  }
0xdc: {  	s20 =	sadd.s32 $0x2810, s21;
	s22 =	simm.s32 $0x9700;
	[sflag:s13] =	ssyncadd.s32 $0xFFFFF800  }
0xdd: {  	[spmem:s2] =	stream.indirect.scatter.add.f32 [tilespmem:s22], [sflag:$0x16], $0x80, s20, s16, $0xb8;
	[tilespmem:$0x1EB00] =	vst v63  }
0xde: {  	s20 =	simm.s32 @p0 $0xB  }
0xdf: {  	_ =	swait.ge @p0 [sflag:s20], $0x800  }
0xe0: {  	[sflag:s20] =	ssyncset.done @p0 $0x0  }
0xe1: {  	s22 =	simm.s32 @p0 $0x9F00;
	[sflag:s20] =	ssyncadd.s32 @p0 $0xFFFFF800;
	s20 =	sadd.s32 @p0 $0x2820, s29  }
0xe2: {  	[spmem:s2] =	stream.indirect.scatter.add.f32 @p0 [tilespmem:s22], [sflag:$0x17], $0x80, s20, s15, $0xb8;
	[tilespmem:$0x1EB00] =	vst v63  }
0xe3: {  	s15 =	simm.s32 @!p0 $0x15  }
0xe4: {  	_ =	swait.ge @!p0 [sflag:s15], $0x800  }
0xe5: {  	[sflag:s15] =	ssyncset.done @!p0 $0x0  }
0xe6: {  	[sflag:s15] =	ssyncadd.s32 @!p0 $0xFFFFF800;
	s15 =	sadd.s32 @!p0 $0x140, s17  }
0xe7: {  	[tilespmem:s31], [sflag:$0x9] =	stream.indirect.gather @!p0 [hbm4b:s4+s18], $0x80, s15, s18, $0xb8;
	[tilespmem:$0x1EB00] =	vst v63  }
0xe8: {  	s15 =	simm.s32 @!p0 $0xB  }
0xe9: {  	_ =	swait.ge @!p0 [sflag:s15], $0x800  }
0xea: {  	[sflag:s15] =	ssyncset.done @!p0 $0x0  }
0xeb: {  	s20 =	simm.s32 @!p0 $0x9F00;
	[sflag:s15] =	ssyncadd.s32 @!p0 $0xFFFFF800;
	s15 =	sadd.s32 @!p0 $0x2820, s17  }
0xec: {  	[spmem:s2] =	stream.indirect.scatter.add.f32 @!p0 [tilespmem:s20], [sflag:$0x17], $0x80, s15, s18, $0xb8;
	[tilespmem:$0x1EB00] =	vst v63  }
0xed: {  	s15 =	simm.s32 @!p0 $0x16  }
0xee: {  	_ =	swait.ge @!p0 [sflag:s15], $0x800  }
0xef: {  	[sflag:s15] =	ssyncset.done @!p0 $0x0  }
0xf0: {  	[sflag:s15] =	ssyncadd.s32 @!p0 $0xFFFFF800;
	s15 =	sadd.s32 @!p0 $0x150, s17;
	s17 =	simm.s32 @!p0 $0x9700  }
0xf1: {  	[tilespmem:s17], [sflag:$0xA] =	stream.indirect.gather @!p0 [hbm4b:s4+s18], $0x80, s15, s18, $0xb8;
	[tilespmem:$0x1EB00] =	vst v63  }
.Ltmp2:
0xf2: {  	_ = 	snop;
	(pc) =	sbr.rel @p0 .LBB2_4-.Ltmp2, $4  }
0xf3: {  	_ =	swait.ge [sflag:s6], $0x800  }
0xf4: {  	[sflag:s6] =	ssyncset.done $0x0  }
0xf5: {  	s31 =	sadd.s32 $0x2830, s21;
	[sflag:s6] =	ssyncadd.s32 $0xFFFFF800  }
0xf6: {  	[spmem:s2] =	stream.indirect.scatter.add.f32 [tilespmem:s25], [sflag:$0x18], $0x80, s31, s16, $0xb8;
	[tilespmem:$0x1EB00] =	vst v63  }
.Ltmp3:
0xf7: {  	_ =	swait.ge [sflag:s11], $0x800;
	(pc) =	sbr.rel .LBB2_2-.Ltmp3, $4  }
0xf8: {  	s15 =	sadd.s32 $0x160, s21;
	s17 =	simm.s32 $0x9F00;
	[sflag:s11] =	ssyncset.done $0x0  }
0xf9: {  	s12 =	sadd.s32 $0x300, s12;
	s22 =	simm.s32 $0x4F00;
	[sflag:s11] =	ssyncadd.s32 $0xFFFFF800  }
0xfa: {  	[tilespmem:s17], [sflag:$0xB] =	stream.indirect.gather [hbm4b:s4+s16], $0x80, s15, s16, $0xb8;
	[tilespmem:$0x1EB00] =	vst v63  }
0xfb: {  	s31 =	simm.s32 $0x5700;
	s20 =	simm.s32 $0x6700;
	s15 =	simm.s32 $0x5F00  }
.LBB2_5:
0xfc: {  	_ =	sfence.sel $0x180000  }
0xfd: {  	[bflag:$0x0] =	sbarrier.arrive $0xFFFF  }
0xfe: {  	_ =	strace $0x9000004D  }
0xff: {  	s0 =	stileid.u32;
	[bflag:$0x2] =	sbarrier.arrive $0xFFFF  }
0x100: {  	p0 =	sne.s32 s0, $0x0;
	s0 =	rddreg [dreg:$0x3]  }
0x101: {  	s0 =	sadd.s32 @!p0 $0x100000, s0  }
0x102: {  	[sflag:s0] =	ssyncadd.tile.s32 @!p0 $0x1;
	_ =	shalt  }
.Lfunc_end2:
_tile_overlayer_lowered:
.L_overlay_start_2:
0x103: {  	(tag) =	ssettag $0x2  }
0x104: {  	s0 =	rddreg [dreg:$0x0];
	s2 =	stileid.u32  }
0x105: {  	s1 =	rddreg [dreg:$0x1];
	p0 =	sne.s32 s2, $0x0  }
0x106: {  	s3 =	rddreg [dreg:$0x2];
	[bflag:$0x3] =	sbarrier.arrive $0xFFFF;
	s2 =	simm.s32 @!p0 $0x1C19  }
0x107: {  	[timem:s3], [sflag:s2] =	dma.local @!p0 [hbm:s0], s1  }
0x108: {  	s0 =	simm.s32 @!p0 $0x19  }
0x109: {  	_ =	swait.ge @!p0 [sflag:s0], s1  }
0x10a: {  	s1 =	ssub.s32 @!p0 $0x0, s1;
	[sflag:s0] =	ssyncset.done @!p0 $0x0  }
0x10b: {  	[sflag:s0] =	ssyncadd.s32 @!p0 s1  }
0x10c: {  	[bflag:$0x3] =	sbarrier.arrive $0xFFFF  }
0x10d: {  	_ =	shalt  }

// kernel: kernel.8.cloned.1.call-start
scs
__scs_entry_jumppad:
0x0: {  	(pc) =	sbr.rel $0x88, $3  }
0x1: {  	(tag) =	ssettag $0x0;
	lr =	simm.s32 $0x1  }
0x2: {  	[smem:$0x3F95] =	sst lr;
	_ =	strace $0xD0000000  }
0x3: {  	_ = 	snop  }
0x4: {  	_ = 	snop  }
0x5: {  	_ = 	snop  }
0x6: {  	_ = 	snop  }
0x7: {  	_ = 	snop  }
__scs_overlays_trampoline_lowered:
0x8: {  	[smem:$0x3FA4] =	sst s0  }
0x9: {  	[smem:$0x3FA5] =	sst s1  }
0xa: {  	[smem:$0x3FA6] =	sst s2  }
0xb: {  	[smem:$0x3FA7] =	sst s3  }
0xc: {  	[smem:$0x3FA8] =	sst s4  }
0xd: {  	[smem:$0x3FA9] =	sst s5  }
0xe: {  	[smem:$0x3FAA] =	sst s6  }
0xf: {  	[smem:$0x3FAB] =	sst s7  }
0x10: {  	[smem:$0x3FAC] =	sst s8  }
0x11: {  	[smem:$0x3FAD] =	sst s9;
	s0 =	simm.s32 @!p0 $0x0  }
0x12: {  	s1 =	sld [smem:$0x3F93];
	s0 =	simm.s32 @p0 $0x1  }
0x13: {  	[smem:$0x3FAE] =	sst s0;
	s0 =	simm.s32 @!p1 $0x0  }
0x14: {  	s2 =	sld [smem:$0x3F92];
	s0 =	simm.s32 @p1 $0x1  }
0x15: {  	[smem:$0x3FAF] =	sst s0;
	s0 =	simm.s32 @!p2 $0x0  }
0x16: {  	s3 =	sld [smem:$0x3FDB];
	s0 =	simm.s32 @p2 $0x1  }
0x17: {  	s4 =	simm.s32 $0x1BF5;
	[smem:$0x3FB1] =	sst s0  }
0x18: {  	s0 =	sld [smem:$0x3F94];
	_ =	swait.ge [sflag:s4], $0x0  }
0x19: {  	s7 =	sld [smem:$0x3F95]  }
0x1a: {  	s8 =	sadd.s32 $0xFFFFE003, lr  }
0x1b: {  	s9 =	sadd.s32 $0xFFFFFEF7, lr;
	s5 =	simm.s32 $0xFFFFFFFF;
	p2 =	slt.u32 s8, $0xFFFFF086  }
0x1c: {  	p1 =	slt.u32 s9, $0xF7A;
	s5 =	simm.s32 @!p2 $0x0  }
0x1d: {  	s5 =	simm.s32 @p1 $0x1;
	p0 =	seq.s32 s7, s2  }
0x1e: {  	s7 =	smul.u32 @!p0 $0xF7A, s2;
	p2 =	seq.s32 @!p0 s5, $0x0  }
0x1f: {  	s9 =	smul.u32 $0xF7A, s1;
	s8 =	simm.s32 @!p0 $0x1BF5;
	p2 =	por !p2, p0  }
0x20: {  	[sflag:s8] =	ssyncset.s32 @!p0 $0xFFFFF086;
	s6 =	sadd.s32 @!p0 s3, s7;
	s7 =	simm.s32 @!p0 $0x108  }
0x21: {  	s3 =	sadd.s32 s3, s9;
	s6 =	sadd.s32 @!p0 $0x88, s6;
	s7 =	simm.s32 @p2 $0x1082  }
0x22: {  	[simem:s7], [sflag:s8] =	dma.local @!p0 [hbm:s6], $0xF7A  }
0x23: {  	s9 =	sor.u32 $0xD0000000, s2;
	s6 =	simm.s32 $0x108;
	_ =	swait.ge @!p0 [sflag:s8], $0x0  }
0x24: {  	s3 =	sadd.s32 $0x88, s3;
	s6 =	simm.s32 @!p1 $0x1082;
	[sflag:s4] =	ssyncset.s32 $0xFFFFF086  }
0x25: {  	[simem:s6], [sflag:s4] =	dma.local [hbm:s3], $0xF7A  }
0x26: {  	[smem:$0x3F95] =	sst s1;
	(tag) =	ssettag s2;
	_ =	strace s9  }
0x27: {  	s1 =	sld [smem:$0x3FA5]  }
0x28: {  	s2 =	sld [smem:$0x3FA6]  }
0x29: {  	s4 =	sld [smem:$0x3FA8]  }
0x2a: {  	p0 =	seq.s32 s5, $0x0;
	s5 =	sld [smem:$0x3FA9]  }
0x2b: {  	s6 =	sld [smem:$0x3FAA]  }
0x2c: {  	s7 =	sld [smem:$0x3FAB]  }
0x2d: {  	s3 =	simm.s32 $0x108;
	s8 =	sld [smem:$0x3FAC]  }
0x2e: {  	s3 =	simm.s32 @!p0 $0x1082;
	s9 =	sld [smem:$0x3FAD]  }
0x2f: {  	lr =	sadd.s32 s0, s3;
	s0 =	sld [smem:$0x3FA4]  }
0x30: {  	s3 =	sld [smem:$0x3FA7]  }
0x31: {  	[smem:$0x3FB0] =	sst s10  }
0x32: {  	s10 =	sld [smem:$0x3FAE];
	_ =	sdelay $0x3  }
0x33: {  	p0 =	seq.s32 s10, $0x1;
	s10 =	sld [smem:$0x3FB0];
	_ =	sdelay $0x3  }
0x34: {  	[smem:$0x3FB0] =	sst s10  }
0x35: {  	s10 =	sld [smem:$0x3FAF];
	_ =	sdelay $0x3  }
0x36: {  	p1 =	seq.s32 s10, $0x1;
	s10 =	sld [smem:$0x3FB0];
	_ =	sdelay $0x3  }
0x37: {  	[smem:$0x3FB0] =	sst s10  }
0x38: {  	s10 =	sld [smem:$0x3FB1]  }
0x39: {  	_ = 	snop;
	(pc) =	sbr.ind lr, $3  }
0x3a: {  	_ = 	snop  }
0x3b: {  	_ = 	snop  }
0x3c: {  	p2 =	seq.s32 s10, $0x1;
	s10 =	sld [smem:$0x3FB0]  }
0x3d: {  	_ =	shalt  }
0x3e: {  	_ =	shalt  }
0x3f: {  	_ =	shalt  }
0x40: {  	_ =	shalt  }
0x41: {  	_ =	shalt  }
0x42: {  	_ =	shalt  }
0x43: {  	_ =	shalt  }
0x44: {  	_ =	shalt  }
0x45: {  	_ =	shalt  }
0x46: {  	_ =	shalt  }
0x47: {  	_ =	shalt  }
0x48: {  	_ =	shalt  }
0x49: {  	_ =	shalt  }
0x4a: {  	_ =	shalt  }
0x4b: {  	_ =	shalt  }
0x4c: {  	_ =	shalt  }
0x4d: {  	_ =	shalt  }
0x4e: {  	_ =	shalt  }
0x4f: {  	_ =	shalt  }
0x50: {  	_ =	shalt  }
0x51: {  	_ =	shalt  }
0x52: {  	_ =	shalt  }
0x53: {  	_ =	shalt  }
0x54: {  	_ =	shalt  }
0x55: {  	_ =	shalt  }
0x56: {  	_ =	shalt  }
0x57: {  	_ =	shalt  }
0x58: {  	_ =	shalt  }
0x59: {  	_ =	shalt  }
0x5a: {  	_ =	shalt  }
0x5b: {  	_ =	shalt  }
0x5c: {  	_ =	shalt  }
0x5d: {  	_ =	shalt  }
0x5e: {  	_ =	shalt  }
0x5f: {  	_ =	shalt  }
0x60: {  	_ =	shalt  }
0x61: {  	_ =	shalt  }
0x62: {  	_ =	shalt  }
0x63: {  	_ =	shalt  }
0x64: {  	_ =	shalt  }
0x65: {  	_ =	shalt  }
0x66: {  	_ =	shalt  }
0x67: {  	_ =	shalt  }
0x68: {  	_ =	shalt  }
0x69: {  	_ =	shalt  }
0x6a: {  	_ =	shalt  }
0x6b: {  	_ =	shalt  }
0x6c: {  	_ =	shalt  }
0x6d: {  	_ =	shalt  }
0x6e: {  	_ =	shalt  }
0x6f: {  	_ =	shalt  }
0x70: {  	_ =	shalt  }
0x71: {  	_ =	shalt  }
0x72: {  	_ =	shalt  }
0x73: {  	_ =	shalt  }
0x74: {  	_ =	shalt  }
0x75: {  	_ =	shalt  }
0x76: {  	_ =	shalt  }
0x77: {  	_ =	shalt  }
0x78: {  	_ =	shalt  }
0x79: {  	_ =	shalt  }
0x7a: {  	_ =	shalt  }
0x7b: {  	_ =	shalt  }
0x7c: {  	_ =	shalt  }
0x7d: {  	_ =	shalt  }
0x7e: {  	_ =	shalt  }
0x7f: {  	_ =	shalt  }
0x80: {  	_ =	shalt  }
0x81: {  	_ =	shalt  }
0x82: {  	_ =	shalt  }
0x83: {  	_ =	shalt  }
0x84: {  	_ =	shalt  }
0x85: {  	_ =	shalt  }
0x86: {  	_ =	shalt  }
0x87: {  	_ =	shalt  }
.Lfunc_end0:
.L_simem_size_0:
called_computation_lowered:
.L_overlay_start_0:
0x88: {  	s2 =	sld [smem:$0x3FD9]  }
0x89: {  	s3 =	sld [smem:$0x3FFE];
	_ =	sdelay $0x1  }
0x8a: {  	s1 =	srdreg.scid  }
0x8b: {  	s0 =	sand.u32 $0x1, s1  }
0x8c: {  	s16 =	sshll.u32 s0, $0xA;
	s2 =	sadd.s32 s3, s2  }
0x8d: {  	s2 =	sadd.s32 s2, s16  }
0x8e: {  	[smem:$0x3FBC] =	sst s2  }
0x8f: {  	_ = 	snop  }
0x90: {  	(tm) =	ssettm $0x1  }
0x91: {  	s17 =	sld [smem:$0x3FFB];
	_ =	sdelay $0x3  }
0x92: {  	_ =	strace s17  }
0x93: {  	s2 =	sld [smem:$0x3FFC];
	_ =	sdelay $0x3  }
0x94: {  	_ =	strace s2  }
0x95: {  	s2 =	sld [smem:$0x3FFD];
	_ =	sdelay $0x3  }
0x96: {  	_ =	strace s2  }
0x97: {  	_ =	strace $0x8FFFFFFF  }
0x98: {  	s18 =	sld [smem:$0x3FDB];
	_ =	sdelay $0x1  }
0x99: {  	s19 =	simm.s32 $_scs_section_size  }
0x9a: {  	s4 =	simm.s32 $_size__tile_overlayer_lowered;
	s5 =	simm.s32 $_tile_overlayer_lowered  }
0x9b: {  	s22 =	simm.s32 $0x1BFF;
	s21 =	sshll.u32 s5, $0x1;
	s2 =	sadd.s32 s19, s18  }
0x9c: {  	s6 =	simm.s32 $0x0;
	s20 =	sshll.u32 s4, $0x1;
	s4 =	sadd.s32 s21, s2  }
0x9d: {  	[timem:s6], [sflag:s22] =	dma.local [hbm:s4], s20  }
0x9e: {  	_ =	swait.ge [sflag:s22], s20  }
0x9f: {  	s3 =	ssub.s32 $0x0, s20;
	[sflag:s22] =	ssyncset.done $0x0  }
0xa0: {  	[sflag:s22] =	ssyncadd.s32 s3;
	_ =	sdelay $0x1  }
0xa1: {  	s23 =	simm.s32 $0x1B8B  }
0xa2: {  	_ =	swait.ge [sflag:s23], $0x1  }
0xa3: {  	[sflag:s23] =	ssyncset.done $0x0  }
0xa4: {  	s25 =	simm.s32 $0x1B8E;
	s24 =	sld [smem:$0x3FFE];
	[sflag:s23] =	ssyncadd.s32 $0xFFFFFFFF  }
0xa5: {  	s26 =	simm.s32 $execute0_lowered;
	[smem:$0x3FD2] =	sst s25  }
0xa6: {  	s4 =	sshll.u32 s26, $0x1;
	_ =	strace $0x80000046;
	[dreg:$0x1] =	wrdreg $0xFFFFFFFF  }
0xa7: {  	s28 =	simm.s32 $_size_execute0_lowered;
	s2 =	sadd.s32 s2, s4;
	[dreg:$0x0] =	wrdreg $0x0  }
0xa8: {  	s4 =	sshll.u32 s28, $0x1;
	[dreg:$0x2] =	wrdreg s2  }
0xa9: {  	[dreg:$0x3] =	wrdreg s4  }
0xaa: {  	[dreg:$0x4] =	wrdreg $0xC0  }
0xab: {  	_ =	task [dreg:s6], $0x5FFFF  }
0xac: {  	[dreg:$0x1] =	wrdreg $0xFFFFFFFF  }
0xad: {  	[dreg:$0x0] =	wrdreg $0x60  }
0xae: {  	[dreg:$0x2] =	wrdreg s24  }
0xaf: {  	[dreg:$0x3] =	wrdreg $0x68000  }
0xb0: {  	[dreg:$0x4] =	wrdreg $0x9  }
0xb1: {  	_ =	task.clear_ibuf [dreg:s6], $0x5FFFF;
	_ =	strace $0x90000046  }
0xb2: {  	s29 =	simm.s32 $0x9;
	_ =	strace $0x80000048  }
0xb3: {  	_ =	swait.ge [sflag:s29], $0x1  }
0xb4: {  	[sflag:s29] =	ssyncadd.s32 $0xFFFFFFFF  }
0xb5: {  	_ =	strace $0x90000048  }
0xb6: {  	_ =	sfence  }
0xb7: {  	s30 =	sld [smem:$0x0];
	_ =	sdelay $0x2  }
0xb8: {  	s31 =	sshll.u32 s1, $0xD;
	s1 =	sshrl.u32 s1, $0x2  }
0xb9: {  	s3 =	sand.u32 $0x4000, s31;
	s1 =	sadd.s32 s1, s30  }
0xba: {  	s0 =	sor.u32 s3, s0;
	s1 =	sshll.u32 s1, $0x11  }
0xbb: {  	s0 =	sor.u32 s1, s0  }
0xbc: {  	s0 =	sadd.s32 $0x8F2B, s0  }
0xbd: {  	[sflag:s0] =	ssyncadd.remote.s32 $0x1  }
0xbe: {  	_ =	sfence.sel $0xFFFF  }
0xbf: {  	[dreg:$0x0] =	wrdreg $0xFFFFFFFF;
	(pc) =	sbr.abs _section_cstart, $3  }
0xc0: {  	[dreg:$0x1] =	wrdreg $0xFFFFFFFF  }
0xc1: {  	_ =	task.clear_ibuf [dreg:s6], $0x2FFFF;
	_ =	strace $0x9FFFFFFF  }
0xc2: {  	(tm) =	ssettm $0x7FFFFFFF  }
0xc3: {  	_ =	shalt  }
tec
execute0_lowered:
.L_overlay_start_1:
0x0: {  	(tag) =	ssettag $0x1  }
0x1: {  	s5 =	rddreg [dreg:$0x0]  }
0x2: {  	s1 =	srdreg.scid;
	s0 =	stileid.u32  }
0x3: {  	s2 =	rddreg [dreg:$0x1];
	s3 =	simm.s32 $0x0;
	s10 =	simm.s32 $0x39400  }
0x4: {  	s11 =	simm.s32 $0x3800;
	s12 =	simm.s32 $0x1;
	s15 =	simm.s32 $0x0  }
0x5: {  	s4 =	sand.u32 $0x1, s1;
	s1 =	rddreg [dreg:$0x2];
	s8 =	smul.u32 $0x4F000, s0  }
0x6: {  	s6 =	sshll.u32 s0, $0x1;
	[smem:$0x7FF] =	sst s3;
	s30 =	smul.u32 $0x2780, s0  }
0x7: {  	s13 =	sshll.u32 s0, $0x6;
	s6 =	sor.u32 s4, s6;
	_ =	strace $0x80000047  }
0x8: {  	s7 =	ssub.s32 $0x2, s4;
	p0 =	seq.s32 s4, $0x1;
	s13 =	sor.u32 $0x1C02, s13  }
0x9: {  	s6 =	smul.u32 $0x700, s6;
	s9 =	sshrl.u32 s7, $0x1;
	s29 =	sshrl.u32 s8, $0x2  }
0xa: {  	s10 =	simm.s32 @!p0 $0x11C00;
	s8 =	simm.s32 $0x8F80;
	s7 =	ssub.s32 s7, s9  }
0xb: {  	s4 =	sadd.s32 s29, s2;
	s31 =	sadd.s32 s10, s5;
	s9 =	simm.s32 $0x2  }
0xc: {  	s10 =	simm.s32 $0x60;
	s6 =	sadd.s32 s6, s5;
	s14 =	sshrl.u32 s4, $0x3  }
0xd: {  	v0 =	vimm.f32 $1.000000000e+00;
	v1 =	vimm.f32 $0.0e+00;
	s5 =	sadd.s32 $0x3C00, s6;
	s6 =	smax.u32 s7, $0x1;
	s7 =	sadd.s32 s31, s30  }
.LBB2_1:
0xe: {  	s16 =	simm.s32 $0x0  }
.LBB2_2:
0xf: {  	p0 =	sne.s32 s16, $0xBE00  }
.Ltmp0:
0x10: {  	_ = 	snop;
	(pc) =	sbr.rel @p0 .LBB2_2-.Ltmp0, $3  }
0x11: {  	_ =	sdelay $0x1  }
0x12: {  	s17 =	sshra.s32 s16, $0x2  }
0x13: {  	s16 =	sadd.s32 $0x200, s16;
	[tilespmem:s17+$0x3800] =	vst v0  }
0x14: {  	s16 =	simm.s32 $0x200;
	s17 =	simm.s32 $0x0  }
.LBB2_4:
0x15: {  	p0 =	sne.s32 s16, $0x4EE00;
	[tilespmem:s17+$0x8F80] =	vst v1;
	s17 =	smov.u32 s16;
	s16 =	sadd.s32 $0x200, s16  }
.Ltmp1:
0x16: {  	(pc) =	sbr.rel @p0 .LBB2_4-.Ltmp1, $2  }
0x17: {  	_ =	sdelay $0x2  }
0x18: {  	s17 =	sshra.s32 s17, $0x2  }
0x19: {  	[tilespmem:s17+$0x8F80] =	vst v1  }
0x1a: {  	[spmem:s4] =	stream.linear.scatter [tilespmem:s8], [sflag:$0x2], $0x13C00, $0x38;
	[tilespmem:$0x1CB80] =	vst v63  }
0x1b: {  	_ =	swait.ge [sflag:s9], $0x13C00  }
0x1c: {  	[sflag:s9] =	ssyncset.done $0x0  }
0x1d: {  	[sflag:s9] =	ssyncadd.s32 $0xFFFEC400  }
0x1e: {  	[bflag:$0x0] =	sbarrier.arrive $0xFFFF  }
0x1f: {  	[tilespmem:s3], [sflag:$0x2] =	stream.linear.gather [hbm4b:s5+s3], $0x3480, $0x38;
	[tilespmem:$0x1CB80] =	vst v63  }
0x20: {  	_ =	swait.ge [sflag:s9], $0x3480  }
0x21: {  	[sflag:s9] =	ssyncset.done $0x0  }
0x22: {  	[sflag:s9] =	ssyncadd.s32 $0xFFFFCB80  }
0x23: {  	[spmem:s2] =	stream.indirect.scatter.add.f32 [tilespmem:s11], [sflag:$0x1], $0x10, s3, s10, $0xb8;
	[tilespmem:$0x1CB80] =	vst v63  }
0x24: {  	s16 =	simm.s32 $0x80  }
0x25: {  	[spmem:s2] =	stream.indirect.scatter.add.f32 [tilespmem:s11], [sflag:$0x1], $0x10, s16, s10, $0xb8;
	[tilespmem:$0x1CB80] =	vst v63  }
0x26: {  	_ =	swait.ge [sflag:s12], $0x600  }
0x27: {  	s16 =	simm.s32 $0x400;
	[sflag:s12] =	ssyncset.done $0x0  }
.LBB2_6:
0x28: {  	s17 =	sshra.s32 s16, $0x2;
	[sflag:s12] =	ssyncadd.s32 $0xFFFFFA00;
	p0 =	sne.s32 s16, $0xD000  }
0x29: {  	[spmem:s2] =	stream.indirect.scatter.add.f32 [tilespmem:s11], [sflag:$0x1], $0x10, s17, s10, $0xb8;
	[tilespmem:$0x1CB80] =	vst v63  }
.Ltmp2:
0x2a: {  	_ = 	snop;
	(pc) =	sbr.rel @p0 .LBB2_6-.Ltmp2, $4  }
0x2b: {  	_ = 	snop  }
0x2c: {  	s16 =	sadd.s32 $0x200, s16  }
0x2d: {  	_ =	swait.ge [sflag:s12], $0x600  }
0x2e: {  	[sflag:s12] =	ssyncset.done $0x0  }
0x2f: {  	[sflag:s12] =	ssyncadd.s32 $0xFFFFFA00  }
0x30: {  	_ =	swait.ge [sflag:s12], $0x600  }
0x31: {  	s15 =	sadd.s32 $0x1, s15;
	[sflag:s12] =	ssyncset.done $0x0  }
0x32: {  	p0 =	sne.s32 s15, s6;
	[sflag:s12] =	ssyncadd.s32 $0xFFFFFA00  }
.Ltmp3:
0x33: {  	[bflag:$0x0] =	sbarrier.arrive $0xFFFF;
	(pc) =	sbr.rel @p0 .LBB2_1-.Ltmp3, $4  }
0x34: {  	[hbm:s7], [sflag:s13] =	dma.local [spmem:s14], $0x2780  }
0x35: {  	_ =	swait.ge [sflag:s9], $0x2780  }
0x36: {  	[sflag:s9] =	ssyncset.done $0x0  }
0x37: {  	[sflag:s9] =	ssyncadd.s32 $0xFFFFD880  }
0x38: {  	_ =	sfence.sel $0x180000  }
0x39: {  	[bflag:$0x0] =	sbarrier.arrive $0xFFFF  }
0x3a: {  	p0 =	sne.s32 s0, $0x0;
	_ =	strace $0x90000047  }
0x3b: {  	s0 =	sadd.s32 @!p0 $0x100000, s1;
	[bflag:$0x2] =	sbarrier.arrive $0xFFFF  }
0x3c: {  	[sflag:s0] =	ssyncadd.tile.s32 @!p0 $0x1;
	_ =	shalt  }
.Lfunc_end2:
_tile_overlayer_lowered:
.L_overlay_start_2:
0x3d: {  	(tag) =	ssettag $0x2  }
0x3e: {  	s0 =	rddreg [dreg:$0x0];
	s2 =	stileid.u32  }
0x3f: {  	s1 =	rddreg [dreg:$0x1];
	p0 =	sne.s32 s2, $0x0  }
0x40: {  	s3 =	rddreg [dreg:$0x2];
	[bflag:$0x3] =	sbarrier.arrive $0xFFFF;
	s2 =	simm.s32 @!p0 $0x1C02  }
0x41: {  	[timem:s3], [sflag:s2] =	dma.local @!p0 [hbm:s0], s1  }
0x42: {  	s0 =	simm.s32 @!p0 $0x2  }
0x43: {  	_ =	swait.ge @!p0 [sflag:s0], s1  }
0x44: {  	s1 =	ssub.s32 @!p0 $0x0, s1;
	[sflag:s0] =	ssyncset.done @!p0 $0x0  }
0x45: {  	[sflag:s0] =	ssyncadd.s32 @!p0 s1  }
0x46: {  	[bflag:$0x3] =	sbarrier.arrive $0xFFFF  }
0x47: {  	_ =	shalt  }

</sc_bundles>
